<compile_context>
chip_gen: v7x
topology: tpu7x:2x2x1
jax: 0.10.2.dev20260603
libtpu: 0.0.44.dev20260713+nightly
codegen_flags: <defaults>
</compile_context>

<pallas_src>
import functools
import math

import jax
import jax.numpy as jnp
from jax import lax
from jax.experimental import pallas as pl
from jax.experimental.pallas import tpu as pltpu
from jax.experimental.pallas import tpu_sc as plsc

F32 = jnp.float32
I32 = jnp.int32

NW = 32
NCORES = 2
NSUB = 16
B = 128
CW = 16


def _scatter_kernel(n_tab, es, dc, nb, with_counts):
  rz = es // NSUB

  out_type = [jax.ShapeDtypeStruct((NCORES * n_tab * es, dc), F32)]
  scratch = [
      pltpu.VMEM((nb, B), I32),
      pltpu.VMEM((nb, B), I32),
      pltpu.VMEM((B, dc), F32),
      pltpu.VMEM((B, dc), F32),
      pltpu.VMEM_SHARED((es, dc), F32),
      pltpu.SemaphoreType.DMA,
      pltpu.SemaphoreType.DMA,
      pltpu.SemaphoreType.DMA,
      pltpu.SemaphoreType.DMA,
      pltpu.SemaphoreType.DMA,
  ]
  if with_counts:
    out_type.append(jax.ShapeDtypeStruct((NCORES * es, CW), F32))
    scratch.insert(4, pltpu.VMEM((B, CW), F32))
    scratch.insert(6, pltpu.VMEM_SHARED((es, CW), F32))

  mesh = plsc.VectorSubcoreMesh(core_axis_name="c", subcore_axis_name="s")

  @functools.partial(
      pl.kernel, mesh=mesh, out_type=tuple(out_type), scratch_types=scratch,
      compiler_params=pltpu.CompilerParams(use_tc_tiling_on_sc=False))
  def scatter(*refs):
    tabs = refs[:n_tab]
    rest = refs[n_tab:]
    if with_counts:
      (gidx_h, sidx_h, ones_h, zrows_h, zcnt_h, out_s, out_c,
       gidx_v, sidx_v, rows0_v, rows1_v, ones_v, acc, cnt,
       gsem0, gsem1, ssem0, ssem1, csem) = rest
    else:
      (gidx_h, sidx_h, zrows_h, out_s,
       gidx_v, sidx_v, rows0_v, rows1_v, acc,
       gsem0, gsem1, ssem0, ssem1, csem) = rest
      cnt = ones_v = out_c = zcnt_h = None

    cid = lax.axis_index("c")
    sid = lax.axis_index("s")
    wid = sid * NCORES + cid

    pltpu.sync_copy(gidx_h.at[wid], gidx_v)
    pltpu.sync_copy(sidx_h.at[wid], sidx_v)
    if with_counts:
      pltpu.sync_copy(ones_h, ones_v)

    for k in range(n_tab):
      pltpu.sync_copy(zrows_h, acc.at[pl.ds(sid * rz, rz)])
      if with_counts and k == 0:
        pltpu.sync_copy(zcnt_h, cnt.at[pl.ds(sid * rz, rz)])
      plsc.subcore_barrier()

      tk = tabs[k]
      do_cnt = with_counts and k == 0

      def pair_body(i, refill):
        for (jj, rows, gsem, ssem) in (
            (2 * i, rows0_v, gsem0, ssem0),
            (2 * i + 1, rows1_v, gsem1, ssem1)):
          pltpu.make_async_copy(tk.at[gidx_v.at[jj]], rows, gsem).wait()
          pltpu.async_copy(rows, acc.at[sidx_v.at[jj]], ssem, add=True)
          if do_cnt:
            pltpu.async_copy(ones_v, cnt.at[sidx_v.at[jj]], csem, add=True)
        for (jj, rows, gsem, ssem) in (
            (2 * i, rows0_v, gsem0, ssem0),
            (2 * i + 1, rows1_v, gsem1, ssem1)):
          pltpu.make_async_copy(rows, acc.at[sidx_v.at[jj]], ssem).wait()
          if refill:
            pltpu.async_copy(tk.at[gidx_v.at[jj + 2]], rows, gsem)
          if do_cnt:
            pltpu.make_async_copy(ones_v, cnt.at[sidx_v.at[jj]], csem).wait()

      pltpu.async_copy(tk.at[gidx_v.at[0]], rows0_v, gsem0)
      pltpu.async_copy(tk.at[gidx_v.at[1]], rows1_v, gsem1)
      lax.fori_loop(0, nb // 2 - 1,
                    lambda i, c: (pair_body(i, True), c)[1], 0)
      pair_body(nb // 2 - 1, False)
      plsc.subcore_barrier()

      base = (cid * n_tab + k) * es + sid * rz
      pltpu.sync_copy(acc.at[pl.ds(sid * rz, rz)], out_s.at[pl.ds(base, rz)])
      if do_cnt:
        cbase = cid * es + sid * rz
        pltpu.sync_copy(cnt.at[pl.ds(sid * rz, rz)],
                        out_c.at[pl.ds(cbase, rz)])

  return scatter


def _edge_scale_body(p_ref, c_ref, de_ref, o_ref):
  p = p_ref[0] + p_ref[1]
  c = c_ref[0, :, 0:1] + c_ref[1, :, 0:1]
  scale = de_ref[...] / jnp.maximum(c, 1.0)
  o_ref[0] = jnp.concatenate(
      [p[k] * scale for k in range(p.shape[0])], axis=1)


def _tail_body(a_ref, b_ref, pv_ref, dv_ref, x0_ref, w_ref, o_ref):
  x = pv_ref[0] + pv_ref[1]
  xv = jnp.concatenate([x[k] for k in range(x.shape[0])], axis=1)
  xv = xv * dv_ref[...]
  g = 0.5 * xv * (1.0 + lax.erf(xv * (1.0 / math.sqrt(2.0))))
  a = a_ref[0, 0]
  b = b_ref[0, 0]
  xi = (1.0 - a) * g + a * x0_ref[...]
  o_ref[...] = (1.0 - b) * xi + b * lax.dot_general(
      xi, w_ref[...], (((1,), (1,)), ((), ())), preferred_element_type=F32)


def kernel(X, vertex, edges, degE, degV, alpha, beta, X0, W):
  N, d = X.shape
  E = degE.shape[0]
  nnz = vertex.shape[0]
  assert d == 256 and N % NSUB == 0

  DCA = 64
  KA = d // DCA
  DCC = 128
  KC = d // DCC
  ES = -(-(E + 1) // 128) * 128
  NS = -(-(N + 1) // 128) * 128
  PAIRS = ((nnz + NW * B - 1) // (NW * B)) * NW * B
  NB = PAIRS // (NW * B)

  Xp = jnp.pad(X, ((0, NS - N), (0, 0)))
  tabsA = tuple(Xp[:, k * DCA:(k + 1) * DCA] for k in range(KA))
  npad = PAIRS - nnz
  vp = jnp.concatenate([vertex, jnp.full((npad,), N, I32)]).reshape(NW, NB, B)
  ep = jnp.concatenate([edges, jnp.full((npad,), E, I32)]).reshape(NW, NB, B)
  ones_src = jnp.ones((B, CW), F32)
  zA = jnp.zeros((ES // NSUB, DCA), F32)
  zAc = jnp.zeros((ES // NSUB, CW), F32)
  zC = jnp.zeros((NS // NSUB, DCC), F32)

  phA = _scatter_kernel(KA, ES, DCA, NB, with_counts=True)
  sums_flat, cnt_flat = phA(*tabsA, vp, ep, ones_src, zA, zAc)
  partial = sums_flat.reshape(NCORES, KA, ES, DCA)
  cnts = cnt_flat.reshape(NCORES, ES, CW)

  degE_p = jnp.pad(degE, (0, ES - E)).reshape(ES, 1)
  RBE = ES // 8
  nsub_a = DCC // DCA
  xe = pl.pallas_call(
      _edge_scale_body,
      grid=(KC, ES // RBE),
      in_specs=[
          pl.BlockSpec((NCORES, nsub_a, RBE, DCA), lambda k, j: (0, k, j, 0)),
          pl.BlockSpec((NCORES, RBE, CW), lambda k, j: (0, j, 0)),
          pl.BlockSpec((RBE, 1), lambda k, j: (j, 0)),
      ],
      out_specs=pl.BlockSpec((1, RBE, DCC), lambda k, j: (k, j, 0)),
      out_shape=jax.ShapeDtypeStruct((KC, ES, DCC), F32),
  )(partial, cnts, degE_p)
  tabsC = tuple(xe[k] for k in range(KC))

  phC = _scatter_kernel(KC, NS, DCC, NB, with_counts=False)
  (pv_flat,) = phC(*tabsC, ep, vp, zC)
  pv = pv_flat.reshape(NCORES, KC, NS, DCC)

  RBN = 400
  a2 = jnp.reshape(jnp.asarray(alpha, F32), (1, 1))
  b2 = jnp.reshape(jnp.asarray(beta, F32), (1, 1))
  degV2 = degV.reshape(N, 1)
  out = pl.pallas_call(
      _tail_body,
      grid=(N // RBN,),
      in_specs=[
          pl.BlockSpec(memory_space=pltpu.SMEM),
          pl.BlockSpec(memory_space=pltpu.SMEM),
          pl.BlockSpec((NCORES, KC, RBN, DCC), lambda j: (0, 0, j, 0)),
          pl.BlockSpec((RBN, 1), lambda j: (j, 0)),
          pl.BlockSpec((RBN, d), lambda j: (j, 0)),
          pl.BlockSpec((d, d), lambda j: (0, 0)),
      ],
      out_specs=pl.BlockSpec((RBN, d), lambda j: (j, 0)),
      out_shape=jax.ShapeDtypeStruct((N, d), F32),
  )(a2, b2, pv, degV2, X0, W)
  return out

# --- scband reference (transcript-rebuilt; emitter-appended) ---
"""Pipeline reference for scband-uni-gcniiconv-82128364634685 (READ-ONLY COPY).

The authoritative reference and input builder live on the scoring server;
editing this copy changes nothing except your own understanding.
"""

import jax, jax.numpy as jnp
import numpy as np


def setup_inputs(seed: int = 0) -> dict:
    key = jax.random.key(seed)
    ks = jax.random.split(key, 8)
    N, d, nnz, E = 10000, 256, 160000, 20000
    X = jax.random.normal(ks[0], (N, d), dtype=jnp.float32)
    X0 = jax.random.normal(ks[1], (N, d), dtype=jnp.float32)
    vertex = jax.random.randint(ks[2], (nnz,), 0, N, dtype=jnp.int32)
    edges = jax.random.randint(ks[3], (nnz,), 0, E, dtype=jnp.int32)
    degE = jax.random.uniform(ks[4], (E,), dtype=jnp.float32)
    degV = jax.random.uniform(ks[5], (N,), dtype=jnp.float32)
    bound = 1.0 / np.sqrt(d)
    # nn.Linear(in_features=256, out_features=256, bias=False): weight shape [out, in]
    W = jax.random.uniform(ks[6], (d, d), dtype=jnp.float32, minval=-bound, maxval=bound)
    return {"X": X, "vertex": vertex, "edges": edges, "degE": degE,
            "degV": degV, "alpha": 0.1, "beta": 0.5, "X0": X0, "W": W}


def reference(X, vertex, edges, degE, degV, alpha, beta, X0, W):
    N = X.shape[0]
    E = degE.shape[0]
    # Xve = X[vertex]; Xe = scatter_mean(Xve, edges)
    Xve = jnp.take(X, vertex, axis=0)
    sums = jax.ops.segment_sum(Xve, edges, num_segments=E)
    counts = jax.ops.segment_sum(jnp.ones((edges.shape[0],), dtype=X.dtype), edges, num_segments=E)
    Xe = sums / jnp.clip(counts, 1.0, None)[:, None]
    Xe = Xe * degE[:, None]
    # Xev = Xe[edges]; Xv = scatter_sum(Xev, vertex, dim_size=N)
    Xev = jnp.take(Xe, edges, axis=0)
    Xv = jax.ops.segment_sum(Xev, vertex, num_segments=N)
    Xv = Xv * degV[:, None]
    Xg = jax.nn.gelu(Xv, approximate=False)
    # use_norm=False, so no l2 row-normalization
    Xi = (1.0 - alpha) * Xg + alpha * X0
    out = (1.0 - beta) * Xi + beta * (Xi @ W.T)
    return out

if __name__ == "__main__":
    import jax
    _d = setup_inputs()
    print(jax.jit(kernel)(*tuple(_d.values())))

</pallas_src>

<mosaic_0001>
#map = affine_map<(d0, d1) -> (0, 0)>
#map1 = affine_map<(d0, d1) -> (0, 0, 0)>
module attributes {stable_mosaic.version = 14 : i64} {
  func.func @scatter(%arg0: i32, %arg1: i32, %arg2: memref<10112x64xf32, #tpu.memory_space<hbm>>, %arg3: memref<10112x64xf32, #tpu.memory_space<hbm>>, %arg4: memref<10112x64xf32, #tpu.memory_space<hbm>>, %arg5: memref<10112x64xf32, #tpu.memory_space<hbm>>, %arg6: memref<32x40x128xi32, #tpu.memory_space<hbm>>, %arg7: memref<32x40x128xi32, #tpu.memory_space<hbm>>, %arg8: memref<128x16xf32, #tpu.memory_space<hbm>>, %arg9: memref<1256x64xf32, #tpu.memory_space<hbm>>, %arg10: memref<1256x16xf32, #tpu.memory_space<hbm>>, %arg11: memref<160768x64xf32, #tpu.memory_space<hbm>>, %arg12: memref<40192x16xf32, #tpu.memory_space<hbm>>, %arg13: memref<40x128xi32, #tpu.memory_space<vmem>>, %arg14: memref<40x128xi32, #tpu.memory_space<vmem>>, %arg15: memref<128x64xf32, #tpu.memory_space<vmem>>, %arg16: memref<128x64xf32, #tpu.memory_space<vmem>>, %arg17: memref<128x16xf32, #tpu.memory_space<vmem>>, %arg18: memref<20096x64xf32, #tpu.memory_space<vmem_shared>>, %arg19: memref<20096x16xf32, #tpu.memory_space<vmem_shared>>, %arg20: memref<!tpu.dma_semaphore, #tpu.memory_space<semaphore_mem>>, %arg21: memref<!tpu.dma_semaphore, #tpu.memory_space<semaphore_mem>>, %arg22: memref<!tpu.dma_semaphore, #tpu.memory_space<semaphore_mem>>, %arg23: memref<!tpu.dma_semaphore, #tpu.memory_space<semaphore_mem>>, %arg24: memref<!tpu.dma_semaphore, #tpu.memory_space<semaphore_mem>>) attributes {dimension_semantics = [#tpu.dimension_semantics<core_parallel>, #tpu.dimension_semantics<subcore_parallel>], iteration_bounds = array<i64: 2, 16>, scalar_prefetch = 0 : i64, scratch_operands = 12 : i64, tpu.core_type = #tpu.core_type<sc_vector_subcore>, window_params = [{transform_indices = #map}, {transform_indices = #map}, {transform_indices = #map}, {transform_indices = #map}, {transform_indices = #map1}, {transform_indices = #map1}, {transform_indices = #map}, {transform_indices = #map}, {transform_indices = #map}, {transform_indices = #map}, {transform_indices = #map}]} {
    %mul3A = arith.constant 2 : i32
    %mul3A_0 = arith.muli %arg1, %mul3A : i32
    %add3A = arith.addi %mul3A_0, %arg0 : i32
    "tpu.region"() ({
      %run_scoped3A = tpu.sem_alloc : memref<!tpu.dma_semaphore, #tpu.memory_space<semaphore_mem>>
      %dma_start3A_342 = arith.constant 0 : i32
      %dma_start3A_343 = arith.constant 0 : i32
      %dma_start3A_344 = tpu.memref_slice %arg6[%add3A, %dma_start3A_342, %dma_start3A_343] : memref<32x40x128xi32, #tpu.memory_space<hbm>> -> memref<1x40x128xi32, #tpu.memory_space<hbm>>
      %dma_start3A_345 = tpu.memref_squeeze %dma_start3A_344 : memref<1x40x128xi32, #tpu.memory_space<hbm>> -> memref<40x128xi32, #tpu.memory_space<hbm>>
      %dma_start3A_346 = arith.constant 0 : i32
      %dma_start3A_347 = arith.constant 0 : i32
      %dma_start3A_348 = tpu.memref_slice %arg6[%add3A, %dma_start3A_346, %dma_start3A_347] : memref<32x40x128xi32, #tpu.memory_space<hbm>> -> memref<1x40x128xi32, #tpu.memory_space<hbm>>
      %dma_start3A_349 = tpu.memref_squeeze %dma_start3A_348 : memref<1x40x128xi32, #tpu.memory_space<hbm>> -> memref<40x128xi32, #tpu.memory_space<hbm>>
      tpu.enqueue_dma source(%dma_start3A_349 : memref<40x128xi32, #tpu.memory_space<hbm>>) target(%arg13 : memref<40x128xi32, #tpu.memory_space<vmem>>) target_semaphore(%run_scoped3A : memref<!tpu.dma_semaphore, #tpu.memory_space<semaphore_mem>>)
      %dma_wait3A_350 = arith.constant 0 : i32
      %dma_wait3A_351 = arith.constant 0 : i32
      %dma_wait3A_352 = tpu.memref_slice %arg6[%add3A, %dma_wait3A_350, %dma_wait3A_351] : memref<32x40x128xi32, #tpu.memory_space<hbm>> -> memref<1x40x128xi32, #tpu.memory_space<hbm>>
      %dma_wait3A_353 = tpu.memref_squeeze %dma_wait3A_352 : memref<1x40x128xi32, #tpu.memory_space<hbm>> -> memref<40x128xi32, #tpu.memory_space<hbm>>
      %dma_wait3A_354 = arith.constant 0 : i32
      %dma_wait3A_355 = arith.constant 0 : i32
      %dma_wait3A_356 = tpu.memref_slice %arg6[%add3A, %dma_wait3A_354, %dma_wait3A_355] : memref<32x40x128xi32, #tpu.memory_space<hbm>> -> memref<1x40x128xi32, #tpu.memory_space<hbm>>
      %dma_wait3A_357 = tpu.memref_squeeze %dma_wait3A_356 : memref<1x40x128xi32, #tpu.memory_space<hbm>> -> memref<40x128xi32, #tpu.memory_space<hbm>>
      tpu.wait_dma2 semaphore(%run_scoped3A : memref<!tpu.dma_semaphore, #tpu.memory_space<semaphore_mem>>) src(%dma_wait3A_357 : memref<40x128xi32, #tpu.memory_space<hbm>>) dst(%arg13 : memref<40x128xi32, #tpu.memory_space<vmem>>)
      tpu.yield
    }) : () -> ()
    "tpu.region"() ({
      %run_scoped3A = tpu.sem_alloc : memref<!tpu.dma_semaphore, #tpu.memory_space<semaphore_mem>>
      %dma_start3A_342 = arith.constant 0 : i32
      %dma_start3A_343 = arith.constant 0 : i32
      %dma_start3A_344 = tpu.memref_slice %arg7[%add3A, %dma_start3A_342, %dma_start3A_343] : memref<32x40x128xi32, #tpu.memory_space<hbm>> -> memref<1x40x128xi32, #tpu.memory_space<hbm>>
      %dma_start3A_345 = tpu.memref_squeeze %dma_start3A_344 : memref<1x40x128xi32, #tpu.memory_space<hbm>> -> memref<40x128xi32, #tpu.memory_space<hbm>>
      %dma_start3A_346 = arith.constant 0 : i32
      %dma_start3A_347 = arith.constant 0 : i32
      %dma_start3A_348 = tpu.memref_slice %arg7[%add3A, %dma_start3A_346, %dma_start3A_347] : memref<32x40x128xi32, #tpu.memory_space<hbm>> -> memref<1x40x128xi32, #tpu.memory_space<hbm>>
      %dma_start3A_349 = tpu.memref_squeeze %dma_start3A_348 : memref<1x40x128xi32, #tpu.memory_space<hbm>> -> memref<40x128xi32, #tpu.memory_space<hbm>>
      tpu.enqueue_dma source(%dma_start3A_349 : memref<40x128xi32, #tpu.memory_space<hbm>>) target(%arg14 : memref<40x128xi32, #tpu.memory_space<vmem>>) target_semaphore(%run_scoped3A : memref<!tpu.dma_semaphore, #tpu.memory_space<semaphore_mem>>)
      %dma_wait3A_350 = arith.constant 0 : i32
      %dma_wait3A_351 = arith.constant 0 : i32
      %dma_wait3A_352 = tpu.memref_slice %arg7[%add3A, %dma_wait3A_350, %dma_wait3A_351] : memref<32x40x128xi32, #tpu.memory_space<hbm>> -> memref<1x40x128xi32, #tpu.memory_space<hbm>>
      %dma_wait3A_353 = tpu.memref_squeeze %dma_wait3A_352 : memref<1x40x128xi32, #tpu.memory_space<hbm>> -> memref<40x128xi32, #tpu.memory_space<hbm>>
      %dma_wait3A_354 = arith.constant 0 : i32
      %dma_wait3A_355 = arith.constant 0 : i32
      %dma_wait3A_356 = tpu.memref_slice %arg7[%add3A, %dma_wait3A_354, %dma_wait3A_355] : memref<32x40x128xi32, #tpu.memory_space<hbm>> -> memref<1x40x128xi32, #tpu.memory_space<hbm>>
      %dma_wait3A_357 = tpu.memref_squeeze %dma_wait3A_356 : memref<1x40x128xi32, #tpu.memory_space<hbm>> -> memref<40x128xi32, #tpu.memory_space<hbm>>
      tpu.wait_dma2 semaphore(%run_scoped3A : memref<!tpu.dma_semaphore, #tpu.memory_space<semaphore_mem>>) src(%dma_wait3A_357 : memref<40x128xi32, #tpu.memory_space<hbm>>) dst(%arg14 : memref<40x128xi32, #tpu.memory_space<vmem>>)
      tpu.yield
    }) : () -> ()
    "tpu.region"() ({
      %run_scoped3A = tpu.sem_alloc : memref<!tpu.dma_semaphore, #tpu.memory_space<semaphore_mem>>
      tpu.enqueue_dma source(%arg8 : memref<128x16xf32, #tpu.memory_space<hbm>>) target(%arg17 : memref<128x16xf32, #tpu.memory_space<vmem>>) target_semaphore(%run_scoped3A : memref<!tpu.dma_semaphore, #tpu.memory_space<semaphore_mem>>)
      tpu.wait_dma2 semaphore(%run_scoped3A : memref<!tpu.dma_semaphore, #tpu.memory_space<semaphore_mem>>) src(%arg8 : memref<128x16xf32, #tpu.memory_space<hbm>>) dst(%arg17 : memref<128x16xf32, #tpu.memory_space<vmem>>)
      tpu.yield
    }) : () -> ()
    %mul3A_1 = arith.constant 1256 : i32
    %mul3A_2 = arith.muli %arg1, %mul3A_1 : i32
    "tpu.region"() ({
      %run_scoped3A = tpu.sem_alloc : memref<!tpu.dma_semaphore, #tpu.memory_space<semaphore_mem>>
      %dma_start3A_342 = arith.constant 0 : i32
      %dma_start3A_343 = tpu.memref_slice %arg18[%mul3A_2, %dma_start3A_342] : memref<20096x64xf32, #tpu.memory_space<vmem_shared>> -> memref<1256x64xf32, #tpu.memory_space<vmem_shared>>
      tpu.enqueue_dma source(%arg9 : memref<1256x64xf32, #tpu.memory_space<hbm>>) target(%dma_start3A_343 : memref<1256x64xf32, #tpu.memory_space<vmem_shared>>) target_semaphore(%run_scoped3A : memref<!tpu.dma_semaphore, #tpu.memory_space<semaphore_mem>>)
      %dma_wait3A_344 = arith.constant 0 : i32
      %dma_wait3A_345 = tpu.memref_slice %arg18[%mul3A_2, %dma_wait3A_344] : memref<20096x64xf32, #tpu.memory_space<vmem_shared>> -> memref<1256x64xf32, #tpu.memory_space<vmem_shared>>
      tpu.wait_dma2 semaphore(%run_scoped3A : memref<!tpu.dma_semaphore, #tpu.memory_space<semaphore_mem>>) src(%arg9 : memref<1256x64xf32, #tpu.memory_space<hbm>>) dst(%dma_wait3A_345 : memref<1256x64xf32, #tpu.memory_space<vmem_shared>>)
      tpu.yield
    }) : () -> ()
    %mul3A_3 = arith.constant 1256 : i32
    %mul3A_4 = arith.muli %arg1, %mul3A_3 : i32
    "tpu.region"() ({
      %run_scoped3A = tpu.sem_alloc : memref<!tpu.dma_semaphore, #tpu.memory_space<semaphore_mem>>
      %dma_start3A_342 = arith.constant 0 : i32
      %dma_start3A_343 = tpu.memref_slice %arg19[%mul3A_4, %dma_start3A_342] : memref<20096x16xf32, #tpu.memory_space<vmem_shared>> -> memref<1256x16xf32, #tpu.memory_space<vmem_shared>>
      tpu.enqueue_dma source(%arg10 : memref<1256x16xf32, #tpu.memory_space<hbm>>) target(%dma_start3A_343 : memref<1256x16xf32, #tpu.memory_space<vmem_shared>>) target_semaphore(%run_scoped3A : memref<!tpu.dma_semaphore, #tpu.memory_space<semaphore_mem>>)
      %dma_wait3A_344 = arith.constant 0 : i32
      %dma_wait3A_345 = tpu.memref_slice %arg19[%mul3A_4, %dma_wait3A_344] : memref<20096x16xf32, #tpu.memory_space<vmem_shared>> -> memref<1256x16xf32, #tpu.memory_space<vmem_shared>>
      tpu.wait_dma2 semaphore(%run_scoped3A : memref<!tpu.dma_semaphore, #tpu.memory_space<semaphore_mem>>) src(%arg10 : memref<1256x16xf32, #tpu.memory_space<hbm>>) dst(%dma_wait3A_345 : memref<1256x16xf32, #tpu.memory_space<vmem_shared>>)
      tpu.yield
    }) : () -> ()
    %barrier3A = arith.constant 0 : index
    tpu.barrier barrier_id(%barrier3A)
    %dma_start3A = arith.constant 0 : i32
    %dma_start3A_5 = arith.constant 0 : i32
    %dma_start3A_6 = tpu.memref_slice %arg13[%dma_start3A, %dma_start3A_5] : memref<40x128xi32, #tpu.memory_space<vmem>> -> memref<1x128xi32, #tpu.memory_space<vmem>>
    %dma_start3A_7 = tpu.memref_squeeze %dma_start3A_6 : memref<1x128xi32, #tpu.memory_space<vmem>> -> memref<128xi32, #tpu.memory_space<vmem>>
    %dma_start3A_8 = arith.constant 0 : i32
    %dma_start3A_9 = arith.constant 0 : i32
    %dma_start3A_10 = tpu.memref_slice %arg2[%dma_start3A_8, %dma_start3A_9] : memref<10112x64xf32, #tpu.memory_space<hbm>> -> memref<10112x64xf32, #tpu.memory_space<hbm>>
    tpu.enqueue_indirect_dma source(%dma_start3A_10 : memref<10112x64xf32, #tpu.memory_space<hbm>>) target(%arg15 : memref<128x64xf32, #tpu.memory_space<vmem>>) offsets(%dma_start3A_7 : memref<128xi32, #tpu.memory_space<vmem>>) semaphore(%arg20 : memref<!tpu.dma_semaphore, #tpu.memory_space<semaphore_mem>>)
    %dma_start3A_11 = arith.constant 1 : i32
    %dma_start3A_12 = arith.constant 0 : i32
    %dma_start3A_13 = tpu.memref_slice %arg13[%dma_start3A_11, %dma_start3A_12] : memref<40x128xi32, #tpu.memory_space<vmem>> -> memref<1x128xi32, #tpu.memory_space<vmem>>
    %dma_start3A_14 = tpu.memref_squeeze %dma_start3A_13 : memref<1x128xi32, #tpu.memory_space<vmem>> -> memref<128xi32, #tpu.memory_space<vmem>>
    %dma_start3A_15 = arith.constant 0 : i32
    %dma_start3A_16 = arith.constant 0 : i32
    %dma_start3A_17 = tpu.memref_slice %arg2[%dma_start3A_15, %dma_start3A_16] : memref<10112x64xf32, #tpu.memory_space<hbm>> -> memref<10112x64xf32, #tpu.memory_space<hbm>>
    tpu.enqueue_indirect_dma source(%dma_start3A_17 : memref<10112x64xf32, #tpu.memory_space<hbm>>) target(%arg16 : memref<128x64xf32, #tpu.memory_space<vmem>>) offsets(%dma_start3A_14 : memref<128xi32, #tpu.memory_space<vmem>>) semaphore(%arg21 : memref<!tpu.dma_semaphore, #tpu.memory_space<semaphore_mem>>)
    %scan3A = arith.constant 0 : i32
    %scan3A_18 = arith.constant 0 : i32
    %scan3A_19 = arith.constant 19 : i32
    %scan3A_20 = arith.addi %scan3A_18, %scan3A_19 : i32
    %scan3A_21 = arith.constant 1 : i32
    scf.for %scan3A_342 = %scan3A_18 to %scan3A_20 step %scan3A_21  : i32 {
      %mul3A_343 = arith.constant 2 : i32
      %mul3A_344 = arith.muli %mul3A_343, %scan3A_342 : i32
      %mul3A_345 = arith.constant 2 : i32
      %mul3A_346 = arith.muli %mul3A_345, %scan3A_342 : i32
      %add3A_347 = arith.constant 1 : i32
      %add3A_348 = arith.addi %mul3A_346, %add3A_347 : i32
      %dma_wait3A_349 = arith.constant 0 : i32
      %dma_wait3A_350 = tpu.memref_slice %arg13[%mul3A_344, %dma_wait3A_349] : memref<40x128xi32, #tpu.memory_space<vmem>> -> memref<1x128xi32, #tpu.memory_space<vmem>>
      %dma_wait3A_351 = tpu.memref_squeeze %dma_wait3A_350 : memref<1x128xi32, #tpu.memory_space<vmem>> -> memref<128xi32, #tpu.memory_space<vmem>>
      %dma_wait3A_352 = arith.constant 0 : i32
      %dma_wait3A_353 = arith.constant 0 : i32
      %dma_wait3A_354 = tpu.memref_slice %arg2[%dma_wait3A_352, %dma_wait3A_353] : memref<10112x64xf32, #tpu.memory_space<hbm>> -> memref<10112x64xf32, #tpu.memory_space<hbm>>
      tpu.wait_indirect_dma semaphore(%arg20 : memref<!tpu.dma_semaphore, #tpu.memory_space<semaphore_mem>>) src(%dma_wait3A_354 : memref<10112x64xf32, #tpu.memory_space<hbm>>) dst(%arg15 : memref<128x64xf32, #tpu.memory_space<vmem>>)
      %dma_start3A_355 = arith.constant 0 : i32
      %dma_start3A_356 = tpu.memref_slice %arg14[%mul3A_344, %dma_start3A_355] : memref<40x128xi32, #tpu.memory_space<vmem>> -> memref<1x128xi32, #tpu.memory_space<vmem>>
      %dma_start3A_357 = tpu.memref_squeeze %dma_start3A_356 : memref<1x128xi32, #tpu.memory_space<vmem>> -> memref<128xi32, #tpu.memory_space<vmem>>
      %dma_start3A_358 = arith.constant 0 : i32
      %dma_start3A_359 = arith.constant 0 : i32
      %dma_start3A_360 = tpu.memref_slice %arg18[%dma_start3A_358, %dma_start3A_359] : memref<20096x64xf32, #tpu.memory_space<vmem_shared>> -> memref<20096x64xf32, #tpu.memory_space<vmem_shared>>
      tpu.enqueue_indirect_dma source(%arg15 : memref<128x64xf32, #tpu.memory_space<vmem>>) target(%dma_start3A_360 : memref<20096x64xf32, #tpu.memory_space<vmem_shared>>) offsets(%dma_start3A_357 : memref<128xi32, #tpu.memory_space<vmem>>) semaphore(%arg22 : memref<!tpu.dma_semaphore, #tpu.memory_space<semaphore_mem>>) {add = true}
      %dma_start3A_361 = arith.constant 0 : i32
      %dma_start3A_362 = tpu.memref_slice %arg14[%mul3A_344, %dma_start3A_361] : memref<40x128xi32, #tpu.memory_space<vmem>> -> memref<1x128xi32, #tpu.memory_space<vmem>>
      %dma_start3A_363 = tpu.memref_squeeze %dma_start3A_362 : memref<1x128xi32, #tpu.memory_space<vmem>> -> memref<128xi32, #tpu.memory_space<vmem>>
      %dma_start3A_364 = arith.constant 0 : i32
      %dma_start3A_365 = arith.constant 0 : i32
      %dma_start3A_366 = tpu.memref_slice %arg19[%dma_start3A_364, %dma_start3A_365] : memref<20096x16xf32, #tpu.memory_space<vmem_shared>> -> memref<20096x16xf32, #tpu.memory_space<vmem_shared>>
      tpu.enqueue_indirect_dma source(%arg17 : memref<128x16xf32, #tpu.memory_space<vmem>>) target(%dma_start3A_366 : memref<20096x16xf32, #tpu.memory_space<vmem_shared>>) offsets(%dma_start3A_363 : memref<128xi32, #tpu.memory_space<vmem>>) semaphore(%arg24 : memref<!tpu.dma_semaphore, #tpu.memory_space<semaphore_mem>>) {add = true}
      %dma_wait3A_367 = arith.constant 0 : i32
      %dma_wait3A_368 = tpu.memref_slice %arg13[%add3A_348, %dma_wait3A_367] : memref<40x128xi32, #tpu.memory_space<vmem>> -> memref<1x128xi32, #tpu.memory_space<vmem>>
      %dma_wait3A_369 = tpu.memref_squeeze %dma_wait3A_368 : memref<1x128xi32, #tpu.memory_space<vmem>> -> memref<128xi32, #tpu.memory_space<vmem>>
      %dma_wait3A_370 = arith.constant 0 : i32
      %dma_wait3A_371 = arith.constant 0 : i32
      %dma_wait3A_372 = tpu.memref_slice %arg2[%dma_wait3A_370, %dma_wait3A_371] : memref<10112x64xf32, #tpu.memory_space<hbm>> -> memref<10112x64xf32, #tpu.memory_space<hbm>>
      tpu.wait_indirect_dma semaphore(%arg21 : memref<!tpu.dma_semaphore, #tpu.memory_space<semaphore_mem>>) src(%dma_wait3A_372 : memref<10112x64xf32, #tpu.memory_space<hbm>>) dst(%arg16 : memref<128x64xf32, #tpu.memory_space<vmem>>)
      %dma_start3A_373 = arith.constant 0 : i32
      %dma_start3A_374 = tpu.memref_slice %arg14[%add3A_348, %dma_start3A_373] : memref<40x128xi32, #tpu.memory_space<vmem>> -> memref<1x128xi32, #tpu.memory_space<vmem>>
      %dma_start3A_375 = tpu.memref_squeeze %dma_start3A_374 : memref<1x128xi32, #tpu.memory_space<vmem>> -> memref<128xi32, #tpu.memory_space<vmem>>
      %dma_start3A_376 = arith.constant 0 : i32
      %dma_start3A_377 = arith.constant 0 : i32
      %dma_start3A_378 = tpu.memref_slice %arg18[%dma_start3A_376, %dma_start3A_377] : memref<20096x64xf32, #tpu.memory_space<vmem_shared>> -> memref<20096x64xf32, #tpu.memory_space<vmem_shared>>
      tpu.enqueue_indirect_dma source(%arg16 : memref<128x64xf32, #tpu.memory_space<vmem>>) target(%dma_start3A_378 : memref<20096x64xf32, #tpu.memory_space<vmem_shared>>) offsets(%dma_start3A_375 : memref<128xi32, #tpu.memory_space<vmem>>) semaphore(%arg23 : memref<!tpu.dma_semaphore, #tpu.memory_space<semaphore_mem>>) {add = true}
      %dma_start3A_379 = arith.constant 0 : i32
      %dma_start3A_380 = tpu.memref_slice %arg14[%add3A_348, %dma_start3A_379] : memref<40x128xi32, #tpu.memory_space<vmem>> -> memref<1x128xi32, #tpu.memory_space<vmem>>
      %dma_start3A_381 = tpu.memref_squeeze %dma_start3A_380 : memref<1x128xi32, #tpu.memory_space<vmem>> -> memref<128xi32, #tpu.memory_space<vmem>>
      %dma_start3A_382 = arith.constant 0 : i32
      %dma_start3A_383 = arith.constant 0 : i32
      %dma_start3A_384 = tpu.memref_slice %arg19[%dma_start3A_382, %dma_start3A_383] : memref<20096x16xf32, #tpu.memory_space<vmem_shared>> -> memref<20096x16xf32, #tpu.memory_space<vmem_shared>>
      tpu.enqueue_indirect_dma source(%arg17 : memref<128x16xf32, #tpu.memory_space<vmem>>) target(%dma_start3A_384 : memref<20096x16xf32, #tpu.memory_space<vmem_shared>>) offsets(%dma_start3A_381 : memref<128xi32, #tpu.memory_space<vmem>>) semaphore(%arg24 : memref<!tpu.dma_semaphore, #tpu.memory_space<semaphore_mem>>) {add = true}
      %mul3A_385 = arith.constant 2 : i32
      %mul3A_386 = arith.muli %mul3A_385, %scan3A_342 : i32
      %mul3A_387 = arith.constant 2 : i32
      %mul3A_388 = arith.muli %mul3A_387, %scan3A_342 : i32
      %add3A_389 = arith.constant 1 : i32
      %add3A_390 = arith.addi %mul3A_388, %add3A_389 : i32
      %dma_wait3A_391 = arith.constant 0 : i32
      %dma_wait3A_392 = tpu.memref_slice %arg14[%mul3A_386, %dma_wait3A_391] : memref<40x128xi32, #tpu.memory_space<vmem>> -> memref<1x128xi32, #tpu.memory_space<vmem>>
      %dma_wait3A_393 = tpu.memref_squeeze %dma_wait3A_392 : memref<1x128xi32, #tpu.memory_space<vmem>> -> memref<128xi32, #tpu.memory_space<vmem>>
      %dma_wait3A_394 = arith.constant 0 : i32
      %dma_wait3A_395 = arith.constant 0 : i32
      %dma_wait3A_396 = tpu.memref_slice %arg18[%dma_wait3A_394, %dma_wait3A_395] : memref<20096x64xf32, #tpu.memory_space<vmem_shared>> -> memref<20096x64xf32, #tpu.memory_space<vmem_shared>>
      tpu.wait_indirect_dma semaphore(%arg22 : memref<!tpu.dma_semaphore, #tpu.memory_space<semaphore_mem>>) src(%arg15 : memref<128x64xf32, #tpu.memory_space<vmem>>) dst(%dma_wait3A_396 : memref<20096x64xf32, #tpu.memory_space<vmem_shared>>)
      %add3A_397 = arith.constant 2 : i32
      %add3A_398 = arith.addi %mul3A_386, %add3A_397 : i32
      %dma_start3A_399 = arith.constant 0 : i32
      %dma_start3A_400 = tpu.memref_slice %arg13[%add3A_398, %dma_start3A_399] : memref<40x128xi32, #tpu.memory_space<vmem>> -> memref<1x128xi32, #tpu.memory_space<vmem>>
      %dma_start3A_401 = tpu.memref_squeeze %dma_start3A_400 : memref<1x128xi32, #tpu.memory_space<vmem>> -> memref<128xi32, #tpu.memory_space<vmem>>
      %dma_start3A_402 = arith.constant 0 : i32
      %dma_start3A_403 = arith.constant 0 : i32
      %dma_start3A_404 = tpu.memref_slice %arg2[%dma_start3A_402, %dma_start3A_403] : memref<10112x64xf32, #tpu.memory_space<hbm>> -> memref<10112x64xf32, #tpu.memory_space<hbm>>
      tpu.enqueue_indirect_dma source(%dma_start3A_404 : memref<10112x64xf32, #tpu.memory_space<hbm>>) target(%arg15 : memref<128x64xf32, #tpu.memory_space<vmem>>) offsets(%dma_start3A_401 : memref<128xi32, #tpu.memory_space<vmem>>) semaphore(%arg20 : memref<!tpu.dma_semaphore, #tpu.memory_space<semaphore_mem>>)
      %dma_wait3A_405 = arith.constant 0 : i32
      %dma_wait3A_406 = tpu.memref_slice %arg14[%mul3A_386, %dma_wait3A_405] : memref<40x128xi32, #tpu.memory_space<vmem>> -> memref<1x128xi32, #tpu.memory_space<vmem>>
      %dma_wait3A_407 = tpu.memref_squeeze %dma_wait3A_406 : memref<1x128xi32, #tpu.memory_space<vmem>> -> memref<128xi32, #tpu.memory_space<vmem>>
      %dma_wait3A_408 = arith.constant 0 : i32
      %dma_wait3A_409 = arith.constant 0 : i32
      %dma_wait3A_410 = tpu.memref_slice %arg19[%dma_wait3A_408, %dma_wait3A_409] : memref<20096x16xf32, #tpu.memory_space<vmem_shared>> -> memref<20096x16xf32, #tpu.memory_space<vmem_shared>>
      tpu.wait_indirect_dma semaphore(%arg24 : memref<!tpu.dma_semaphore, #tpu.memory_space<semaphore_mem>>) src(%arg17 : memref<128x16xf32, #tpu.memory_space<vmem>>) dst(%dma_wait3A_410 : memref<20096x16xf32, #tpu.memory_space<vmem_shared>>)
      %dma_wait3A_411 = arith.constant 0 : i32
      %dma_wait3A_412 = tpu.memref_slice %arg14[%add3A_390, %dma_wait3A_411] : memref<40x128xi32, #tpu.memory_space<vmem>> -> memref<1x128xi32, #tpu.memory_space<vmem>>
      %dma_wait3A_413 = tpu.memref_squeeze %dma_wait3A_412 : memref<1x128xi32, #tpu.memory_space<vmem>> -> memref<128xi32, #tpu.memory_space<vmem>>
      %dma_wait3A_414 = arith.constant 0 : i32
      %dma_wait3A_415 = arith.constant 0 : i32
      %dma_wait3A_416 = tpu.memref_slice %arg18[%dma_wait3A_414, %dma_wait3A_415] : memref<20096x64xf32, #tpu.memory_space<vmem_shared>> -> memref<20096x64xf32, #tpu.memory_space<vmem_shared>>
      tpu.wait_indirect_dma semaphore(%arg23 : memref<!tpu.dma_semaphore, #tpu.memory_space<semaphore_mem>>) src(%arg16 : memref<128x64xf32, #tpu.memory_space<vmem>>) dst(%dma_wait3A_416 : memref<20096x64xf32, #tpu.memory_space<vmem_shared>>)
      %add3A_417 = arith.constant 2 : i32
      %add3A_418 = arith.addi %add3A_390, %add3A_417 : i32
      %dma_start3A_419 = arith.constant 0 : i32
      %dma_start3A_420 = tpu.memref_slice %arg13[%add3A_418, %dma_start3A_419] : memref<40x128xi32, #tpu.memory_space<vmem>> -> memref<1x128xi32, #tpu.memory_space<vmem>>
      %dma_start3A_421 = tpu.memref_squeeze %dma_start3A_420 : memref<1x128xi32, #tpu.memory_space<vmem>> -> memref<128xi32, #tpu.memory_space<vmem>>
      %dma_start3A_422 = arith.constant 0 : i32
      %dma_start3A_423 = arith.constant 0 : i32
      %dma_start3A_424 = tpu.memref_slice %arg2[%dma_start3A_422, %dma_start3A_423] : memref<10112x64xf32, #tpu.memory_space<hbm>> -> memref<10112x64xf32, #tpu.memory_space<hbm>>
      tpu.enqueue_indirect_dma source(%dma_start3A_424 : memref<10112x64xf32, #tpu.memory_space<hbm>>) target(%arg16 : memref<128x64xf32, #tpu.memory_space<vmem>>) offsets(%dma_start3A_421 : memref<128xi32, #tpu.memory_space<vmem>>) semaphore(%arg21 : memref<!tpu.dma_semaphore, #tpu.memory_space<semaphore_mem>>)
      %dma_wait3A_425 = arith.constant 0 : i32
      %dma_wait3A_426 = tpu.memref_slice %arg14[%add3A_390, %dma_wait3A_425] : memref<40x128xi32, #tpu.memory_space<vmem>> -> memref<1x128xi32, #tpu.memory_space<vmem>>
      %dma_wait3A_427 = tpu.memref_squeeze %dma_wait3A_426 : memref<1x128xi32, #tpu.memory_space<vmem>> -> memref<128xi32, #tpu.memory_space<vmem>>
      %dma_wait3A_428 = arith.constant 0 : i32
      %dma_wait3A_429 = arith.constant 0 : i32
      %dma_wait3A_430 = tpu.memref_slice %arg19[%dma_wait3A_428, %dma_wait3A_429] : memref<20096x16xf32, #tpu.memory_space<vmem_shared>> -> memref<20096x16xf32, #tpu.memory_space<vmem_shared>>
      tpu.wait_indirect_dma semaphore(%arg24 : memref<!tpu.dma_semaphore, #tpu.memory_space<semaphore_mem>>) src(%arg17 : memref<128x16xf32, #tpu.memory_space<vmem>>) dst(%dma_wait3A_430 : memref<20096x16xf32, #tpu.memory_space<vmem_shared>>)
    }
    %scan3A_22 = arith.constant 19 : i32
    %dma_wait3A = arith.constant 38 : i32
    %dma_wait3A_23 = arith.constant 0 : i32
    %dma_wait3A_24 = tpu.memref_slice %arg13[%dma_wait3A, %dma_wait3A_23] : memref<40x128xi32, #tpu.memory_space<vmem>> -> memref<1x128xi32, #tpu.memory_space<vmem>>
    %dma_wait3A_25 = tpu.memref_squeeze %dma_wait3A_24 : memref<1x128xi32, #tpu.memory_space<vmem>> -> memref<128xi32, #tpu.memory_space<vmem>>
    %dma_wait3A_26 = arith.constant 0 : i32
    %dma_wait3A_27 = arith.constant 0 : i32
    %dma_wait3A_28 = tpu.memref_slice %arg2[%dma_wait3A_26, %dma_wait3A_27] : memref<10112x64xf32, #tpu.memory_space<hbm>> -> memref<10112x64xf32, #tpu.memory_space<hbm>>
    tpu.wait_indirect_dma semaphore(%arg20 : memref<!tpu.dma_semaphore, #tpu.memory_space<semaphore_mem>>) src(%dma_wait3A_28 : memref<10112x64xf32, #tpu.memory_space<hbm>>) dst(%arg15 : memref<128x64xf32, #tpu.memory_space<vmem>>)
    %dma_start3A_29 = arith.constant 38 : i32
    %dma_start3A_30 = arith.constant 0 : i32
    %dma_start3A_31 = tpu.memref_slice %arg14[%dma_start3A_29, %dma_start3A_30] : memref<40x128xi32, #tpu.memory_space<vmem>> -> memref<1x128xi32, #tpu.memory_space<vmem>>
    %dma_start3A_32 = tpu.memref_squeeze %dma_start3A_31 : memref<1x128xi32, #tpu.memory_space<vmem>> -> memref<128xi32, #tpu.memory_space<vmem>>
    %dma_start3A_33 = arith.constant 0 : i32
    %dma_start3A_34 = arith.constant 0 : i32
    %dma_start3A_35 = tpu.memref_slice %arg18[%dma_start3A_33, %dma_start3A_34] : memref<20096x64xf32, #tpu.memory_space<vmem_shared>> -> memref<20096x64xf32, #tpu.memory_space<vmem_shared>>
    tpu.enqueue_indirect_dma source(%arg15 : memref<128x64xf32, #tpu.memory_space<vmem>>) target(%dma_start3A_35 : memref<20096x64xf32, #tpu.memory_space<vmem_shared>>) offsets(%dma_start3A_32 : memref<128xi32, #tpu.memory_space<vmem>>) semaphore(%arg22 : memref<!tpu.dma_semaphore, #tpu.memory_space<semaphore_mem>>) {add = true}
    %dma_start3A_36 = arith.constant 38 : i32
    %dma_start3A_37 = arith.constant 0 : i32
    %dma_start3A_38 = tpu.memref_slice %arg14[%dma_start3A_36, %dma_start3A_37] : memref<40x128xi32, #tpu.memory_space<vmem>> -> memref<1x128xi32, #tpu.memory_space<vmem>>
    %dma_start3A_39 = tpu.memref_squeeze %dma_start3A_38 : memref<1x128xi32, #tpu.memory_space<vmem>> -> memref<128xi32, #tpu.memory_space<vmem>>
    %dma_start3A_40 = arith.constant 0 : i32
    %dma_start3A_41 = arith.constant 0 : i32
    %dma_start3A_42 = tpu.memref_slice %arg19[%dma_start3A_40, %dma_start3A_41] : memref<20096x16xf32, #tpu.memory_space<vmem_shared>> -> memref<20096x16xf32, #tpu.memory_space<vmem_shared>>
    tpu.enqueue_indirect_dma source(%arg17 : memref<128x16xf32, #tpu.memory_space<vmem>>) target(%dma_start3A_42 : memref<20096x16xf32, #tpu.memory_space<vmem_shared>>) offsets(%dma_start3A_39 : memref<128xi32, #tpu.memory_space<vmem>>) semaphore(%arg24 : memref<!tpu.dma_semaphore, #tpu.memory_space<semaphore_mem>>) {add = true}
    %dma_wait3A_43 = arith.constant 39 : i32
    %dma_wait3A_44 = arith.constant 0 : i32
    %dma_wait3A_45 = tpu.memref_slice %arg13[%dma_wait3A_43, %dma_wait3A_44] : memref<40x128xi32, #tpu.memory_space<vmem>> -> memref<1x128xi32, #tpu.memory_space<vmem>>
    %dma_wait3A_46 = tpu.memref_squeeze %dma_wait3A_45 : memref<1x128xi32, #tpu.memory_space<vmem>> -> memref<128xi32, #tpu.memory_space<vmem>>
    %dma_wait3A_47 = arith.constant 0 : i32
    %dma_wait3A_48 = arith.constant 0 : i32
    %dma_wait3A_49 = tpu.memref_slice %arg2[%dma_wait3A_47, %dma_wait3A_48] : memref<10112x64xf32, #tpu.memory_space<hbm>> -> memref<10112x64xf32, #tpu.memory_space<hbm>>
    tpu.wait_indirect_dma semaphore(%arg21 : memref<!tpu.dma_semaphore, #tpu.memory_space<semaphore_mem>>) src(%dma_wait3A_49 : memref<10112x64xf32, #tpu.memory_space<hbm>>) dst(%arg16 : memref<128x64xf32, #tpu.memory_space<vmem>>)
    %dma_start3A_50 = arith.constant 39 : i32
    %dma_start3A_51 = arith.constant 0 : i32
    %dma_start3A_52 = tpu.memref_slice %arg14[%dma_start3A_50, %dma_start3A_51] : memref<40x128xi32, #tpu.memory_space<vmem>> -> memref<1x128xi32, #tpu.memory_space<vmem>>
    %dma_start3A_53 = tpu.memref_squeeze %dma_start3A_52 : memref<1x128xi32, #tpu.memory_space<vmem>> -> memref<128xi32, #tpu.memory_space<vmem>>
    %dma_start3A_54 = arith.constant 0 : i32
    %dma_start3A_55 = arith.constant 0 : i32
    %dma_start3A_56 = tpu.memref_slice %arg18[%dma_start3A_54, %dma_start3A_55] : memref<20096x64xf32, #tpu.memory_space<vmem_shared>> -> memref<20096x64xf32, #tpu.memory_space<vmem_shared>>
    tpu.enqueue_indirect_dma source(%arg16 : memref<128x64xf32, #tpu.memory_space<vmem>>) target(%dma_start3A_56 : memref<20096x64xf32, #tpu.memory_space<vmem_shared>>) offsets(%dma_start3A_53 : memref<128xi32, #tpu.memory_space<vmem>>) semaphore(%arg23 : memref<!tpu.dma_semaphore, #tpu.memory_space<semaphore_mem>>) {add = true}
    %dma_start3A_57 = arith.constant 39 : i32
    %dma_start3A_58 = arith.constant 0 : i32
    %dma_start3A_59 = tpu.memref_slice %arg14[%dma_start3A_57, %dma_start3A_58] : memref<40x128xi32, #tpu.memory_space<vmem>> -> memref<1x128xi32, #tpu.memory_space<vmem>>
    %dma_start3A_60 = tpu.memref_squeeze %dma_start3A_59 : memref<1x128xi32, #tpu.memory_space<vmem>> -> memref<128xi32, #tpu.memory_space<vmem>>
    %dma_start3A_61 = arith.constant 0 : i32
    %dma_start3A_62 = arith.constant 0 : i32
    %dma_start3A_63 = tpu.memref_slice %arg19[%dma_start3A_61, %dma_start3A_62] : memref<20096x16xf32, #tpu.memory_space<vmem_shared>> -> memref<20096x16xf32, #tpu.memory_space<vmem_shared>>
    tpu.enqueue_indirect_dma source(%arg17 : memref<128x16xf32, #tpu.memory_space<vmem>>) target(%dma_start3A_63 : memref<20096x16xf32, #tpu.memory_space<vmem_shared>>) offsets(%dma_start3A_60 : memref<128xi32, #tpu.memory_space<vmem>>) semaphore(%arg24 : memref<!tpu.dma_semaphore, #tpu.memory_space<semaphore_mem>>) {add = true}
    %dma_wait3A_64 = arith.constant 38 : i32
    %dma_wait3A_65 = arith.constant 0 : i32
    %dma_wait3A_66 = tpu.memref_slice %arg14[%dma_wait3A_64, %dma_wait3A_65] : memref<40x128xi32, #tpu.memory_space<vmem>> -> memref<1x128xi32, #tpu.memory_space<vmem>>
    %dma_wait3A_67 = tpu.memref_squeeze %dma_wait3A_66 : memref<1x128xi32, #tpu.memory_space<vmem>> -> memref<128xi32, #tpu.memory_space<vmem>>
    %dma_wait3A_68 = arith.constant 0 : i32
    %dma_wait3A_69 = arith.constant 0 : i32
    %dma_wait3A_70 = tpu.memref_slice %arg18[%dma_wait3A_68, %dma_wait3A_69] : memref<20096x64xf32, #tpu.memory_space<vmem_shared>> -> memref<20096x64xf32, #tpu.memory_space<vmem_shared>>
    tpu.wait_indirect_dma semaphore(%arg22 : memref<!tpu.dma_semaphore, #tpu.memory_space<semaphore_mem>>) src(%arg15 : memref<128x64xf32, #tpu.memory_space<vmem>>) dst(%dma_wait3A_70 : memref<20096x64xf32, #tpu.memory_space<vmem_shared>>)
    %dma_wait3A_71 = arith.constant 38 : i32
    %dma_wait3A_72 = arith.constant 0 : i32
    %dma_wait3A_73 = tpu.memref_slice %arg14[%dma_wait3A_71, %dma_wait3A_72] : memref<40x128xi32, #tpu.memory_space<vmem>> -> memref<1x128xi32, #tpu.memory_space<vmem>>
    %dma_wait3A_74 = tpu.memref_squeeze %dma_wait3A_73 : memref<1x128xi32, #tpu.memory_space<vmem>> -> memref<128xi32, #tpu.memory_space<vmem>>
    %dma_wait3A_75 = arith.constant 0 : i32
    %dma_wait3A_76 = arith.constant 0 : i32
    %dma_wait3A_77 = tpu.memref_slice %arg19[%dma_wait3A_75, %dma_wait3A_76] : memref<20096x16xf32, #tpu.memory_space<vmem_shared>> -> memref<20096x16xf32, #tpu.memory_space<vmem_shared>>
    tpu.wait_indirect_dma semaphore(%arg24 : memref<!tpu.dma_semaphore, #tpu.memory_space<semaphore_mem>>) src(%arg17 : memref<128x16xf32, #tpu.memory_space<vmem>>) dst(%dma_wait3A_77 : memref<20096x16xf32, #tpu.memory_space<vmem_shared>>)
    %dma_wait3A_78 = arith.constant 39 : i32
    %dma_wait3A_79 = arith.constant 0 : i32
    %dma_wait3A_80 = tpu.memref_slice %arg14[%dma_wait3A_78, %dma_wait3A_79] : memref<40x128xi32, #tpu.memory_space<vmem>> -> memref<1x128xi32, #tpu.memory_space<vmem>>
    %dma_wait3A_81 = tpu.memref_squeeze %dma_wait3A_80 : memref<1x128xi32, #tpu.memory_space<vmem>> -> memref<128xi32, #tpu.memory_space<vmem>>
    %dma_wait3A_82 = arith.constant 0 : i32
    %dma_wait3A_83 = arith.constant 0 : i32
    %dma_wait3A_84 = tpu.memref_slice %arg18[%dma_wait3A_82, %dma_wait3A_83] : memref<20096x64xf32, #tpu.memory_space<vmem_shared>> -> memref<20096x64xf32, #tpu.memory_space<vmem_shared>>
    tpu.wait_indirect_dma semaphore(%arg23 : memref<!tpu.dma_semaphore, #tpu.memory_space<semaphore_mem>>) src(%arg16 : memref<128x64xf32, #tpu.memory_space<vmem>>) dst(%dma_wait3A_84 : memref<20096x64xf32, #tpu.memory_space<vmem_shared>>)
    %dma_wait3A_85 = arith.constant 39 : i32
    %dma_wait3A_86 = arith.constant 0 : i32
    %dma_wait3A_87 = tpu.memref_slice %arg14[%dma_wait3A_85, %dma_wait3A_86] : memref<40x128xi32, #tpu.memory_space<vmem>> -> memref<1x128xi32, #tpu.memory_space<vmem>>
    %dma_wait3A_88 = tpu.memref_squeeze %dma_wait3A_87 : memref<1x128xi32, #tpu.memory_space<vmem>> -> memref<128xi32, #tpu.memory_space<vmem>>
    %dma_wait3A_89 = arith.constant 0 : i32
    %dma_wait3A_90 = arith.constant 0 : i32
    %dma_wait3A_91 = tpu.memref_slice %arg19[%dma_wait3A_89, %dma_wait3A_90] : memref<20096x16xf32, #tpu.memory_space<vmem_shared>> -> memref<20096x16xf32, #tpu.memory_space<vmem_shared>>
    tpu.wait_indirect_dma semaphore(%arg24 : memref<!tpu.dma_semaphore, #tpu.memory_space<semaphore_mem>>) src(%arg17 : memref<128x16xf32, #tpu.memory_space<vmem>>) dst(%dma_wait3A_91 : memref<20096x16xf32, #tpu.memory_space<vmem_shared>>)
    %barrier3A_92 = arith.constant 0 : index
    tpu.barrier barrier_id(%barrier3A_92)
    %mul3A_93 = arith.constant 4 : i32
    %mul3A_94 = arith.muli %arg0, %mul3A_93 : i32
    %add3A_95 = arith.constant 0 : i32
    %add3A_96 = arith.addi %mul3A_94, %add3A_95 : i32
    %mul3A_97 = arith.constant 20096 : i32
    %mul3A_98 = arith.muli %add3A_96, %mul3A_97 : i32
    %mul3A_99 = arith.constant 1256 : i32
    %mul3A_100 = arith.muli %arg1, %mul3A_99 : i32
    %add3A_101 = arith.addi %mul3A_98, %mul3A_100 : i32
    %mul3A_102 = arith.constant 1256 : i32
    %mul3A_103 = arith.muli %arg1, %mul3A_102 : i32
    "tpu.region"() ({
      %run_scoped3A = tpu.sem_alloc : memref<!tpu.dma_semaphore, #tpu.memory_space<semaphore_mem>>
      %dma_start3A_342 = arith.constant 0 : i32
      %dma_start3A_343 = tpu.memref_slice %arg11[%add3A_101, %dma_start3A_342] : memref<160768x64xf32, #tpu.memory_space<hbm>> -> memref<1256x64xf32, #tpu.memory_space<hbm>>
      %dma_start3A_344 = arith.constant 0 : i32
      %dma_start3A_345 = tpu.memref_slice %arg18[%mul3A_103, %dma_start3A_344] : memref<20096x64xf32, #tpu.memory_space<vmem_shared>> -> memref<1256x64xf32, #tpu.memory_space<vmem_shared>>
      tpu.enqueue_dma source(%dma_start3A_345 : memref<1256x64xf32, #tpu.memory_space<vmem_shared>>) target(%dma_start3A_343 : memref<1256x64xf32, #tpu.memory_space<hbm>>) target_semaphore(%run_scoped3A : memref<!tpu.dma_semaphore, #tpu.memory_space<semaphore_mem>>)
      %dma_wait3A_346 = arith.constant 0 : i32
      %dma_wait3A_347 = tpu.memref_slice %arg11[%add3A_101, %dma_wait3A_346] : memref<160768x64xf32, #tpu.memory_space<hbm>> -> memref<1256x64xf32, #tpu.memory_space<hbm>>
      %dma_wait3A_348 = arith.constant 0 : i32
      %dma_wait3A_349 = tpu.memref_slice %arg18[%mul3A_103, %dma_wait3A_348] : memref<20096x64xf32, #tpu.memory_space<vmem_shared>> -> memref<1256x64xf32, #tpu.memory_space<vmem_shared>>
      tpu.wait_dma2 semaphore(%run_scoped3A : memref<!tpu.dma_semaphore, #tpu.memory_space<semaphore_mem>>) src(%dma_wait3A_349 : memref<1256x64xf32, #tpu.memory_space<vmem_shared>>) dst(%dma_wait3A_347 : memref<1256x64xf32, #tpu.memory_space<hbm>>)
      tpu.yield
    }) : () -> ()
    %mul3A_104 = arith.constant 20096 : i32
    %mul3A_105 = arith.muli %arg0, %mul3A_104 : i32
    %mul3A_106 = arith.constant 1256 : i32
    %mul3A_107 = arith.muli %arg1, %mul3A_106 : i32
    %add3A_108 = arith.addi %mul3A_105, %mul3A_107 : i32
    %mul3A_109 = arith.constant 1256 : i32
    %mul3A_110 = arith.muli %arg1, %mul3A_109 : i32
    "tpu.region"() ({
      %run_scoped3A = tpu.sem_alloc : memref<!tpu.dma_semaphore, #tpu.memory_space<semaphore_mem>>
      %dma_start3A_342 = arith.constant 0 : i32
      %dma_start3A_343 = tpu.memref_slice %arg12[%add3A_108, %dma_start3A_342] : memref<40192x16xf32, #tpu.memory_space<hbm>> -> memref<1256x16xf32, #tpu.memory_space<hbm>>
      %dma_start3A_344 = arith.constant 0 : i32
      %dma_start3A_345 = tpu.memref_slice %arg19[%mul3A_110, %dma_start3A_344] : memref<20096x16xf32, #tpu.memory_space<vmem_shared>> -> memref<1256x16xf32, #tpu.memory_space<vmem_shared>>
      tpu.enqueue_dma source(%dma_start3A_345 : memref<1256x16xf32, #tpu.memory_space<vmem_shared>>) target(%dma_start3A_343 : memref<1256x16xf32, #tpu.memory_space<hbm>>) target_semaphore(%run_scoped3A : memref<!tpu.dma_semaphore, #tpu.memory_space<semaphore_mem>>)
      %dma_wait3A_346 = arith.constant 0 : i32
      %dma_wait3A_347 = tpu.memref_slice %arg12[%add3A_108, %dma_wait3A_346] : memref<40192x16xf32, #tpu.memory_space<hbm>> -> memref<1256x16xf32, #tpu.memory_space<hbm>>
      %dma_wait3A_348 = arith.constant 0 : i32
      %dma_wait3A_349 = tpu.memref_slice %arg19[%mul3A_110, %dma_wait3A_348] : memref<20096x16xf32, #tpu.memory_space<vmem_shared>> -> memref<1256x16xf32, #tpu.memory_space<vmem_shared>>
      tpu.wait_dma2 semaphore(%run_scoped3A : memref<!tpu.dma_semaphore, #tpu.memory_space<semaphore_mem>>) src(%dma_wait3A_349 : memref<1256x16xf32, #tpu.memory_space<vmem_shared>>) dst(%dma_wait3A_347 : memref<1256x16xf32, #tpu.memory_space<hbm>>)
      tpu.yield
    }) : () -> ()
    %mul3A_111 = arith.constant 1256 : i32
    %mul3A_112 = arith.muli %arg1, %mul3A_111 : i32
    "tpu.region"() ({
      %run_scoped3A = tpu.sem_alloc : memref<!tpu.dma_semaphore, #tpu.memory_space<semaphore_mem>>
      %dma_start3A_342 = arith.constant 0 : i32
      %dma_start3A_343 = tpu.memref_slice %arg18[%mul3A_112, %dma_start3A_342] : memref<20096x64xf32, #tpu.memory_space<vmem_shared>> -> memref<1256x64xf32, #tpu.memory_space<vmem_shared>>
      tpu.enqueue_dma source(%arg9 : memref<1256x64xf32, #tpu.memory_space<hbm>>) target(%dma_start3A_343 : memref<1256x64xf32, #tpu.memory_space<vmem_shared>>) target_semaphore(%run_scoped3A : memref<!tpu.dma_semaphore, #tpu.memory_space<semaphore_mem>>)
      %dma_wait3A_344 = arith.constant 0 : i32
      %dma_wait3A_345 = tpu.memref_slice %arg18[%mul3A_112, %dma_wait3A_344] : memref<20096x64xf32, #tpu.memory_space<vmem_shared>> -> memref<1256x64xf32, #tpu.memory_space<vmem_shared>>
      tpu.wait_dma2 semaphore(%run_scoped3A : memref<!tpu.dma_semaphore, #tpu.memory_space<semaphore_mem>>) src(%arg9 : memref<1256x64xf32, #tpu.memory_space<hbm>>) dst(%dma_wait3A_345 : memref<1256x64xf32, #tpu.memory_space<vmem_shared>>)
      tpu.yield
    }) : () -> ()
    %barrier3A_113 = arith.constant 0 : index
    tpu.barrier barrier_id(%barrier3A_113)
    %dma_start3A_114 = arith.constant 0 : i32
    %dma_start3A_115 = arith.constant 0 : i32
    %dma_start3A_116 = tpu.memref_slice %arg13[%dma_start3A_114, %dma_start3A_115] : memref<40x128xi32, #tpu.memory_space<vmem>> -> memref<1x128xi32, #tpu.memory_space<vmem>>
    %dma_start3A_117 = tpu.memref_squeeze %dma_start3A_116 : memref<1x128xi32, #tpu.memory_space<vmem>> -> memref<128xi32, #tpu.memory_space<vmem>>
    %dma_start3A_118 = arith.constant 0 : i32
    %dma_start3A_119 = arith.constant 0 : i32
    %dma_start3A_120 = tpu.memref_slice %arg3[%dma_start3A_118, %dma_start3A_119] : memref<10112x64xf32, #tpu.memory_space<hbm>> -> memref<10112x64xf32, #tpu.memory_space<hbm>>
    tpu.enqueue_indirect_dma source(%dma_start3A_120 : memref<10112x64xf32, #tpu.memory_space<hbm>>) target(%arg15 : memref<128x64xf32, #tpu.memory_space<vmem>>) offsets(%dma_start3A_117 : memref<128xi32, #tpu.memory_space<vmem>>) semaphore(%arg20 : memref<!tpu.dma_semaphore, #tpu.memory_space<semaphore_mem>>)
    %dma_start3A_121 = arith.constant 1 : i32
    %dma_start3A_122 = arith.constant 0 : i32
    %dma_start3A_123 = tpu.memref_slice %arg13[%dma_start3A_121, %dma_start3A_122] : memref<40x128xi32, #tpu.memory_space<vmem>> -> memref<1x128xi32, #tpu.memory_space<vmem>>
    %dma_start3A_124 = tpu.memref_squeeze %dma_start3A_123 : memref<1x128xi32, #tpu.memory_space<vmem>> -> memref<128xi32, #tpu.memory_space<vmem>>
    %dma_start3A_125 = arith.constant 0 : i32
    %dma_start3A_126 = arith.constant 0 : i32
    %dma_start3A_127 = tpu.memref_slice %arg3[%dma_start3A_125, %dma_start3A_126] : memref<10112x64xf32, #tpu.memory_space<hbm>> -> memref<10112x64xf32, #tpu.memory_space<hbm>>
    tpu.enqueue_indirect_dma source(%dma_start3A_127 : memref<10112x64xf32, #tpu.memory_space<hbm>>) target(%arg16 : memref<128x64xf32, #tpu.memory_space<vmem>>) offsets(%dma_start3A_124 : memref<128xi32, #tpu.memory_space<vmem>>) semaphore(%arg21 : memref<!tpu.dma_semaphore, #tpu.memory_space<semaphore_mem>>)
    %scan3A_128 = arith.constant 0 : i32
    %scan3A_129 = arith.constant 0 : i32
    %scan3A_130 = arith.constant 19 : i32
    %scan3A_131 = arith.addi %scan3A_129, %scan3A_130 : i32
    %scan3A_132 = arith.constant 1 : i32
    scf.for %scan3A_342 = %scan3A_129 to %scan3A_131 step %scan3A_132  : i32 {
      %mul3A_343 = arith.constant 2 : i32
      %mul3A_344 = arith.muli %mul3A_343, %scan3A_342 : i32
      %mul3A_345 = arith.constant 2 : i32
      %mul3A_346 = arith.muli %mul3A_345, %scan3A_342 : i32
      %add3A_347 = arith.constant 1 : i32
      %add3A_348 = arith.addi %mul3A_346, %add3A_347 : i32
      %dma_wait3A_349 = arith.constant 0 : i32
      %dma_wait3A_350 = tpu.memref_slice %arg13[%mul3A_344, %dma_wait3A_349] : memref<40x128xi32, #tpu.memory_space<vmem>> -> memref<1x128xi32, #tpu.memory_space<vmem>>
      %dma_wait3A_351 = tpu.memref_squeeze %dma_wait3A_350 : memref<1x128xi32, #tpu.memory_space<vmem>> -> memref<128xi32, #tpu.memory_space<vmem>>
      %dma_wait3A_352 = arith.constant 0 : i32
      %dma_wait3A_353 = arith.constant 0 : i32
      %dma_wait3A_354 = tpu.memref_slice %arg3[%dma_wait3A_352, %dma_wait3A_353] : memref<10112x64xf32, #tpu.memory_space<hbm>> -> memref<10112x64xf32, #tpu.memory_space<hbm>>
      tpu.wait_indirect_dma semaphore(%arg20 : memref<!tpu.dma_semaphore, #tpu.memory_space<semaphore_mem>>) src(%dma_wait3A_354 : memref<10112x64xf32, #tpu.memory_space<hbm>>) dst(%arg15 : memref<128x64xf32, #tpu.memory_space<vmem>>)
      %dma_start3A_355 = arith.constant 0 : i32
      %dma_start3A_356 = tpu.memref_slice %arg14[%mul3A_344, %dma_start3A_355] : memref<40x128xi32, #tpu.memory_space<vmem>> -> memref<1x128xi32, #tpu.memory_space<vmem>>
      %dma_start3A_357 = tpu.memref_squeeze %dma_start3A_356 : memref<1x128xi32, #tpu.memory_space<vmem>> -> memref<128xi32, #tpu.memory_space<vmem>>
      %dma_start3A_358 = arith.constant 0 : i32
      %dma_start3A_359 = arith.constant 0 : i32
      %dma_start3A_360 = tpu.memref_slice %arg18[%dma_start3A_358, %dma_start3A_359] : memref<20096x64xf32, #tpu.memory_space<vmem_shared>> -> memref<20096x64xf32, #tpu.memory_space<vmem_shared>>
      tpu.enqueue_indirect_dma source(%arg15 : memref<128x64xf32, #tpu.memory_space<vmem>>) target(%dma_start3A_360 : memref<20096x64xf32, #tpu.memory_space<vmem_shared>>) offsets(%dma_start3A_357 : memref<128xi32, #tpu.memory_space<vmem>>) semaphore(%arg22 : memref<!tpu.dma_semaphore, #tpu.memory_space<semaphore_mem>>) {add = true}
      %dma_wait3A_361 = arith.constant 0 : i32
      %dma_wait3A_362 = tpu.memref_slice %arg13[%add3A_348, %dma_wait3A_361] : memref<40x128xi32, #tpu.memory_space<vmem>> -> memref<1x128xi32, #tpu.memory_space<vmem>>
      %dma_wait3A_363 = tpu.memref_squeeze %dma_wait3A_362 : memref<1x128xi32, #tpu.memory_space<vmem>> -> memref<128xi32, #tpu.memory_space<vmem>>
      %dma_wait3A_364 = arith.constant 0 : i32
      %dma_wait3A_365 = arith.constant 0 : i32
      %dma_wait3A_366 = tpu.memref_slice %arg3[%dma_wait3A_364, %dma_wait3A_365] : memref<10112x64xf32, #tpu.memory_space<hbm>> -> memref<10112x64xf32, #tpu.memory_space<hbm>>
      tpu.wait_indirect_dma semaphore(%arg21 : memref<!tpu.dma_semaphore, #tpu.memory_space<semaphore_mem>>) src(%dma_wait3A_366 : memref<10112x64xf32, #tpu.memory_space<hbm>>) dst(%arg16 : memref<128x64xf32, #tpu.memory_space<vmem>>)
      %dma_start3A_367 = arith.constant 0 : i32
      %dma_start3A_368 = tpu.memref_slice %arg14[%add3A_348, %dma_start3A_367] : memref<40x128xi32, #tpu.memory_space<vmem>> -> memref<1x128xi32, #tpu.memory_space<vmem>>
      %dma_start3A_369 = tpu.memref_squeeze %dma_start3A_368 : memref<1x128xi32, #tpu.memory_space<vmem>> -> memref<128xi32, #tpu.memory_space<vmem>>
      %dma_start3A_370 = arith.constant 0 : i32
      %dma_start3A_371 = arith.constant 0 : i32
      %dma_start3A_372 = tpu.memref_slice %arg18[%dma_start3A_370, %dma_start3A_371] : memref<20096x64xf32, #tpu.memory_space<vmem_shared>> -> memref<20096x64xf32, #tpu.memory_space<vmem_shared>>
      tpu.enqueue_indirect_dma source(%arg16 : memref<128x64xf32, #tpu.memory_space<vmem>>) target(%dma_start3A_372 : memref<20096x64xf32, #tpu.memory_space<vmem_shared>>) offsets(%dma_start3A_369 : memref<128xi32, #tpu.memory_space<vmem>>) semaphore(%arg23 : memref<!tpu.dma_semaphore, #tpu.memory_space<semaphore_mem>>) {add = true}
      %mul3A_373 = arith.constant 2 : i32
      %mul3A_374 = arith.muli %mul3A_373, %scan3A_342 : i32
      %mul3A_375 = arith.constant 2 : i32
      %mul3A_376 = arith.muli %mul3A_375, %scan3A_342 : i32
      %add3A_377 = arith.constant 1 : i32
      %add3A_378 = arith.addi %mul3A_376, %add3A_377 : i32
      %dma_wait3A_379 = arith.constant 0 : i32
      %dma_wait3A_380 = tpu.memref_slice %arg14[%mul3A_374, %dma_wait3A_379] : memref<40x128xi32, #tpu.memory_space<vmem>> -> memref<1x128xi32, #tpu.memory_space<vmem>>
      %dma_wait3A_381 = tpu.memref_squeeze %dma_wait3A_380 : memref<1x128xi32, #tpu.memory_space<vmem>> -> memref<128xi32, #tpu.memory_space<vmem>>
      %dma_wait3A_382 = arith.constant 0 : i32
      %dma_wait3A_383 = arith.constant 0 : i32
      %dma_wait3A_384 = tpu.memref_slice %arg18[%dma_wait3A_382, %dma_wait3A_383] : memref<20096x64xf32, #tpu.memory_space<vmem_shared>> -> memref<20096x64xf32, #tpu.memory_space<vmem_shared>>
      tpu.wait_indirect_dma semaphore(%arg22 : memref<!tpu.dma_semaphore, #tpu.memory_space<semaphore_mem>>) src(%arg15 : memref<128x64xf32, #tpu.memory_space<vmem>>) dst(%dma_wait3A_384 : memref<20096x64xf32, #tpu.memory_space<vmem_shared>>)
      %add3A_385 = arith.constant 2 : i32
      %add3A_386 = arith.addi %mul3A_374, %add3A_385 : i32
      %dma_start3A_387 = arith.constant 0 : i32
      %dma_start3A_388 = tpu.memref_slice %arg13[%add3A_386, %dma_start3A_387] : memref<40x128xi32, #tpu.memory_space<vmem>> -> memref<1x128xi32, #tpu.memory_space<vmem>>
      %dma_start3A_389 = tpu.memref_squeeze %dma_start3A_388 : memref<1x128xi32, #tpu.memory_space<vmem>> -> memref<128xi32, #tpu.memory_space<vmem>>
      %dma_start3A_390 = arith.constant 0 : i32
      %dma_start3A_391 = arith.constant 0 : i32
      %dma_start3A_392 = tpu.memref_slice %arg3[%dma_start3A_390, %dma_start3A_391] : memref<10112x64xf32, #tpu.memory_space<hbm>> -> memref<10112x64xf32, #tpu.memory_space<hbm>>
      tpu.enqueue_indirect_dma source(%dma_start3A_392 : memref<10112x64xf32, #tpu.memory_space<hbm>>) target(%arg15 : memref<128x64xf32, #tpu.memory_space<vmem>>) offsets(%dma_start3A_389 : memref<128xi32, #tpu.memory_space<vmem>>) semaphore(%arg20 : memref<!tpu.dma_semaphore, #tpu.memory_space<semaphore_mem>>)
      %dma_wait3A_393 = arith.constant 0 : i32
      %dma_wait3A_394 = tpu.memref_slice %arg14[%add3A_378, %dma_wait3A_393] : memref<40x128xi32, #tpu.memory_space<vmem>> -> memref<1x128xi32, #tpu.memory_space<vmem>>
      %dma_wait3A_395 = tpu.memref_squeeze %dma_wait3A_394 : memref<1x128xi32, #tpu.memory_space<vmem>> -> memref<128xi32, #tpu.memory_space<vmem>>
      %dma_wait3A_396 = arith.constant 0 : i32
      %dma_wait3A_397 = arith.constant 0 : i32
      %dma_wait3A_398 = tpu.memref_slice %arg18[%dma_wait3A_396, %dma_wait3A_397] : memref<20096x64xf32, #tpu.memory_space<vmem_shared>> -> memref<20096x64xf32, #tpu.memory_space<vmem_shared>>
      tpu.wait_indirect_dma semaphore(%arg23 : memref<!tpu.dma_semaphore, #tpu.memory_space<semaphore_mem>>) src(%arg16 : memref<128x64xf32, #tpu.memory_space<vmem>>) dst(%dma_wait3A_398 : memref<20096x64xf32, #tpu.memory_space<vmem_shared>>)
      %add3A_399 = arith.constant 2 : i32
      %add3A_400 = arith.addi %add3A_378, %add3A_399 : i32
      %dma_start3A_401 = arith.constant 0 : i32
      %dma_start3A_402 = tpu.memref_slice %arg13[%add3A_400, %dma_start3A_401] : memref<40x128xi32, #tpu.memory_space<vmem>> -> memref<1x128xi32, #tpu.memory_space<vmem>>
      %dma_start3A_403 = tpu.memref_squeeze %dma_start3A_402 : memref<1x128xi32, #tpu.memory_space<vmem>> -> memref<128xi32, #tpu.memory_space<vmem>>
      %dma_start3A_404 = arith.constant 0 : i32
      %dma_start3A_405 = arith.constant 0 : i32
      %dma_start3A_406 = tpu.memref_slice %arg3[%dma_start3A_404, %dma_start3A_405] : memref<10112x64xf32, #tpu.memory_space<hbm>> -> memref<10112x64xf32, #tpu.memory_space<hbm>>
      tpu.enqueue_indirect_dma source(%dma_start3A_406 : memref<10112x64xf32, #tpu.memory_space<hbm>>) target(%arg16 : memref<128x64xf32, #tpu.memory_space<vmem>>) offsets(%dma_start3A_403 : memref<128xi32, #tpu.memory_space<vmem>>) semaphore(%arg21 : memref<!tpu.dma_semaphore, #tpu.memory_space<semaphore_mem>>)
    }
    %scan3A_133 = arith.constant 19 : i32
    %dma_wait3A_134 = arith.constant 38 : i32
    %dma_wait3A_135 = arith.constant 0 : i32
    %dma_wait3A_136 = tpu.memref_slice %arg13[%dma_wait3A_134, %dma_wait3A_135] : memref<40x128xi32, #tpu.memory_space<vmem>> -> memref<1x128xi32, #tpu.memory_space<vmem>>
    %dma_wait3A_137 = tpu.memref_squeeze %dma_wait3A_136 : memref<1x128xi32, #tpu.memory_space<vmem>> -> memref<128xi32, #tpu.memory_space<vmem>>
    %dma_wait3A_138 = arith.constant 0 : i32
    %dma_wait3A_139 = arith.constant 0 : i32
    %dma_wait3A_140 = tpu.memref_slice %arg3[%dma_wait3A_138, %dma_wait3A_139] : memref<10112x64xf32, #tpu.memory_space<hbm>> -> memref<10112x64xf32, #tpu.memory_space<hbm>>
    tpu.wait_indirect_dma semaphore(%arg20 : memref<!tpu.dma_semaphore, #tpu.memory_space<semaphore_mem>>) src(%dma_wait3A_140 : memref<10112x64xf32, #tpu.memory_space<hbm>>) dst(%arg15 : memref<128x64xf32, #tpu.memory_space<vmem>>)
    %dma_start3A_141 = arith.constant 38 : i32
    %dma_start3A_142 = arith.constant 0 : i32
    %dma_start3A_143 = tpu.memref_slice %arg14[%dma_start3A_141, %dma_start3A_142] : memref<40x128xi32, #tpu.memory_space<vmem>> -> memref<1x128xi32, #tpu.memory_space<vmem>>
    %dma_start3A_144 = tpu.memref_squeeze %dma_start3A_143 : memref<1x128xi32, #tpu.memory_space<vmem>> -> memref<128xi32, #tpu.memory_space<vmem>>
    %dma_start3A_145 = arith.constant 0 : i32
    %dma_start3A_146 = arith.constant 0 : i32
    %dma_start3A_147 = tpu.memref_slice %arg18[%dma_start3A_145, %dma_start3A_146] : memref<20096x64xf32, #tpu.memory_space<vmem_shared>> -> memref<20096x64xf32, #tpu.memory_space<vmem_shared>>
    tpu.enqueue_indirect_dma source(%arg15 : memref<128x64xf32, #tpu.memory_space<vmem>>) target(%dma_start3A_147 : memref<20096x64xf32, #tpu.memory_space<vmem_shared>>) offsets(%dma_start3A_144 : memref<128xi32, #tpu.memory_space<vmem>>) semaphore(%arg22 : memref<!tpu.dma_semaphore, #tpu.memory_space<semaphore_mem>>) {add = true}
    %dma_wait3A_148 = arith.constant 39 : i32
    %dma_wait3A_149 = arith.constant 0 : i32
    %dma_wait3A_150 = tpu.memref_slice %arg13[%dma_wait3A_148, %dma_wait3A_149] : memref<40x128xi32, #tpu.memory_space<vmem>> -> memref<1x128xi32, #tpu.memory_space<vmem>>
    %dma_wait3A_151 = tpu.memref_squeeze %dma_wait3A_150 : memref<1x128xi32, #tpu.memory_space<vmem>> -> memref<128xi32, #tpu.memory_space<vmem>>
    %dma_wait3A_152 = arith.constant 0 : i32
    %dma_wait3A_153 = arith.constant 0 : i32
    %dma_wait3A_154 = tpu.memref_slice %arg3[%dma_wait3A_152, %dma_wait3A_153] : memref<10112x64xf32, #tpu.memory_space<hbm>> -> memref<10112x64xf32, #tpu.memory_space<hbm>>
    tpu.wait_indirect_dma semaphore(%arg21 : memref<!tpu.dma_semaphore, #tpu.memory_space<semaphore_mem>>) src(%dma_wait3A_154 : memref<10112x64xf32, #tpu.memory_space<hbm>>) dst(%arg16 : memref<128x64xf32, #tpu.memory_space<vmem>>)
    %dma_start3A_155 = arith.constant 39 : i32
    %dma_start3A_156 = arith.constant 0 : i32
    %dma_start3A_157 = tpu.memref_slice %arg14[%dma_start3A_155, %dma_start3A_156] : memref<40x128xi32, #tpu.memory_space<vmem>> -> memref<1x128xi32, #tpu.memory_space<vmem>>
    %dma_start3A_158 = tpu.memref_squeeze %dma_start3A_157 : memref<1x128xi32, #tpu.memory_space<vmem>> -> memref<128xi32, #tpu.memory_space<vmem>>
    %dma_start3A_159 = arith.constant 0 : i32
    %dma_start3A_160 = arith.constant 0 : i32
    %dma_start3A_161 = tpu.memref_slice %arg18[%dma_start3A_159, %dma_start3A_160] : memref<20096x64xf32, #tpu.memory_space<vmem_shared>> -> memref<20096x64xf32, #tpu.memory_space<vmem_shared>>
    tpu.enqueue_indirect_dma source(%arg16 : memref<128x64xf32, #tpu.memory_space<vmem>>) target(%dma_start3A_161 : memref<20096x64xf32, #tpu.memory_space<vmem_shared>>) offsets(%dma_start3A_158 : memref<128xi32, #tpu.memory_space<vmem>>) semaphore(%arg23 : memref<!tpu.dma_semaphore, #tpu.memory_space<semaphore_mem>>) {add = true}
    %dma_wait3A_162 = arith.constant 38 : i32
    %dma_wait3A_163 = arith.constant 0 : i32
    %dma_wait3A_164 = tpu.memref_slice %arg14[%dma_wait3A_162, %dma_wait3A_163] : memref<40x128xi32, #tpu.memory_space<vmem>> -> memref<1x128xi32, #tpu.memory_space<vmem>>
    %dma_wait3A_165 = tpu.memref_squeeze %dma_wait3A_164 : memref<1x128xi32, #tpu.memory_space<vmem>> -> memref<128xi32, #tpu.memory_space<vmem>>
    %dma_wait3A_166 = arith.constant 0 : i32
    %dma_wait3A_167 = arith.constant 0 : i32
    %dma_wait3A_168 = tpu.memref_slice %arg18[%dma_wait3A_166, %dma_wait3A_167] : memref<20096x64xf32, #tpu.memory_space<vmem_shared>> -> memref<20096x64xf32, #tpu.memory_space<vmem_shared>>
    tpu.wait_indirect_dma semaphore(%arg22 : memref<!tpu.dma_semaphore, #tpu.memory_space<semaphore_mem>>) src(%arg15 : memref<128x64xf32, #tpu.memory_space<vmem>>) dst(%dma_wait3A_168 : memref<20096x64xf32, #tpu.memory_space<vmem_shared>>)
    %dma_wait3A_169 = arith.constant 39 : i32
    %dma_wait3A_170 = arith.constant 0 : i32
    %dma_wait3A_171 = tpu.memref_slice %arg14[%dma_wait3A_169, %dma_wait3A_170] : memref<40x128xi32, #tpu.memory_space<vmem>> -> memref<1x128xi32, #tpu.memory_space<vmem>>
    %dma_wait3A_172 = tpu.memref_squeeze %dma_wait3A_171 : memref<1x128xi32, #tpu.memory_space<vmem>> -> memref<128xi32, #tpu.memory_space<vmem>>
    %dma_wait3A_173 = arith.constant 0 : i32
    %dma_wait3A_174 = arith.constant 0 : i32
    %dma_wait3A_175 = tpu.memref_slice %arg18[%dma_wait3A_173, %dma_wait3A_174] : memref<20096x64xf32, #tpu.memory_space<vmem_shared>> -> memref<20096x64xf32, #tpu.memory_space<vmem_shared>>
    tpu.wait_indirect_dma semaphore(%arg23 : memref<!tpu.dma_semaphore, #tpu.memory_space<semaphore_mem>>) src(%arg16 : memref<128x64xf32, #tpu.memory_space<vmem>>) dst(%dma_wait3A_175 : memref<20096x64xf32, #tpu.memory_space<vmem_shared>>)
    %barrier3A_176 = arith.constant 0 : index
    tpu.barrier barrier_id(%barrier3A_176)
    %mul3A_177 = arith.constant 4 : i32
    %mul3A_178 = arith.muli %arg0, %mul3A_177 : i32
    %add3A_179 = arith.constant 1 : i32
    %add3A_180 = arith.addi %mul3A_178, %add3A_179 : i32
    %mul3A_181 = arith.constant 20096 : i32
    %mul3A_182 = arith.muli %add3A_180, %mul3A_181 : i32
    %mul3A_183 = arith.constant 1256 : i32
    %mul3A_184 = arith.muli %arg1, %mul3A_183 : i32
    %add3A_185 = arith.addi %mul3A_182, %mul3A_184 : i32
    %mul3A_186 = arith.constant 1256 : i32
    %mul3A_187 = arith.muli %arg1, %mul3A_186 : i32
    "tpu.region"() ({
      %run_scoped3A = tpu.sem_alloc : memref<!tpu.dma_semaphore, #tpu.memory_space<semaphore_mem>>
      %dma_start3A_342 = arith.constant 0 : i32
      %dma_start3A_343 = tpu.memref_slice %arg11[%add3A_185, %dma_start3A_342] : memref<160768x64xf32, #tpu.memory_space<hbm>> -> memref<1256x64xf32, #tpu.memory_space<hbm>>
      %dma_start3A_344 = arith.constant 0 : i32
      %dma_start3A_345 = tpu.memref_slice %arg18[%mul3A_187, %dma_start3A_344] : memref<20096x64xf32, #tpu.memory_space<vmem_shared>> -> memref<1256x64xf32, #tpu.memory_space<vmem_shared>>
      tpu.enqueue_dma source(%dma_start3A_345 : memref<1256x64xf32, #tpu.memory_space<vmem_shared>>) target(%dma_start3A_343 : memref<1256x64xf32, #tpu.memory_space<hbm>>) target_semaphore(%run_scoped3A : memref<!tpu.dma_semaphore, #tpu.memory_space<semaphore_mem>>)
      %dma_wait3A_346 = arith.constant 0 : i32
      %dma_wait3A_347 = tpu.memref_slice %arg11[%add3A_185, %dma_wait3A_346] : memref<160768x64xf32, #tpu.memory_space<hbm>> -> memref<1256x64xf32, #tpu.memory_space<hbm>>
      %dma_wait3A_348 = arith.constant 0 : i32
      %dma_wait3A_349 = tpu.memref_slice %arg18[%mul3A_187, %dma_wait3A_348] : memref<20096x64xf32, #tpu.memory_space<vmem_shared>> -> memref<1256x64xf32, #tpu.memory_space<vmem_shared>>
      tpu.wait_dma2 semaphore(%run_scoped3A : memref<!tpu.dma_semaphore, #tpu.memory_space<semaphore_mem>>) src(%dma_wait3A_349 : memref<1256x64xf32, #tpu.memory_space<vmem_shared>>) dst(%dma_wait3A_347 : memref<1256x64xf32, #tpu.memory_space<hbm>>)
      tpu.yield
    }) : () -> ()
    %mul3A_188 = arith.constant 1256 : i32
    %mul3A_189 = arith.muli %arg1, %mul3A_188 : i32
    "tpu.region"() ({
      %run_scoped3A = tpu.sem_alloc : memref<!tpu.dma_semaphore, #tpu.memory_space<semaphore_mem>>
      %dma_start3A_342 = arith.constant 0 : i32
      %dma_start3A_343 = tpu.memref_slice %arg18[%mul3A_189, %dma_start3A_342] : memref<20096x64xf32, #tpu.memory_space<vmem_shared>> -> memref<1256x64xf32, #tpu.memory_space<vmem_shared>>
      tpu.enqueue_dma source(%arg9 : memref<1256x64xf32, #tpu.memory_space<hbm>>) target(%dma_start3A_343 : memref<1256x64xf32, #tpu.memory_space<vmem_shared>>) target_semaphore(%run_scoped3A : memref<!tpu.dma_semaphore, #tpu.memory_space<semaphore_mem>>)
      %dma_wait3A_344 = arith.constant 0 : i32
      %dma_wait3A_345 = tpu.memref_slice %arg18[%mul3A_189, %dma_wait3A_344] : memref<20096x64xf32, #tpu.memory_space<vmem_shared>> -> memref<1256x64xf32, #tpu.memory_space<vmem_shared>>
      tpu.wait_dma2 semaphore(%run_scoped3A : memref<!tpu.dma_semaphore, #tpu.memory_space<semaphore_mem>>) src(%arg9 : memref<1256x64xf32, #tpu.memory_space<hbm>>) dst(%dma_wait3A_345 : memref<1256x64xf32, #tpu.memory_space<vmem_shared>>)
      tpu.yield
    }) : () -> ()
    %barrier3A_190 = arith.constant 0 : index
    tpu.barrier barrier_id(%barrier3A_190)
    %dma_start3A_191 = arith.constant 0 : i32
    %dma_start3A_192 = arith.constant 0 : i32
    %dma_start3A_193 = tpu.memref_slice %arg13[%dma_start3A_191, %dma_start3A_192] : memref<40x128xi32, #tpu.memory_space<vmem>> -> memref<1x128xi32, #tpu.memory_space<vmem>>
    %dma_start3A_194 = tpu.memref_squeeze %dma_start3A_193 : memref<1x128xi32, #tpu.memory_space<vmem>> -> memref<128xi32, #tpu.memory_space<vmem>>
    %dma_start3A_195 = arith.constant 0 : i32
    %dma_start3A_196 = arith.constant 0 : i32
    %dma_start3A_197 = tpu.memref_slice %arg4[%dma_start3A_195, %dma_start3A_196] : memref<10112x64xf32, #tpu.memory_space<hbm>> -> memref<10112x64xf32, #tpu.memory_space<hbm>>
    tpu.enqueue_indirect_dma source(%dma_start3A_197 : memref<10112x64xf32, #tpu.memory_space<hbm>>) target(%arg15 : memref<128x64xf32, #tpu.memory_space<vmem>>) offsets(%dma_start3A_194 : memref<128xi32, #tpu.memory_space<vmem>>) semaphore(%arg20 : memref<!tpu.dma_semaphore, #tpu.memory_space<semaphore_mem>>)
    %dma_start3A_198 = arith.constant 1 : i32
    %dma_start3A_199 = arith.constant 0 : i32
    %dma_start3A_200 = tpu.memref_slice %arg13[%dma_start3A_198, %dma_start3A_199] : memref<40x128xi32, #tpu.memory_space<vmem>> -> memref<1x128xi32, #tpu.memory_space<vmem>>
    %dma_start3A_201 = tpu.memref_squeeze %dma_start3A_200 : memref<1x128xi32, #tpu.memory_space<vmem>> -> memref<128xi32, #tpu.memory_space<vmem>>
    %dma_start3A_202 = arith.constant 0 : i32
    %dma_start3A_203 = arith.constant 0 : i32
    %dma_start3A_204 = tpu.memref_slice %arg4[%dma_start3A_202, %dma_start3A_203] : memref<10112x64xf32, #tpu.memory_space<hbm>> -> memref<10112x64xf32, #tpu.memory_space<hbm>>
    tpu.enqueue_indirect_dma source(%dma_start3A_204 : memref<10112x64xf32, #tpu.memory_space<hbm>>) target(%arg16 : memref<128x64xf32, #tpu.memory_space<vmem>>) offsets(%dma_start3A_201 : memref<128xi32, #tpu.memory_space<vmem>>) semaphore(%arg21 : memref<!tpu.dma_semaphore, #tpu.memory_space<semaphore_mem>>)
    %scan3A_205 = arith.constant 0 : i32
    %scan3A_206 = arith.constant 0 : i32
    %scan3A_207 = arith.constant 19 : i32
    %scan3A_208 = arith.addi %scan3A_206, %scan3A_207 : i32
    %scan3A_209 = arith.constant 1 : i32
    scf.for %scan3A_342 = %scan3A_206 to %scan3A_208 step %scan3A_209  : i32 {
      %mul3A_343 = arith.constant 2 : i32
      %mul3A_344 = arith.muli %mul3A_343, %scan3A_342 : i32
      %mul3A_345 = arith.constant 2 : i32
      %mul3A_346 = arith.muli %mul3A_345, %scan3A_342 : i32
      %add3A_347 = arith.constant 1 : i32
      %add3A_348 = arith.addi %mul3A_346, %add3A_347 : i32
      %dma_wait3A_349 = arith.constant 0 : i32
      %dma_wait3A_350 = tpu.memref_slice %arg13[%mul3A_344, %dma_wait3A_349] : memref<40x128xi32, #tpu.memory_space<vmem>> -> memref<1x128xi32, #tpu.memory_space<vmem>>
      %dma_wait3A_351 = tpu.memref_squeeze %dma_wait3A_350 : memref<1x128xi32, #tpu.memory_space<vmem>> -> memref<128xi32, #tpu.memory_space<vmem>>
      %dma_wait3A_352 = arith.constant 0 : i32
      %dma_wait3A_353 = arith.constant 0 : i32
      %dma_wait3A_354 = tpu.memref_slice %arg4[%dma_wait3A_352, %dma_wait3A_353] : memref<10112x64xf32, #tpu.memory_space<hbm>> -> memref<10112x64xf32, #tpu.memory_space<hbm>>
      tpu.wait_indirect_dma semaphore(%arg20 : memref<!tpu.dma_semaphore, #tpu.memory_space<semaphore_mem>>) src(%dma_wait3A_354 : memref<10112x64xf32, #tpu.memory_space<hbm>>) dst(%arg15 : memref<128x64xf32, #tpu.memory_space<vmem>>)
      %dma_start3A_355 = arith.constant 0 : i32
      %dma_start3A_356 = tpu.memref_slice %arg14[%mul3A_344, %dma_start3A_355] : memref<40x128xi32, #tpu.memory_space<vmem>> -> memref<1x128xi32, #tpu.memory_space<vmem>>
      %dma_start3A_357 = tpu.memref_squeeze %dma_start3A_356 : memref<1x128xi32, #tpu.memory_space<vmem>> -> memref<128xi32, #tpu.memory_space<vmem>>
      %dma_start3A_358 = arith.constant 0 : i32
      %dma_start3A_359 = arith.constant 0 : i32
      %dma_start3A_360 = tpu.memref_slice %arg18[%dma_start3A_358, %dma_start3A_359] : memref<20096x64xf32, #tpu.memory_space<vmem_shared>> -> memref<20096x64xf32, #tpu.memory_space<vmem_shared>>
      tpu.enqueue_indirect_dma source(%arg15 : memref<128x64xf32, #tpu.memory_space<vmem>>) target(%dma_start3A_360 : memref<20096x64xf32, #tpu.memory_space<vmem_shared>>) offsets(%dma_start3A_357 : memref<128xi32, #tpu.memory_space<vmem>>) semaphore(%arg22 : memref<!tpu.dma_semaphore, #tpu.memory_space<semaphore_mem>>) {add = true}
      %dma_wait3A_361 = arith.constant 0 : i32
      %dma_wait3A_362 = tpu.memref_slice %arg13[%add3A_348, %dma_wait3A_361] : memref<40x128xi32, #tpu.memory_space<vmem>> -> memref<1x128xi32, #tpu.memory_space<vmem>>
      %dma_wait3A_363 = tpu.memref_squeeze %dma_wait3A_362 : memref<1x128xi32, #tpu.memory_space<vmem>> -> memref<128xi32, #tpu.memory_space<vmem>>
      %dma_wait3A_364 = arith.constant 0 : i32
      %dma_wait3A_365 = arith.constant 0 : i32
      %dma_wait3A_366 = tpu.memref_slice %arg4[%dma_wait3A_364, %dma_wait3A_365] : memref<10112x64xf32, #tpu.memory_space<hbm>> -> memref<10112x64xf32, #tpu.memory_space<hbm>>
      tpu.wait_indirect_dma semaphore(%arg21 : memref<!tpu.dma_semaphore, #tpu.memory_space<semaphore_mem>>) src(%dma_wait3A_366 : memref<10112x64xf32, #tpu.memory_space<hbm>>) dst(%arg16 : memref<128x64xf32, #tpu.memory_space<vmem>>)
      %dma_start3A_367 = arith.constant 0 : i32
      %dma_start3A_368 = tpu.memref_slice %arg14[%add3A_348, %dma_start3A_367] : memref<40x128xi32, #tpu.memory_space<vmem>> -> memref<1x128xi32, #tpu.memory_space<vmem>>
      %dma_start3A_369 = tpu.memref_squeeze %dma_start3A_368 : memref<1x128xi32, #tpu.memory_space<vmem>> -> memref<128xi32, #tpu.memory_space<vmem>>
      %dma_start3A_370 = arith.constant 0 : i32
      %dma_start3A_371 = arith.constant 0 : i32
      %dma_start3A_372 = tpu.memref_slice %arg18[%dma_start3A_370, %dma_start3A_371] : memref<20096x64xf32, #tpu.memory_space<vmem_shared>> -> memref<20096x64xf32, #tpu.memory_space<vmem_shared>>
      tpu.enqueue_indirect_dma source(%arg16 : memref<128x64xf32, #tpu.memory_space<vmem>>) target(%dma_start3A_372 : memref<20096x64xf32, #tpu.memory_space<vmem_shared>>) offsets(%dma_start3A_369 : memref<128xi32, #tpu.memory_space<vmem>>) semaphore(%arg23 : memref<!tpu.dma_semaphore, #tpu.memory_space<semaphore_mem>>) {add = true}
      %mul3A_373 = arith.constant 2 : i32
      %mul3A_374 = arith.muli %mul3A_373, %scan3A_342 : i32
      %mul3A_375 = arith.constant 2 : i32
      %mul3A_376 = arith.muli %mul3A_375, %scan3A_342 : i32
      %add3A_377 = arith.constant 1 : i32
      %add3A_378 = arith.addi %mul3A_376, %add3A_377 : i32
      %dma_wait3A_379 = arith.constant 0 : i32
      %dma_wait3A_380 = tpu.memref_slice %arg14[%mul3A_374, %dma_wait3A_379] : memref<40x128xi32, #tpu.memory_space<vmem>> -> memref<1x128xi32, #tpu.memory_space<vmem>>
      %dma_wait3A_381 = tpu.memref_squeeze %dma_wait3A_380 : memref<1x128xi32, #tpu.memory_space<vmem>> -> memref<128xi32, #tpu.memory_space<vmem>>
      %dma_wait3A_382 = arith.constant 0 : i32
      %dma_wait3A_383 = arith.constant 0 : i32
      %dma_wait3A_384 = tpu.memref_slice %arg18[%dma_wait3A_382, %dma_wait3A_383] : memref<20096x64xf32, #tpu.memory_space<vmem_shared>> -> memref<20096x64xf32, #tpu.memory_space<vmem_shared>>
      tpu.wait_indirect_dma semaphore(%arg22 : memref<!tpu.dma_semaphore, #tpu.memory_space<semaphore_mem>>) src(%arg15 : memref<128x64xf32, #tpu.memory_space<vmem>>) dst(%dma_wait3A_384 : memref<20096x64xf32, #tpu.memory_space<vmem_shared>>)
      %add3A_385 = arith.constant 2 : i32
      %add3A_386 = arith.addi %mul3A_374, %add3A_385 : i32
      %dma_start3A_387 = arith.constant 0 : i32
      %dma_start3A_388 = tpu.memref_slice %arg13[%add3A_386, %dma_start3A_387] : memref<40x128xi32, #tpu.memory_space<vmem>> -> memref<1x128xi32, #tpu.memory_space<vmem>>
      %dma_start3A_389 = tpu.memref_squeeze %dma_start3A_388 : memref<1x128xi32, #tpu.memory_space<vmem>> -> memref<128xi32, #tpu.memory_space<vmem>>
      %dma_start3A_390 = arith.constant 0 : i32
      %dma_start3A_391 = arith.constant 0 : i32
      %dma_start3A_392 = tpu.memref_slice %arg4[%dma_start3A_390, %dma_start3A_391] : memref<10112x64xf32, #tpu.memory_space<hbm>> -> memref<10112x64xf32, #tpu.memory_space<hbm>>
      tpu.enqueue_indirect_dma source(%dma_start3A_392 : memref<10112x64xf32, #tpu.memory_space<hbm>>) target(%arg15 : memref<128x64xf32, #tpu.memory_space<vmem>>) offsets(%dma_start3A_389 : memref<128xi32, #tpu.memory_space<vmem>>) semaphore(%arg20 : memref<!tpu.dma_semaphore, #tpu.memory_space<semaphore_mem>>)
      %dma_wait3A_393 = arith.constant 0 : i32
      %dma_wait3A_394 = tpu.memref_slice %arg14[%add3A_378, %dma_wait3A_393] : memref<40x128xi32, #tpu.memory_space<vmem>> -> memref<1x128xi32, #tpu.memory_space<vmem>>
      %dma_wait3A_395 = tpu.memref_squeeze %dma_wait3A_394 : memref<1x128xi32, #tpu.memory_space<vmem>> -> memref<128xi32, #tpu.memory_space<vmem>>
      %dma_wait3A_396 = arith.constant 0 : i32
      %dma_wait3A_397 = arith.constant 0 : i32
      %dma_wait3A_398 = tpu.memref_slice %arg18[%dma_wait3A_396, %dma_wait3A_397] : memref<20096x64xf32, #tpu.memory_space<vmem_shared>> -> memref<20096x64xf32, #tpu.memory_space<vmem_shared>>
      tpu.wait_indirect_dma semaphore(%arg23 : memref<!tpu.dma_semaphore, #tpu.memory_space<semaphore_mem>>) src(%arg16 : memref<128x64xf32, #tpu.memory_space<vmem>>) dst(%dma_wait3A_398 : memref<20096x64xf32, #tpu.memory_space<vmem_shared>>)
      %add3A_399 = arith.constant 2 : i32
      %add3A_400 = arith.addi %add3A_378, %add3A_399 : i32
      %dma_start3A_401 = arith.constant 0 : i32
      %dma_start3A_402 = tpu.memref_slice %arg13[%add3A_400, %dma_start3A_401] : memref<40x128xi32, #tpu.memory_space<vmem>> -> memref<1x128xi32, #tpu.memory_space<vmem>>
      %dma_start3A_403 = tpu.memref_squeeze %dma_start3A_402 : memref<1x128xi32, #tpu.memory_space<vmem>> -> memref<128xi32, #tpu.memory_space<vmem>>
      %dma_start3A_404 = arith.constant 0 : i32
      %dma_start3A_405 = arith.constant 0 : i32
      %dma_start3A_406 = tpu.memref_slice %arg4[%dma_start3A_404, %dma_start3A_405] : memref<10112x64xf32, #tpu.memory_space<hbm>> -> memref<10112x64xf32, #tpu.memory_space<hbm>>
      tpu.enqueue_indirect_dma source(%dma_start3A_406 : memref<10112x64xf32, #tpu.memory_space<hbm>>) target(%arg16 : memref<128x64xf32, #tpu.memory_space<vmem>>) offsets(%dma_start3A_403 : memref<128xi32, #tpu.memory_space<vmem>>) semaphore(%arg21 : memref<!tpu.dma_semaphore, #tpu.memory_space<semaphore_mem>>)
    }
    %scan3A_210 = arith.constant 19 : i32
    %dma_wait3A_211 = arith.constant 38 : i32
    %dma_wait3A_212 = arith.constant 0 : i32
    %dma_wait3A_213 = tpu.memref_slice %arg13[%dma_wait3A_211, %dma_wait3A_212] : memref<40x128xi32, #tpu.memory_space<vmem>> -> memref<1x128xi32, #tpu.memory_space<vmem>>
    %dma_wait3A_214 = tpu.memref_squeeze %dma_wait3A_213 : memref<1x128xi32, #tpu.memory_space<vmem>> -> memref<128xi32, #tpu.memory_space<vmem>>
    %dma_wait3A_215 = arith.constant 0 : i32
    %dma_wait3A_216 = arith.constant 0 : i32
    %dma_wait3A_217 = tpu.memref_slice %arg4[%dma_wait3A_215, %dma_wait3A_216] : memref<10112x64xf32, #tpu.memory_space<hbm>> -> memref<10112x64xf32, #tpu.memory_space<hbm>>
    tpu.wait_indirect_dma semaphore(%arg20 : memref<!tpu.dma_semaphore, #tpu.memory_space<semaphore_mem>>) src(%dma_wait3A_217 : memref<10112x64xf32, #tpu.memory_space<hbm>>) dst(%arg15 : memref<128x64xf32, #tpu.memory_space<vmem>>)
    %dma_start3A_218 = arith.constant 38 : i32
    %dma_start3A_219 = arith.constant 0 : i32
    %dma_start3A_220 = tpu.memref_slice %arg14[%dma_start3A_218, %dma_start3A_219] : memref<40x128xi32, #tpu.memory_space<vmem>> -> memref<1x128xi32, #tpu.memory_space<vmem>>
    %dma_start3A_221 = tpu.memref_squeeze %dma_start3A_220 : memref<1x128xi32, #tpu.memory_space<vmem>> -> memref<128xi32, #tpu.memory_space<vmem>>
    %dma_start3A_222 = arith.constant 0 : i32
    %dma_start3A_223 = arith.constant 0 : i32
    %dma_start3A_224 = tpu.memref_slice %arg18[%dma_start3A_222, %dma_start3A_223] : memref<20096x64xf32, #tpu.memory_space<vmem_shared>> -> memref<20096x64xf32, #tpu.memory_space<vmem_shared>>
    tpu.enqueue_indirect_dma source(%arg15 : memref<128x64xf32, #tpu.memory_space<vmem>>) target(%dma_start3A_224 : memref<20096x64xf32, #tpu.memory_space<vmem_shared>>) offsets(%dma_start3A_221 : memref<128xi32, #tpu.memory_space<vmem>>) semaphore(%arg22 : memref<!tpu.dma_semaphore, #tpu.memory_space<semaphore_mem>>) {add = true}
    %dma_wait3A_225 = arith.constant 39 : i32
    %dma_wait3A_226 = arith.constant 0 : i32
    %dma_wait3A_227 = tpu.memref_slice %arg13[%dma_wait3A_225, %dma_wait3A_226] : memref<40x128xi32, #tpu.memory_space<vmem>> -> memref<1x128xi32, #tpu.memory_space<vmem>>
    %dma_wait3A_228 = tpu.memref_squeeze %dma_wait3A_227 : memref<1x128xi32, #tpu.memory_space<vmem>> -> memref<128xi32, #tpu.memory_space<vmem>>
    %dma_wait3A_229 = arith.constant 0 : i32
    %dma_wait3A_230 = arith.constant 0 : i32
    %dma_wait3A_231 = tpu.memref_slice %arg4[%dma_wait3A_229, %dma_wait3A_230] : memref<10112x64xf32, #tpu.memory_space<hbm>> -> memref<10112x64xf32, #tpu.memory_space<hbm>>
    tpu.wait_indirect_dma semaphore(%arg21 : memref<!tpu.dma_semaphore, #tpu.memory_space<semaphore_mem>>) src(%dma_wait3A_231 : memref<10112x64xf32, #tpu.memory_space<hbm>>) dst(%arg16 : memref<128x64xf32, #tpu.memory_space<vmem>>)
    %dma_start3A_232 = arith.constant 39 : i32
    %dma_start3A_233 = arith.constant 0 : i32
    %dma_start3A_234 = tpu.memref_slice %arg14[%dma_start3A_232, %dma_start3A_233] : memref<40x128xi32, #tpu.memory_space<vmem>> -> memref<1x128xi32, #tpu.memory_space<vmem>>
    %dma_start3A_235 = tpu.memref_squeeze %dma_start3A_234 : memref<1x128xi32, #tpu.memory_space<vmem>> -> memref<128xi32, #tpu.memory_space<vmem>>
    %dma_start3A_236 = arith.constant 0 : i32
    %dma_start3A_237 = arith.constant 0 : i32
    %dma_start3A_238 = tpu.memref_slice %arg18[%dma_start3A_236, %dma_start3A_237] : memref<20096x64xf32, #tpu.memory_space<vmem_shared>> -> memref<20096x64xf32, #tpu.memory_space<vmem_shared>>
    tpu.enqueue_indirect_dma source(%arg16 : memref<128x64xf32, #tpu.memory_space<vmem>>) target(%dma_start3A_238 : memref<20096x64xf32, #tpu.memory_space<vmem_shared>>) offsets(%dma_start3A_235 : memref<128xi32, #tpu.memory_space<vmem>>) semaphore(%arg23 : memref<!tpu.dma_semaphore, #tpu.memory_space<semaphore_mem>>) {add = true}
    %dma_wait3A_239 = arith.constant 38 : i32
    %dma_wait3A_240 = arith.constant 0 : i32
    %dma_wait3A_241 = tpu.memref_slice %arg14[%dma_wait3A_239, %dma_wait3A_240] : memref<40x128xi32, #tpu.memory_space<vmem>> -> memref<1x128xi32, #tpu.memory_space<vmem>>
    %dma_wait3A_242 = tpu.memref_squeeze %dma_wait3A_241 : memref<1x128xi32, #tpu.memory_space<vmem>> -> memref<128xi32, #tpu.memory_space<vmem>>
    %dma_wait3A_243 = arith.constant 0 : i32
    %dma_wait3A_244 = arith.constant 0 : i32
    %dma_wait3A_245 = tpu.memref_slice %arg18[%dma_wait3A_243, %dma_wait3A_244] : memref<20096x64xf32, #tpu.memory_space<vmem_shared>> -> memref<20096x64xf32, #tpu.memory_space<vmem_shared>>
    tpu.wait_indirect_dma semaphore(%arg22 : memref<!tpu.dma_semaphore, #tpu.memory_space<semaphore_mem>>) src(%arg15 : memref<128x64xf32, #tpu.memory_space<vmem>>) dst(%dma_wait3A_245 : memref<20096x64xf32, #tpu.memory_space<vmem_shared>>)
    %dma_wait3A_246 = arith.constant 39 : i32
    %dma_wait3A_247 = arith.constant 0 : i32
    %dma_wait3A_248 = tpu.memref_slice %arg14[%dma_wait3A_246, %dma_wait3A_247] : memref<40x128xi32, #tpu.memory_space<vmem>> -> memref<1x128xi32, #tpu.memory_space<vmem>>
    %dma_wait3A_249 = tpu.memref_squeeze %dma_wait3A_248 : memref<1x128xi32, #tpu.memory_space<vmem>> -> memref<128xi32, #tpu.memory_space<vmem>>
    %dma_wait3A_250 = arith.constant 0 : i32
    %dma_wait3A_251 = arith.constant 0 : i32
    %dma_wait3A_252 = tpu.memref_slice %arg18[%dma_wait3A_250, %dma_wait3A_251] : memref<20096x64xf32, #tpu.memory_space<vmem_shared>> -> memref<20096x64xf32, #tpu.memory_space<vmem_shared>>
    tpu.wait_indirect_dma semaphore(%arg23 : memref<!tpu.dma_semaphore, #tpu.memory_space<semaphore_mem>>) src(%arg16 : memref<128x64xf32, #tpu.memory_space<vmem>>) dst(%dma_wait3A_252 : memref<20096x64xf32, #tpu.memory_space<vmem_shared>>)
    %barrier3A_253 = arith.constant 0 : index
    tpu.barrier barrier_id(%barrier3A_253)
    %mul3A_254 = arith.constant 4 : i32
    %mul3A_255 = arith.muli %arg0, %mul3A_254 : i32
    %add3A_256 = arith.constant 2 : i32
    %add3A_257 = arith.addi %mul3A_255, %add3A_256 : i32
    %mul3A_258 = arith.constant 20096 : i32
    %mul3A_259 = arith.muli %add3A_257, %mul3A_258 : i32
    %mul3A_260 = arith.constant 1256 : i32
    %mul3A_261 = arith.muli %arg1, %mul3A_260 : i32
    %add3A_262 = arith.addi %mul3A_259, %mul3A_261 : i32
    %mul3A_263 = arith.constant 1256 : i32
    %mul3A_264 = arith.muli %arg1, %mul3A_263 : i32
    "tpu.region"() ({
      %run_scoped3A = tpu.sem_alloc : memref<!tpu.dma_semaphore, #tpu.memory_space<semaphore_mem>>
      %dma_start3A_342 = arith.constant 0 : i32
      %dma_start3A_343 = tpu.memref_slice %arg11[%add3A_262, %dma_start3A_342] : memref<160768x64xf32, #tpu.memory_space<hbm>> -> memref<1256x64xf32, #tpu.memory_space<hbm>>
      %dma_start3A_344 = arith.constant 0 : i32
      %dma_start3A_345 = tpu.memref_slice %arg18[%mul3A_264, %dma_start3A_344] : memref<20096x64xf32, #tpu.memory_space<vmem_shared>> -> memref<1256x64xf32, #tpu.memory_space<vmem_shared>>
      tpu.enqueue_dma source(%dma_start3A_345 : memref<1256x64xf32, #tpu.memory_space<vmem_shared>>) target(%dma_start3A_343 : memref<1256x64xf32, #tpu.memory_space<hbm>>) target_semaphore(%run_scoped3A : memref<!tpu.dma_semaphore, #tpu.memory_space<semaphore_mem>>)
      %dma_wait3A_346 = arith.constant 0 : i32
      %dma_wait3A_347 = tpu.memref_slice %arg11[%add3A_262, %dma_wait3A_346] : memref<160768x64xf32, #tpu.memory_space<hbm>> -> memref<1256x64xf32, #tpu.memory_space<hbm>>
      %dma_wait3A_348 = arith.constant 0 : i32
      %dma_wait3A_349 = tpu.memref_slice %arg18[%mul3A_264, %dma_wait3A_348] : memref<20096x64xf32, #tpu.memory_space<vmem_shared>> -> memref<1256x64xf32, #tpu.memory_space<vmem_shared>>
      tpu.wait_dma2 semaphore(%run_scoped3A : memref<!tpu.dma_semaphore, #tpu.memory_space<semaphore_mem>>) src(%dma_wait3A_349 : memref<1256x64xf32, #tpu.memory_space<vmem_shared>>) dst(%dma_wait3A_347 : memref<1256x64xf32, #tpu.memory_space<hbm>>)
      tpu.yield
    }) : () -> ()
    %mul3A_265 = arith.constant 1256 : i32
    %mul3A_266 = arith.muli %arg1, %mul3A_265 : i32
    "tpu.region"() ({
      %run_scoped3A = tpu.sem_alloc : memref<!tpu.dma_semaphore, #tpu.memory_space<semaphore_mem>>
      %dma_start3A_342 = arith.constant 0 : i32
      %dma_start3A_343 = tpu.memref_slice %arg18[%mul3A_266, %dma_start3A_342] : memref<20096x64xf32, #tpu.memory_space<vmem_shared>> -> memref<1256x64xf32, #tpu.memory_space<vmem_shared>>
      tpu.enqueue_dma source(%arg9 : memref<1256x64xf32, #tpu.memory_space<hbm>>) target(%dma_start3A_343 : memref<1256x64xf32, #tpu.memory_space<vmem_shared>>) target_semaphore(%run_scoped3A : memref<!tpu.dma_semaphore, #tpu.memory_space<semaphore_mem>>)
      %dma_wait3A_344 = arith.constant 0 : i32
      %dma_wait3A_345 = tpu.memref_slice %arg18[%mul3A_266, %dma_wait3A_344] : memref<20096x64xf32, #tpu.memory_space<vmem_shared>> -> memref<1256x64xf32, #tpu.memory_space<vmem_shared>>
      tpu.wait_dma2 semaphore(%run_scoped3A : memref<!tpu.dma_semaphore, #tpu.memory_space<semaphore_mem>>) src(%arg9 : memref<1256x64xf32, #tpu.memory_space<hbm>>) dst(%dma_wait3A_345 : memref<1256x64xf32, #tpu.memory_space<vmem_shared>>)
      tpu.yield
    }) : () -> ()
    %barrier3A_267 = arith.constant 0 : index
    tpu.barrier barrier_id(%barrier3A_267)
    %dma_start3A_268 = arith.constant 0 : i32
    %dma_start3A_269 = arith.constant 0 : i32
    %dma_start3A_270 = tpu.memref_slice %arg13[%dma_start3A_268, %dma_start3A_269] : memref<40x128xi32, #tpu.memory_space<vmem>> -> memref<1x128xi32, #tpu.memory_space<vmem>>
    %dma_start3A_271 = tpu.memref_squeeze %dma_start3A_270 : memref<1x128xi32, #tpu.memory_space<vmem>> -> memref<128xi32, #tpu.memory_space<vmem>>
    %dma_start3A_272 = arith.constant 0 : i32
    %dma_start3A_273 = arith.constant 0 : i32
    %dma_start3A_274 = tpu.memref_slice %arg5[%dma_start3A_272, %dma_start3A_273] : memref<10112x64xf32, #tpu.memory_space<hbm>> -> memref<10112x64xf32, #tpu.memory_space<hbm>>
    tpu.enqueue_indirect_dma source(%dma_start3A_274 : memref<10112x64xf32, #tpu.memory_space<hbm>>) target(%arg15 : memref<128x64xf32, #tpu.memory_space<vmem>>) offsets(%dma_start3A_271 : memref<128xi32, #tpu.memory_space<vmem>>) semaphore(%arg20 : memref<!tpu.dma_semaphore, #tpu.memory_space<semaphore_mem>>)
    %dma_start3A_275 = arith.constant 1 : i32
    %dma_start3A_276 = arith.constant 0 : i32
    %dma_start3A_277 = tpu.memref_slice %arg13[%dma_start3A_275, %dma_start3A_276] : memref<40x128xi32, #tpu.memory_space<vmem>> -> memref<1x128xi32, #tpu.memory_space<vmem>>
    %dma_start3A_278 = tpu.memref_squeeze %dma_start3A_277 : memref<1x128xi32, #tpu.memory_space<vmem>> -> memref<128xi32, #tpu.memory_space<vmem>>
    %dma_start3A_279 = arith.constant 0 : i32
    %dma_start3A_280 = arith.constant 0 : i32
    %dma_start3A_281 = tpu.memref_slice %arg5[%dma_start3A_279, %dma_start3A_280] : memref<10112x64xf32, #tpu.memory_space<hbm>> -> memref<10112x64xf32, #tpu.memory_space<hbm>>
    tpu.enqueue_indirect_dma source(%dma_start3A_281 : memref<10112x64xf32, #tpu.memory_space<hbm>>) target(%arg16 : memref<128x64xf32, #tpu.memory_space<vmem>>) offsets(%dma_start3A_278 : memref<128xi32, #tpu.memory_space<vmem>>) semaphore(%arg21 : memref<!tpu.dma_semaphore, #tpu.memory_space<semaphore_mem>>)
    %scan3A_282 = arith.constant 0 : i32
    %scan3A_283 = arith.constant 0 : i32
    %scan3A_284 = arith.constant 19 : i32
    %scan3A_285 = arith.addi %scan3A_283, %scan3A_284 : i32
    %scan3A_286 = arith.constant 1 : i32
    scf.for %scan3A_342 = %scan3A_283 to %scan3A_285 step %scan3A_286  : i32 {
      %mul3A_343 = arith.constant 2 : i32
      %mul3A_344 = arith.muli %mul3A_343, %scan3A_342 : i32
      %mul3A_345 = arith.constant 2 : i32
      %mul3A_346 = arith.muli %mul3A_345, %scan3A_342 : i32
      %add3A_347 = arith.constant 1 : i32
      %add3A_348 = arith.addi %mul3A_346, %add3A_347 : i32
      %dma_wait3A_349 = arith.constant 0 : i32
      %dma_wait3A_350 = tpu.memref_slice %arg13[%mul3A_344, %dma_wait3A_349] : memref<40x128xi32, #tpu.memory_space<vmem>> -> memref<1x128xi32, #tpu.memory_space<vmem>>
      %dma_wait3A_351 = tpu.memref_squeeze %dma_wait3A_350 : memref<1x128xi32, #tpu.memory_space<vmem>> -> memref<128xi32, #tpu.memory_space<vmem>>
      %dma_wait3A_352 = arith.constant 0 : i32
      %dma_wait3A_353 = arith.constant 0 : i32
      %dma_wait3A_354 = tpu.memref_slice %arg5[%dma_wait3A_352, %dma_wait3A_353] : memref<10112x64xf32, #tpu.memory_space<hbm>> -> memref<10112x64xf32, #tpu.memory_space<hbm>>
      tpu.wait_indirect_dma semaphore(%arg20 : memref<!tpu.dma_semaphore, #tpu.memory_space<semaphore_mem>>) src(%dma_wait3A_354 : memref<10112x64xf32, #tpu.memory_space<hbm>>) dst(%arg15 : memref<128x64xf32, #tpu.memory_space<vmem>>)
      %dma_start3A_355 = arith.constant 0 : i32
      %dma_start3A_356 = tpu.memref_slice %arg14[%mul3A_344, %dma_start3A_355] : memref<40x128xi32, #tpu.memory_space<vmem>> -> memref<1x128xi32, #tpu.memory_space<vmem>>
      %dma_start3A_357 = tpu.memref_squeeze %dma_start3A_356 : memref<1x128xi32, #tpu.memory_space<vmem>> -> memref<128xi32, #tpu.memory_space<vmem>>
      %dma_start3A_358 = arith.constant 0 : i32
      %dma_start3A_359 = arith.constant 0 : i32
      %dma_start3A_360 = tpu.memref_slice %arg18[%dma_start3A_358, %dma_start3A_359] : memref<20096x64xf32, #tpu.memory_space<vmem_shared>> -> memref<20096x64xf32, #tpu.memory_space<vmem_shared>>
      tpu.enqueue_indirect_dma source(%arg15 : memref<128x64xf32, #tpu.memory_space<vmem>>) target(%dma_start3A_360 : memref<20096x64xf32, #tpu.memory_space<vmem_shared>>) offsets(%dma_start3A_357 : memref<128xi32, #tpu.memory_space<vmem>>) semaphore(%arg22 : memref<!tpu.dma_semaphore, #tpu.memory_space<semaphore_mem>>) {add = true}
      %dma_wait3A_361 = arith.constant 0 : i32
      %dma_wait3A_362 = tpu.memref_slice %arg13[%add3A_348, %dma_wait3A_361] : memref<40x128xi32, #tpu.memory_space<vmem>> -> memref<1x128xi32, #tpu.memory_space<vmem>>
      %dma_wait3A_363 = tpu.memref_squeeze %dma_wait3A_362 : memref<1x128xi32, #tpu.memory_space<vmem>> -> memref<128xi32, #tpu.memory_space<vmem>>
      %dma_wait3A_364 = arith.constant 0 : i32
      %dma_wait3A_365 = arith.constant 0 : i32
      %dma_wait3A_366 = tpu.memref_slice %arg5[%dma_wait3A_364, %dma_wait3A_365] : memref<10112x64xf32, #tpu.memory_space<hbm>> -> memref<10112x64xf32, #tpu.memory_space<hbm>>
      tpu.wait_indirect_dma semaphore(%arg21 : memref<!tpu.dma_semaphore, #tpu.memory_space<semaphore_mem>>) src(%dma_wait3A_366 : memref<10112x64xf32, #tpu.memory_space<hbm>>) dst(%arg16 : memref<128x64xf32, #tpu.memory_space<vmem>>)
      %dma_start3A_367 = arith.constant 0 : i32
      %dma_start3A_368 = tpu.memref_slice %arg14[%add3A_348, %dma_start3A_367] : memref<40x128xi32, #tpu.memory_space<vmem>> -> memref<1x128xi32, #tpu.memory_space<vmem>>
      %dma_start3A_369 = tpu.memref_squeeze %dma_start3A_368 : memref<1x128xi32, #tpu.memory_space<vmem>> -> memref<128xi32, #tpu.memory_space<vmem>>
      %dma_start3A_370 = arith.constant 0 : i32
      %dma_start3A_371 = arith.constant 0 : i32
      %dma_start3A_372 = tpu.memref_slice %arg18[%dma_start3A_370, %dma_start3A_371] : memref<20096x64xf32, #tpu.memory_space<vmem_shared>> -> memref<20096x64xf32, #tpu.memory_space<vmem_shared>>
      tpu.enqueue_indirect_dma source(%arg16 : memref<128x64xf32, #tpu.memory_space<vmem>>) target(%dma_start3A_372 : memref<20096x64xf32, #tpu.memory_space<vmem_shared>>) offsets(%dma_start3A_369 : memref<128xi32, #tpu.memory_space<vmem>>) semaphore(%arg23 : memref<!tpu.dma_semaphore, #tpu.memory_space<semaphore_mem>>) {add = true}
      %mul3A_373 = arith.constant 2 : i32
      %mul3A_374 = arith.muli %mul3A_373, %scan3A_342 : i32
      %mul3A_375 = arith.constant 2 : i32
      %mul3A_376 = arith.muli %mul3A_375, %scan3A_342 : i32
      %add3A_377 = arith.constant 1 : i32
      %add3A_378 = arith.addi %mul3A_376, %add3A_377 : i32
      %dma_wait3A_379 = arith.constant 0 : i32
      %dma_wait3A_380 = tpu.memref_slice %arg14[%mul3A_374, %dma_wait3A_379] : memref<40x128xi32, #tpu.memory_space<vmem>> -> memref<1x128xi32, #tpu.memory_space<vmem>>
      %dma_wait3A_381 = tpu.memref_squeeze %dma_wait3A_380 : memref<1x128xi32, #tpu.memory_space<vmem>> -> memref<128xi32, #tpu.memory_space<vmem>>
      %dma_wait3A_382 = arith.constant 0 : i32
      %dma_wait3A_383 = arith.constant 0 : i32
      %dma_wait3A_384 = tpu.memref_slice %arg18[%dma_wait3A_382, %dma_wait3A_383] : memref<20096x64xf32, #tpu.memory_space<vmem_shared>> -> memref<20096x64xf32, #tpu.memory_space<vmem_shared>>
      tpu.wait_indirect_dma semaphore(%arg22 : memref<!tpu.dma_semaphore, #tpu.memory_space<semaphore_mem>>) src(%arg15 : memref<128x64xf32, #tpu.memory_space<vmem>>) dst(%dma_wait3A_384 : memref<20096x64xf32, #tpu.memory_space<vmem_shared>>)
      %add3A_385 = arith.constant 2 : i32
      %add3A_386 = arith.addi %mul3A_374, %add3A_385 : i32
      %dma_start3A_387 = arith.constant 0 : i32
      %dma_start3A_388 = tpu.memref_slice %arg13[%add3A_386, %dma_start3A_387] : memref<40x128xi32, #tpu.memory_space<vmem>> -> memref<1x128xi32, #tpu.memory_space<vmem>>
      %dma_start3A_389 = tpu.memref_squeeze %dma_start3A_388 : memref<1x128xi32, #tpu.memory_space<vmem>> -> memref<128xi32, #tpu.memory_space<vmem>>
      %dma_start3A_390 = arith.constant 0 : i32
      %dma_start3A_391 = arith.constant 0 : i32
      %dma_start3A_392 = tpu.memref_slice %arg5[%dma_start3A_390, %dma_start3A_391] : memref<10112x64xf32, #tpu.memory_space<hbm>> -> memref<10112x64xf32, #tpu.memory_space<hbm>>
      tpu.enqueue_indirect_dma source(%dma_start3A_392 : memref<10112x64xf32, #tpu.memory_space<hbm>>) target(%arg15 : memref<128x64xf32, #tpu.memory_space<vmem>>) offsets(%dma_start3A_389 : memref<128xi32, #tpu.memory_space<vmem>>) semaphore(%arg20 : memref<!tpu.dma_semaphore, #tpu.memory_space<semaphore_mem>>)
      %dma_wait3A_393 = arith.constant 0 : i32
      %dma_wait3A_394 = tpu.memref_slice %arg14[%add3A_378, %dma_wait3A_393] : memref<40x128xi32, #tpu.memory_space<vmem>> -> memref<1x128xi32, #tpu.memory_space<vmem>>
      %dma_wait3A_395 = tpu.memref_squeeze %dma_wait3A_394 : memref<1x128xi32, #tpu.memory_space<vmem>> -> memref<128xi32, #tpu.memory_space<vmem>>
      %dma_wait3A_396 = arith.constant 0 : i32
      %dma_wait3A_397 = arith.constant 0 : i32
      %dma_wait3A_398 = tpu.memref_slice %arg18[%dma_wait3A_396, %dma_wait3A_397] : memref<20096x64xf32, #tpu.memory_space<vmem_shared>> -> memref<20096x64xf32, #tpu.memory_space<vmem_shared>>
      tpu.wait_indirect_dma semaphore(%arg23 : memref<!tpu.dma_semaphore, #tpu.memory_space<semaphore_mem>>) src(%arg16 : memref<128x64xf32, #tpu.memory_space<vmem>>) dst(%dma_wait3A_398 : memref<20096x64xf32, #tpu.memory_space<vmem_shared>>)
      %add3A_399 = arith.constant 2 : i32
      %add3A_400 = arith.addi %add3A_378, %add3A_399 : i32
      %dma_start3A_401 = arith.constant 0 : i32
      %dma_start3A_402 = tpu.memref_slice %arg13[%add3A_400, %dma_start3A_401] : memref<40x128xi32, #tpu.memory_space<vmem>> -> memref<1x128xi32, #tpu.memory_space<vmem>>
      %dma_start3A_403 = tpu.memref_squeeze %dma_start3A_402 : memref<1x128xi32, #tpu.memory_space<vmem>> -> memref<128xi32, #tpu.memory_space<vmem>>
      %dma_start3A_404 = arith.constant 0 : i32
      %dma_start3A_405 = arith.constant 0 : i32
      %dma_start3A_406 = tpu.memref_slice %arg5[%dma_start3A_404, %dma_start3A_405] : memref<10112x64xf32, #tpu.memory_space<hbm>> -> memref<10112x64xf32, #tpu.memory_space<hbm>>
      tpu.enqueue_indirect_dma source(%dma_start3A_406 : memref<10112x64xf32, #tpu.memory_space<hbm>>) target(%arg16 : memref<128x64xf32, #tpu.memory_space<vmem>>) offsets(%dma_start3A_403 : memref<128xi32, #tpu.memory_space<vmem>>) semaphore(%arg21 : memref<!tpu.dma_semaphore, #tpu.memory_space<semaphore_mem>>)
    }
    %scan3A_287 = arith.constant 19 : i32
    %dma_wait3A_288 = arith.constant 38 : i32
    %dma_wait3A_289 = arith.constant 0 : i32
    %dma_wait3A_290 = tpu.memref_slice %arg13[%dma_wait3A_288, %dma_wait3A_289] : memref<40x128xi32, #tpu.memory_space<vmem>> -> memref<1x128xi32, #tpu.memory_space<vmem>>
    %dma_wait3A_291 = tpu.memref_squeeze %dma_wait3A_290 : memref<1x128xi32, #tpu.memory_space<vmem>> -> memref<128xi32, #tpu.memory_space<vmem>>
    %dma_wait3A_292 = arith.constant 0 : i32
    %dma_wait3A_293 = arith.constant 0 : i32
    %dma_wait3A_294 = tpu.memref_slice %arg5[%dma_wait3A_292, %dma_wait3A_293] : memref<10112x64xf32, #tpu.memory_space<hbm>> -> memref<10112x64xf32, #tpu.memory_space<hbm>>
    tpu.wait_indirect_dma semaphore(%arg20 : memref<!tpu.dma_semaphore, #tpu.memory_space<semaphore_mem>>) src(%dma_wait3A_294 : memref<10112x64xf32, #tpu.memory_space<hbm>>) dst(%arg15 : memref<128x64xf32, #tpu.memory_space<vmem>>)
    %dma_start3A_295 = arith.constant 38 : i32
    %dma_start3A_296 = arith.constant 0 : i32
    %dma_start3A_297 = tpu.memref_slice %arg14[%dma_start3A_295, %dma_start3A_296] : memref<40x128xi32, #tpu.memory_space<vmem>> -> memref<1x128xi32, #tpu.memory_space<vmem>>
    %dma_start3A_298 = tpu.memref_squeeze %dma_start3A_297 : memref<1x128xi32, #tpu.memory_space<vmem>> -> memref<128xi32, #tpu.memory_space<vmem>>
    %dma_start3A_299 = arith.constant 0 : i32
    %dma_start3A_300 = arith.constant 0 : i32
    %dma_start3A_301 = tpu.memref_slice %arg18[%dma_start3A_299, %dma_start3A_300] : memref<20096x64xf32, #tpu.memory_space<vmem_shared>> -> memref<20096x64xf32, #tpu.memory_space<vmem_shared>>
    tpu.enqueue_indirect_dma source(%arg15 : memref<128x64xf32, #tpu.memory_space<vmem>>) target(%dma_start3A_301 : memref<20096x64xf32, #tpu.memory_space<vmem_shared>>) offsets(%dma_start3A_298 : memref<128xi32, #tpu.memory_space<vmem>>) semaphore(%arg22 : memref<!tpu.dma_semaphore, #tpu.memory_space<semaphore_mem>>) {add = true}
    %dma_wait3A_302 = arith.constant 39 : i32
    %dma_wait3A_303 = arith.constant 0 : i32
    %dma_wait3A_304 = tpu.memref_slice %arg13[%dma_wait3A_302, %dma_wait3A_303] : memref<40x128xi32, #tpu.memory_space<vmem>> -> memref<1x128xi32, #tpu.memory_space<vmem>>
    %dma_wait3A_305 = tpu.memref_squeeze %dma_wait3A_304 : memref<1x128xi32, #tpu.memory_space<vmem>> -> memref<128xi32, #tpu.memory_space<vmem>>
    %dma_wait3A_306 = arith.constant 0 : i32
    %dma_wait3A_307 = arith.constant 0 : i32
    %dma_wait3A_308 = tpu.memref_slice %arg5[%dma_wait3A_306, %dma_wait3A_307] : memref<10112x64xf32, #tpu.memory_space<hbm>> -> memref<10112x64xf32, #tpu.memory_space<hbm>>
    tpu.wait_indirect_dma semaphore(%arg21 : memref<!tpu.dma_semaphore, #tpu.memory_space<semaphore_mem>>) src(%dma_wait3A_308 : memref<10112x64xf32, #tpu.memory_space<hbm>>) dst(%arg16 : memref<128x64xf32, #tpu.memory_space<vmem>>)
    %dma_start3A_309 = arith.constant 39 : i32
    %dma_start3A_310 = arith.constant 0 : i32
    %dma_start3A_311 = tpu.memref_slice %arg14[%dma_start3A_309, %dma_start3A_310] : memref<40x128xi32, #tpu.memory_space<vmem>> -> memref<1x128xi32, #tpu.memory_space<vmem>>
    %dma_start3A_312 = tpu.memref_squeeze %dma_start3A_311 : memref<1x128xi32, #tpu.memory_space<vmem>> -> memref<128xi32, #tpu.memory_space<vmem>>
    %dma_start3A_313 = arith.constant 0 : i32
    %dma_start3A_314 = arith.constant 0 : i32
    %dma_start3A_315 = tpu.memref_slice %arg18[%dma_start3A_313, %dma_start3A_314] : memref<20096x64xf32, #tpu.memory_space<vmem_shared>> -> memref<20096x64xf32, #tpu.memory_space<vmem_shared>>
    tpu.enqueue_indirect_dma source(%arg16 : memref<128x64xf32, #tpu.memory_space<vmem>>) target(%dma_start3A_315 : memref<20096x64xf32, #tpu.memory_space<vmem_shared>>) offsets(%dma_start3A_312 : memref<128xi32, #tpu.memory_space<vmem>>) semaphore(%arg23 : memref<!tpu.dma_semaphore, #tpu.memory_space<semaphore_mem>>) {add = true}
    %dma_wait3A_316 = arith.constant 38 : i32
    %dma_wait3A_317 = arith.constant 0 : i32
    %dma_wait3A_318 = tpu.memref_slice %arg14[%dma_wait3A_316, %dma_wait3A_317] : memref<40x128xi32, #tpu.memory_space<vmem>> -> memref<1x128xi32, #tpu.memory_space<vmem>>
    %dma_wait3A_319 = tpu.memref_squeeze %dma_wait3A_318 : memref<1x128xi32, #tpu.memory_space<vmem>> -> memref<128xi32, #tpu.memory_space<vmem>>
    %dma_wait3A_320 = arith.constant 0 : i32
    %dma_wait3A_321 = arith.constant 0 : i32
    %dma_wait3A_322 = tpu.memref_slice %arg18[%dma_wait3A_320, %dma_wait3A_321] : memref<20096x64xf32, #tpu.memory_space<vmem_shared>> -> memref<20096x64xf32, #tpu.memory_space<vmem_shared>>
    tpu.wait_indirect_dma semaphore(%arg22 : memref<!tpu.dma_semaphore, #tpu.memory_space<semaphore_mem>>) src(%arg15 : memref<128x64xf32, #tpu.memory_space<vmem>>) dst(%dma_wait3A_322 : memref<20096x64xf32, #tpu.memory_space<vmem_shared>>)
    %dma_wait3A_323 = arith.constant 39 : i32
    %dma_wait3A_324 = arith.constant 0 : i32
    %dma_wait3A_325 = tpu.memref_slice %arg14[%dma_wait3A_323, %dma_wait3A_324] : memref<40x128xi32, #tpu.memory_space<vmem>> -> memref<1x128xi32, #tpu.memory_space<vmem>>
    %dma_wait3A_326 = tpu.memref_squeeze %dma_wait3A_325 : memref<1x128xi32, #tpu.memory_space<vmem>> -> memref<128xi32, #tpu.memory_space<vmem>>
    %dma_wait3A_327 = arith.constant 0 : i32
    %dma_wait3A_328 = arith.constant 0 : i32
    %dma_wait3A_329 = tpu.memref_slice %arg18[%dma_wait3A_327, %dma_wait3A_328] : memref<20096x64xf32, #tpu.memory_space<vmem_shared>> -> memref<20096x64xf32, #tpu.memory_space<vmem_shared>>
    tpu.wait_indirect_dma semaphore(%arg23 : memref<!tpu.dma_semaphore, #tpu.memory_space<semaphore_mem>>) src(%arg16 : memref<128x64xf32, #tpu.memory_space<vmem>>) dst(%dma_wait3A_329 : memref<20096x64xf32, #tpu.memory_space<vmem_shared>>)
    %barrier3A_330 = arith.constant 0 : index
    tpu.barrier barrier_id(%barrier3A_330)
    %mul3A_331 = arith.constant 4 : i32
    %mul3A_332 = arith.muli %arg0, %mul3A_331 : i32
    %add3A_333 = arith.constant 3 : i32
    %add3A_334 = arith.addi %mul3A_332, %add3A_333 : i32
    %mul3A_335 = arith.constant 20096 : i32
    %mul3A_336 = arith.muli %add3A_334, %mul3A_335 : i32
    %mul3A_337 = arith.constant 1256 : i32
    %mul3A_338 = arith.muli %arg1, %mul3A_337 : i32
    %add3A_339 = arith.addi %mul3A_336, %mul3A_338 : i32
    %mul3A_340 = arith.constant 1256 : i32
    %mul3A_341 = arith.muli %arg1, %mul3A_340 : i32
    "tpu.region"() ({
      %run_scoped3A = tpu.sem_alloc : memref<!tpu.dma_semaphore, #tpu.memory_space<semaphore_mem>>
      %dma_start3A_342 = arith.constant 0 : i32
      %dma_start3A_343 = tpu.memref_slice %arg11[%add3A_339, %dma_start3A_342] : memref<160768x64xf32, #tpu.memory_space<hbm>> -> memref<1256x64xf32, #tpu.memory_space<hbm>>
      %dma_start3A_344 = arith.constant 0 : i32
      %dma_start3A_345 = tpu.memref_slice %arg18[%mul3A_341, %dma_start3A_344] : memref<20096x64xf32, #tpu.memory_space<vmem_shared>> -> memref<1256x64xf32, #tpu.memory_space<vmem_shared>>
      tpu.enqueue_dma source(%dma_start3A_345 : memref<1256x64xf32, #tpu.memory_space<vmem_shared>>) target(%dma_start3A_343 : memref<1256x64xf32, #tpu.memory_space<hbm>>) target_semaphore(%run_scoped3A : memref<!tpu.dma_semaphore, #tpu.memory_space<semaphore_mem>>)
      %dma_wait3A_346 = arith.constant 0 : i32
      %dma_wait3A_347 = tpu.memref_slice %arg11[%add3A_339, %dma_wait3A_346] : memref<160768x64xf32, #tpu.memory_space<hbm>> -> memref<1256x64xf32, #tpu.memory_space<hbm>>
      %dma_wait3A_348 = arith.constant 0 : i32
      %dma_wait3A_349 = tpu.memref_slice %arg18[%mul3A_341, %dma_wait3A_348] : memref<20096x64xf32, #tpu.memory_space<vmem_shared>> -> memref<1256x64xf32, #tpu.memory_space<vmem_shared>>
      tpu.wait_dma2 semaphore(%run_scoped3A : memref<!tpu.dma_semaphore, #tpu.memory_space<semaphore_mem>>) src(%dma_wait3A_349 : memref<1256x64xf32, #tpu.memory_space<vmem_shared>>) dst(%dma_wait3A_347 : memref<1256x64xf32, #tpu.memory_space<hbm>>)
      tpu.yield
    }) : () -> ()
    return
  }
}

#map = affine_map<(d0, d1) -> (0, 0)>
#map1 = affine_map<(d0, d1) -> (0, 0, 0)>
module attributes {stable_mosaic.version = 14 : i64} {
  func.func @scatter(%arg0: i32, %arg1: i32, %arg2: memref<20096x128xf32, #tpu.memory_space<hbm>>, %arg3: memref<20096x128xf32, #tpu.memory_space<hbm>>, %arg4: memref<32x40x128xi32, #tpu.memory_space<hbm>>, %arg5: memref<32x40x128xi32, #tpu.memory_space<hbm>>, %arg6: memref<632x128xf32, #tpu.memory_space<hbm>>, %arg7: memref<40448x128xf32, #tpu.memory_space<hbm>>, %arg8: memref<40x128xi32, #tpu.memory_space<vmem>>, %arg9: memref<40x128xi32, #tpu.memory_space<vmem>>, %arg10: memref<128x128xf32, #tpu.memory_space<vmem>>, %arg11: memref<128x128xf32, #tpu.memory_space<vmem>>, %arg12: memref<10112x128xf32, #tpu.memory_space<vmem_shared>>, %arg13: memref<!tpu.dma_semaphore, #tpu.memory_space<semaphore_mem>>, %arg14: memref<!tpu.dma_semaphore, #tpu.memory_space<semaphore_mem>>, %arg15: memref<!tpu.dma_semaphore, #tpu.memory_space<semaphore_mem>>, %arg16: memref<!tpu.dma_semaphore, #tpu.memory_space<semaphore_mem>>, %arg17: memref<!tpu.dma_semaphore, #tpu.memory_space<semaphore_mem>>) attributes {dimension_semantics = [#tpu.dimension_semantics<core_parallel>, #tpu.dimension_semantics<subcore_parallel>], iteration_bounds = array<i64: 2, 16>, scalar_prefetch = 0 : i64, scratch_operands = 10 : i64, tpu.core_type = #tpu.core_type<sc_vector_subcore>, window_params = [{transform_indices = #map}, {transform_indices = #map}, {transform_indices = #map1}, {transform_indices = #map1}, {transform_indices = #map}, {transform_indices = #map}]} {
    %mul3A = arith.constant 2 : i32
    %mul3A_0 = arith.muli %arg1, %mul3A : i32
    %add3A = arith.addi %mul3A_0, %arg0 : i32
    "tpu.region"() ({
      %run_scoped3A = tpu.sem_alloc : memref<!tpu.dma_semaphore, #tpu.memory_space<semaphore_mem>>
      %dma_start3A_151 = arith.constant 0 : i32
      %dma_start3A_152 = arith.constant 0 : i32
      %dma_start3A_153 = tpu.memref_slice %arg4[%add3A, %dma_start3A_151, %dma_start3A_152] : memref<32x40x128xi32, #tpu.memory_space<hbm>> -> memref<1x40x128xi32, #tpu.memory_space<hbm>>
      %dma_start3A_154 = tpu.memref_squeeze %dma_start3A_153 : memref<1x40x128xi32, #tpu.memory_space<hbm>> -> memref<40x128xi32, #tpu.memory_space<hbm>>
      %dma_start3A_155 = arith.constant 0 : i32
      %dma_start3A_156 = arith.constant 0 : i32
      %dma_start3A_157 = tpu.memref_slice %arg4[%add3A, %dma_start3A_155, %dma_start3A_156] : memref<32x40x128xi32, #tpu.memory_space<hbm>> -> memref<1x40x128xi32, #tpu.memory_space<hbm>>
      %dma_start3A_158 = tpu.memref_squeeze %dma_start3A_157 : memref<1x40x128xi32, #tpu.memory_space<hbm>> -> memref<40x128xi32, #tpu.memory_space<hbm>>
      tpu.enqueue_dma source(%dma_start3A_158 : memref<40x128xi32, #tpu.memory_space<hbm>>) target(%arg8 : memref<40x128xi32, #tpu.memory_space<vmem>>) target_semaphore(%run_scoped3A : memref<!tpu.dma_semaphore, #tpu.memory_space<semaphore_mem>>)
      %dma_wait3A_159 = arith.constant 0 : i32
      %dma_wait3A_160 = arith.constant 0 : i32
      %dma_wait3A_161 = tpu.memref_slice %arg4[%add3A, %dma_wait3A_159, %dma_wait3A_160] : memref<32x40x128xi32, #tpu.memory_space<hbm>> -> memref<1x40x128xi32, #tpu.memory_space<hbm>>
      %dma_wait3A_162 = tpu.memref_squeeze %dma_wait3A_161 : memref<1x40x128xi32, #tpu.memory_space<hbm>> -> memref<40x128xi32, #tpu.memory_space<hbm>>
      %dma_wait3A_163 = arith.constant 0 : i32
      %dma_wait3A_164 = arith.constant 0 : i32
      %dma_wait3A_165 = tpu.memref_slice %arg4[%add3A, %dma_wait3A_163, %dma_wait3A_164] : memref<32x40x128xi32, #tpu.memory_space<hbm>> -> memref<1x40x128xi32, #tpu.memory_space<hbm>>
      %dma_wait3A_166 = tpu.memref_squeeze %dma_wait3A_165 : memref<1x40x128xi32, #tpu.memory_space<hbm>> -> memref<40x128xi32, #tpu.memory_space<hbm>>
      tpu.wait_dma2 semaphore(%run_scoped3A : memref<!tpu.dma_semaphore, #tpu.memory_space<semaphore_mem>>) src(%dma_wait3A_166 : memref<40x128xi32, #tpu.memory_space<hbm>>) dst(%arg8 : memref<40x128xi32, #tpu.memory_space<vmem>>)
      tpu.yield
    }) : () -> ()
    "tpu.region"() ({
      %run_scoped3A = tpu.sem_alloc : memref<!tpu.dma_semaphore, #tpu.memory_space<semaphore_mem>>
      %dma_start3A_151 = arith.constant 0 : i32
      %dma_start3A_152 = arith.constant 0 : i32
      %dma_start3A_153 = tpu.memref_slice %arg5[%add3A, %dma_start3A_151, %dma_start3A_152] : memref<32x40x128xi32, #tpu.memory_space<hbm>> -> memref<1x40x128xi32, #tpu.memory_space<hbm>>
      %dma_start3A_154 = tpu.memref_squeeze %dma_start3A_153 : memref<1x40x128xi32, #tpu.memory_space<hbm>> -> memref<40x128xi32, #tpu.memory_space<hbm>>
      %dma_start3A_155 = arith.constant 0 : i32
      %dma_start3A_156 = arith.constant 0 : i32
      %dma_start3A_157 = tpu.memref_slice %arg5[%add3A, %dma_start3A_155, %dma_start3A_156] : memref<32x40x128xi32, #tpu.memory_space<hbm>> -> memref<1x40x128xi32, #tpu.memory_space<hbm>>
      %dma_start3A_158 = tpu.memref_squeeze %dma_start3A_157 : memref<1x40x128xi32, #tpu.memory_space<hbm>> -> memref<40x128xi32, #tpu.memory_space<hbm>>
      tpu.enqueue_dma source(%dma_start3A_158 : memref<40x128xi32, #tpu.memory_space<hbm>>) target(%arg9 : memref<40x128xi32, #tpu.memory_space<vmem>>) target_semaphore(%run_scoped3A : memref<!tpu.dma_semaphore, #tpu.memory_space<semaphore_mem>>)
      %dma_wait3A_159 = arith.constant 0 : i32
      %dma_wait3A_160 = arith.constant 0 : i32
      %dma_wait3A_161 = tpu.memref_slice %arg5[%add3A, %dma_wait3A_159, %dma_wait3A_160] : memref<32x40x128xi32, #tpu.memory_space<hbm>> -> memref<1x40x128xi32, #tpu.memory_space<hbm>>
      %dma_wait3A_162 = tpu.memref_squeeze %dma_wait3A_161 : memref<1x40x128xi32, #tpu.memory_space<hbm>> -> memref<40x128xi32, #tpu.memory_space<hbm>>
      %dma_wait3A_163 = arith.constant 0 : i32
      %dma_wait3A_164 = arith.constant 0 : i32
      %dma_wait3A_165 = tpu.memref_slice %arg5[%add3A, %dma_wait3A_163, %dma_wait3A_164] : memref<32x40x128xi32, #tpu.memory_space<hbm>> -> memref<1x40x128xi32, #tpu.memory_space<hbm>>
      %dma_wait3A_166 = tpu.memref_squeeze %dma_wait3A_165 : memref<1x40x128xi32, #tpu.memory_space<hbm>> -> memref<40x128xi32, #tpu.memory_space<hbm>>
      tpu.wait_dma2 semaphore(%run_scoped3A : memref<!tpu.dma_semaphore, #tpu.memory_space<semaphore_mem>>) src(%dma_wait3A_166 : memref<40x128xi32, #tpu.memory_space<hbm>>) dst(%arg9 : memref<40x128xi32, #tpu.memory_space<vmem>>)
      tpu.yield
    }) : () -> ()
    %mul3A_1 = arith.constant 632 : i32
    %mul3A_2 = arith.muli %arg1, %mul3A_1 : i32
    "tpu.region"() ({
      %run_scoped3A = tpu.sem_alloc : memref<!tpu.dma_semaphore, #tpu.memory_space<semaphore_mem>>
      %dma_start3A_151 = arith.constant 0 : i32
      %dma_start3A_152 = tpu.memref_slice %arg12[%mul3A_2, %dma_start3A_151] : memref<10112x128xf32, #tpu.memory_space<vmem_shared>> -> memref<632x128xf32, #tpu.memory_space<vmem_shared>>
      tpu.enqueue_dma source(%arg6 : memref<632x128xf32, #tpu.memory_space<hbm>>) target(%dma_start3A_152 : memref<632x128xf32, #tpu.memory_space<vmem_shared>>) target_semaphore(%run_scoped3A : memref<!tpu.dma_semaphore, #tpu.memory_space<semaphore_mem>>)
      %dma_wait3A_153 = arith.constant 0 : i32
      %dma_wait3A_154 = tpu.memref_slice %arg12[%mul3A_2, %dma_wait3A_153] : memref<10112x128xf32, #tpu.memory_space<vmem_shared>> -> memref<632x128xf32, #tpu.memory_space<vmem_shared>>
      tpu.wait_dma2 semaphore(%run_scoped3A : memref<!tpu.dma_semaphore, #tpu.memory_space<semaphore_mem>>) src(%arg6 : memref<632x128xf32, #tpu.memory_space<hbm>>) dst(%dma_wait3A_154 : memref<632x128xf32, #tpu.memory_space<vmem_shared>>)
      tpu.yield
    }) : () -> ()
    %barrier3A = arith.constant 0 : index
    tpu.barrier barrier_id(%barrier3A)
    %dma_start3A = arith.constant 0 : i32
    %dma_start3A_3 = arith.constant 0 : i32
    %dma_start3A_4 = tpu.memref_slice %arg8[%dma_start3A, %dma_start3A_3] : memref<40x128xi32, #tpu.memory_space<vmem>> -> memref<1x128xi32, #tpu.memory_space<vmem>>
    %dma_start3A_5 = tpu.memref_squeeze %dma_start3A_4 : memref<1x128xi32, #tpu.memory_space<vmem>> -> memref<128xi32, #tpu.memory_space<vmem>>
    %dma_start3A_6 = arith.constant 0 : i32
    %dma_start3A_7 = arith.constant 0 : i32
    %dma_start3A_8 = tpu.memref_slice %arg2[%dma_start3A_6, %dma_start3A_7] : memref<20096x128xf32, #tpu.memory_space<hbm>> -> memref<20096x128xf32, #tpu.memory_space<hbm>>
    tpu.enqueue_indirect_dma source(%dma_start3A_8 : memref<20096x128xf32, #tpu.memory_space<hbm>>) target(%arg10 : memref<128x128xf32, #tpu.memory_space<vmem>>) offsets(%dma_start3A_5 : memref<128xi32, #tpu.memory_space<vmem>>) semaphore(%arg13 : memref<!tpu.dma_semaphore, #tpu.memory_space<semaphore_mem>>)
    %dma_start3A_9 = arith.constant 1 : i32
    %dma_start3A_10 = arith.constant 0 : i32
    %dma_start3A_11 = tpu.memref_slice %arg8[%dma_start3A_9, %dma_start3A_10] : memref<40x128xi32, #tpu.memory_space<vmem>> -> memref<1x128xi32, #tpu.memory_space<vmem>>
    %dma_start3A_12 = tpu.memref_squeeze %dma_start3A_11 : memref<1x128xi32, #tpu.memory_space<vmem>> -> memref<128xi32, #tpu.memory_space<vmem>>
    %dma_start3A_13 = arith.constant 0 : i32
    %dma_start3A_14 = arith.constant 0 : i32
    %dma_start3A_15 = tpu.memref_slice %arg2[%dma_start3A_13, %dma_start3A_14] : memref<20096x128xf32, #tpu.memory_space<hbm>> -> memref<20096x128xf32, #tpu.memory_space<hbm>>
    tpu.enqueue_indirect_dma source(%dma_start3A_15 : memref<20096x128xf32, #tpu.memory_space<hbm>>) target(%arg11 : memref<128x128xf32, #tpu.memory_space<vmem>>) offsets(%dma_start3A_12 : memref<128xi32, #tpu.memory_space<vmem>>) semaphore(%arg14 : memref<!tpu.dma_semaphore, #tpu.memory_space<semaphore_mem>>)
    %scan3A = arith.constant 0 : i32
    %scan3A_16 = arith.constant 0 : i32
    %scan3A_17 = arith.constant 19 : i32
    %scan3A_18 = arith.addi %scan3A_16, %scan3A_17 : i32
    %scan3A_19 = arith.constant 1 : i32
    scf.for %scan3A_151 = %scan3A_16 to %scan3A_18 step %scan3A_19  : i32 {
      %mul3A_152 = arith.constant 2 : i32
      %mul3A_153 = arith.muli %mul3A_152, %scan3A_151 : i32
      %mul3A_154 = arith.constant 2 : i32
      %mul3A_155 = arith.muli %mul3A_154, %scan3A_151 : i32
      %add3A_156 = arith.constant 1 : i32
      %add3A_157 = arith.addi %mul3A_155, %add3A_156 : i32
      %dma_wait3A_158 = arith.constant 0 : i32
      %dma_wait3A_159 = tpu.memref_slice %arg8[%mul3A_153, %dma_wait3A_158] : memref<40x128xi32, #tpu.memory_space<vmem>> -> memref<1x128xi32, #tpu.memory_space<vmem>>
      %dma_wait3A_160 = tpu.memref_squeeze %dma_wait3A_159 : memref<1x128xi32, #tpu.memory_space<vmem>> -> memref<128xi32, #tpu.memory_space<vmem>>
      %dma_wait3A_161 = arith.constant 0 : i32
      %dma_wait3A_162 = arith.constant 0 : i32
      %dma_wait3A_163 = tpu.memref_slice %arg2[%dma_wait3A_161, %dma_wait3A_162] : memref<20096x128xf32, #tpu.memory_space<hbm>> -> memref<20096x128xf32, #tpu.memory_space<hbm>>
      tpu.wait_indirect_dma semaphore(%arg13 : memref<!tpu.dma_semaphore, #tpu.memory_space<semaphore_mem>>) src(%dma_wait3A_163 : memref<20096x128xf32, #tpu.memory_space<hbm>>) dst(%arg10 : memref<128x128xf32, #tpu.memory_space<vmem>>)
      %dma_start3A_164 = arith.constant 0 : i32
      %dma_start3A_165 = tpu.memref_slice %arg9[%mul3A_153, %dma_start3A_164] : memref<40x128xi32, #tpu.memory_space<vmem>> -> memref<1x128xi32, #tpu.memory_space<vmem>>
      %dma_start3A_166 = tpu.memref_squeeze %dma_start3A_165 : memref<1x128xi32, #tpu.memory_space<vmem>> -> memref<128xi32, #tpu.memory_space<vmem>>
      %dma_start3A_167 = arith.constant 0 : i32
      %dma_start3A_168 = arith.constant 0 : i32
      %dma_start3A_169 = tpu.memref_slice %arg12[%dma_start3A_167, %dma_start3A_168] : memref<10112x128xf32, #tpu.memory_space<vmem_shared>> -> memref<10112x128xf32, #tpu.memory_space<vmem_shared>>
      tpu.enqueue_indirect_dma source(%arg10 : memref<128x128xf32, #tpu.memory_space<vmem>>) target(%dma_start3A_169 : memref<10112x128xf32, #tpu.memory_space<vmem_shared>>) offsets(%dma_start3A_166 : memref<128xi32, #tpu.memory_space<vmem>>) semaphore(%arg15 : memref<!tpu.dma_semaphore, #tpu.memory_space<semaphore_mem>>) {add = true}
      %dma_wait3A_170 = arith.constant 0 : i32
      %dma_wait3A_171 = tpu.memref_slice %arg8[%add3A_157, %dma_wait3A_170] : memref<40x128xi32, #tpu.memory_space<vmem>> -> memref<1x128xi32, #tpu.memory_space<vmem>>
      %dma_wait3A_172 = tpu.memref_squeeze %dma_wait3A_171 : memref<1x128xi32, #tpu.memory_space<vmem>> -> memref<128xi32, #tpu.memory_space<vmem>>
      %dma_wait3A_173 = arith.constant 0 : i32
      %dma_wait3A_174 = arith.constant 0 : i32
      %dma_wait3A_175 = tpu.memref_slice %arg2[%dma_wait3A_173, %dma_wait3A_174] : memref<20096x128xf32, #tpu.memory_space<hbm>> -> memref<20096x128xf32, #tpu.memory_space<hbm>>
      tpu.wait_indirect_dma semaphore(%arg14 : memref<!tpu.dma_semaphore, #tpu.memory_space<semaphore_mem>>) src(%dma_wait3A_175 : memref<20096x128xf32, #tpu.memory_space<hbm>>) dst(%arg11 : memref<128x128xf32, #tpu.memory_space<vmem>>)
      %dma_start3A_176 = arith.constant 0 : i32
      %dma_start3A_177 = tpu.memref_slice %arg9[%add3A_157, %dma_start3A_176] : memref<40x128xi32, #tpu.memory_space<vmem>> -> memref<1x128xi32, #tpu.memory_space<vmem>>
      %dma_start3A_178 = tpu.memref_squeeze %dma_start3A_177 : memref<1x128xi32, #tpu.memory_space<vmem>> -> memref<128xi32, #tpu.memory_space<vmem>>
      %dma_start3A_179 = arith.constant 0 : i32
      %dma_start3A_180 = arith.constant 0 : i32
      %dma_start3A_181 = tpu.memref_slice %arg12[%dma_start3A_179, %dma_start3A_180] : memref<10112x128xf32, #tpu.memory_space<vmem_shared>> -> memref<10112x128xf32, #tpu.memory_space<vmem_shared>>
      tpu.enqueue_indirect_dma source(%arg11 : memref<128x128xf32, #tpu.memory_space<vmem>>) target(%dma_start3A_181 : memref<10112x128xf32, #tpu.memory_space<vmem_shared>>) offsets(%dma_start3A_178 : memref<128xi32, #tpu.memory_space<vmem>>) semaphore(%arg16 : memref<!tpu.dma_semaphore, #tpu.memory_space<semaphore_mem>>) {add = true}
      %mul3A_182 = arith.constant 2 : i32
      %mul3A_183 = arith.muli %mul3A_182, %scan3A_151 : i32
      %mul3A_184 = arith.constant 2 : i32
      %mul3A_185 = arith.muli %mul3A_184, %scan3A_151 : i32
      %add3A_186 = arith.constant 1 : i32
      %add3A_187 = arith.addi %mul3A_185, %add3A_186 : i32
      %dma_wait3A_188 = arith.constant 0 : i32
      %dma_wait3A_189 = tpu.memref_slice %arg9[%mul3A_183, %dma_wait3A_188] : memref<40x128xi32, #tpu.memory_space<vmem>> -> memref<1x128xi32, #tpu.memory_space<vmem>>
      %dma_wait3A_190 = tpu.memref_squeeze %dma_wait3A_189 : memref<1x128xi32, #tpu.memory_space<vmem>> -> memref<128xi32, #tpu.memory_space<vmem>>
      %dma_wait3A_191 = arith.constant 0 : i32
      %dma_wait3A_192 = arith.constant 0 : i32
      %dma_wait3A_193 = tpu.memref_slice %arg12[%dma_wait3A_191, %dma_wait3A_192] : memref<10112x128xf32, #tpu.memory_space<vmem_shared>> -> memref<10112x128xf32, #tpu.memory_space<vmem_shared>>
      tpu.wait_indirect_dma semaphore(%arg15 : memref<!tpu.dma_semaphore, #tpu.memory_space<semaphore_mem>>) src(%arg10 : memref<128x128xf32, #tpu.memory_space<vmem>>) dst(%dma_wait3A_193 : memref<10112x128xf32, #tpu.memory_space<vmem_shared>>)
      %add3A_194 = arith.constant 2 : i32
      %add3A_195 = arith.addi %mul3A_183, %add3A_194 : i32
      %dma_start3A_196 = arith.constant 0 : i32
      %dma_start3A_197 = tpu.memref_slice %arg8[%add3A_195, %dma_start3A_196] : memref<40x128xi32, #tpu.memory_space<vmem>> -> memref<1x128xi32, #tpu.memory_space<vmem>>
      %dma_start3A_198 = tpu.memref_squeeze %dma_start3A_197 : memref<1x128xi32, #tpu.memory_space<vmem>> -> memref<128xi32, #tpu.memory_space<vmem>>
      %dma_start3A_199 = arith.constant 0 : i32
      %dma_start3A_200 = arith.constant 0 : i32
      %dma_start3A_201 = tpu.memref_slice %arg2[%dma_start3A_199, %dma_start3A_200] : memref<20096x128xf32, #tpu.memory_space<hbm>> -> memref<20096x128xf32, #tpu.memory_space<hbm>>
      tpu.enqueue_indirect_dma source(%dma_start3A_201 : memref<20096x128xf32, #tpu.memory_space<hbm>>) target(%arg10 : memref<128x128xf32, #tpu.memory_space<vmem>>) offsets(%dma_start3A_198 : memref<128xi32, #tpu.memory_space<vmem>>) semaphore(%arg13 : memref<!tpu.dma_semaphore, #tpu.memory_space<semaphore_mem>>)
      %dma_wait3A_202 = arith.constant 0 : i32
      %dma_wait3A_203 = tpu.memref_slice %arg9[%add3A_187, %dma_wait3A_202] : memref<40x128xi32, #tpu.memory_space<vmem>> -> memref<1x128xi32, #tpu.memory_space<vmem>>
      %dma_wait3A_204 = tpu.memref_squeeze %dma_wait3A_203 : memref<1x128xi32, #tpu.memory_space<vmem>> -> memref<128xi32, #tpu.memory_space<vmem>>
      %dma_wait3A_205 = arith.constant 0 : i32
      %dma_wait3A_206 = arith.constant 0 : i32
      %dma_wait3A_207 = tpu.memref_slice %arg12[%dma_wait3A_205, %dma_wait3A_206] : memref<10112x128xf32, #tpu.memory_space<vmem_shared>> -> memref<10112x128xf32, #tpu.memory_space<vmem_shared>>
      tpu.wait_indirect_dma semaphore(%arg16 : memref<!tpu.dma_semaphore, #tpu.memory_space<semaphore_mem>>) src(%arg11 : memref<128x128xf32, #tpu.memory_space<vmem>>) dst(%dma_wait3A_207 : memref<10112x128xf32, #tpu.memory_space<vmem_shared>>)
      %add3A_208 = arith.constant 2 : i32
      %add3A_209 = arith.addi %add3A_187, %add3A_208 : i32
      %dma_start3A_210 = arith.constant 0 : i32
      %dma_start3A_211 = tpu.memref_slice %arg8[%add3A_209, %dma_start3A_210] : memref<40x128xi32, #tpu.memory_space<vmem>> -> memref<1x128xi32, #tpu.memory_space<vmem>>
      %dma_start3A_212 = tpu.memref_squeeze %dma_start3A_211 : memref<1x128xi32, #tpu.memory_space<vmem>> -> memref<128xi32, #tpu.memory_space<vmem>>
      %dma_start3A_213 = arith.constant 0 : i32
      %dma_start3A_214 = arith.constant 0 : i32
      %dma_start3A_215 = tpu.memref_slice %arg2[%dma_start3A_213, %dma_start3A_214] : memref<20096x128xf32, #tpu.memory_space<hbm>> -> memref<20096x128xf32, #tpu.memory_space<hbm>>
      tpu.enqueue_indirect_dma source(%dma_start3A_215 : memref<20096x128xf32, #tpu.memory_space<hbm>>) target(%arg11 : memref<128x128xf32, #tpu.memory_space<vmem>>) offsets(%dma_start3A_212 : memref<128xi32, #tpu.memory_space<vmem>>) semaphore(%arg14 : memref<!tpu.dma_semaphore, #tpu.memory_space<semaphore_mem>>)
    }
    %scan3A_20 = arith.constant 19 : i32
    %dma_wait3A = arith.constant 38 : i32
    %dma_wait3A_21 = arith.constant 0 : i32
    %dma_wait3A_22 = tpu.memref_slice %arg8[%dma_wait3A, %dma_wait3A_21] : memref<40x128xi32, #tpu.memory_space<vmem>> -> memref<1x128xi32, #tpu.memory_space<vmem>>
    %dma_wait3A_23 = tpu.memref_squeeze %dma_wait3A_22 : memref<1x128xi32, #tpu.memory_space<vmem>> -> memref<128xi32, #tpu.memory_space<vmem>>
    %dma_wait3A_24 = arith.constant 0 : i32
    %dma_wait3A_25 = arith.constant 0 : i32
    %dma_wait3A_26 = tpu.memref_slice %arg2[%dma_wait3A_24, %dma_wait3A_25] : memref<20096x128xf32, #tpu.memory_space<hbm>> -> memref<20096x128xf32, #tpu.memory_space<hbm>>
    tpu.wait_indirect_dma semaphore(%arg13 : memref<!tpu.dma_semaphore, #tpu.memory_space<semaphore_mem>>) src(%dma_wait3A_26 : memref<20096x128xf32, #tpu.memory_space<hbm>>) dst(%arg10 : memref<128x128xf32, #tpu.memory_space<vmem>>)
    %dma_start3A_27 = arith.constant 38 : i32
    %dma_start3A_28 = arith.constant 0 : i32
    %dma_start3A_29 = tpu.memref_slice %arg9[%dma_start3A_27, %dma_start3A_28] : memref<40x128xi32, #tpu.memory_space<vmem>> -> memref<1x128xi32, #tpu.memory_space<vmem>>
    %dma_start3A_30 = tpu.memref_squeeze %dma_start3A_29 : memref<1x128xi32, #tpu.memory_space<vmem>> -> memref<128xi32, #tpu.memory_space<vmem>>
    %dma_start3A_31 = arith.constant 0 : i32
    %dma_start3A_32 = arith.constant 0 : i32
    %dma_start3A_33 = tpu.memref_slice %arg12[%dma_start3A_31, %dma_start3A_32] : memref<10112x128xf32, #tpu.memory_space<vmem_shared>> -> memref<10112x128xf32, #tpu.memory_space<vmem_shared>>
    tpu.enqueue_indirect_dma source(%arg10 : memref<128x128xf32, #tpu.memory_space<vmem>>) target(%dma_start3A_33 : memref<10112x128xf32, #tpu.memory_space<vmem_shared>>) offsets(%dma_start3A_30 : memref<128xi32, #tpu.memory_space<vmem>>) semaphore(%arg15 : memref<!tpu.dma_semaphore, #tpu.memory_space<semaphore_mem>>) {add = true}
    %dma_wait3A_34 = arith.constant 39 : i32
    %dma_wait3A_35 = arith.constant 0 : i32
    %dma_wait3A_36 = tpu.memref_slice %arg8[%dma_wait3A_34, %dma_wait3A_35] : memref<40x128xi32, #tpu.memory_space<vmem>> -> memref<1x128xi32, #tpu.memory_space<vmem>>
    %dma_wait3A_37 = tpu.memref_squeeze %dma_wait3A_36 : memref<1x128xi32, #tpu.memory_space<vmem>> -> memref<128xi32, #tpu.memory_space<vmem>>
    %dma_wait3A_38 = arith.constant 0 : i32
    %dma_wait3A_39 = arith.constant 0 : i32
    %dma_wait3A_40 = tpu.memref_slice %arg2[%dma_wait3A_38, %dma_wait3A_39] : memref<20096x128xf32, #tpu.memory_space<hbm>> -> memref<20096x128xf32, #tpu.memory_space<hbm>>
    tpu.wait_indirect_dma semaphore(%arg14 : memref<!tpu.dma_semaphore, #tpu.memory_space<semaphore_mem>>) src(%dma_wait3A_40 : memref<20096x128xf32, #tpu.memory_space<hbm>>) dst(%arg11 : memref<128x128xf32, #tpu.memory_space<vmem>>)
    %dma_start3A_41 = arith.constant 39 : i32
    %dma_start3A_42 = arith.constant 0 : i32
    %dma_start3A_43 = tpu.memref_slice %arg9[%dma_start3A_41, %dma_start3A_42] : memref<40x128xi32, #tpu.memory_space<vmem>> -> memref<1x128xi32, #tpu.memory_space<vmem>>
    %dma_start3A_44 = tpu.memref_squeeze %dma_start3A_43 : memref<1x128xi32, #tpu.memory_space<vmem>> -> memref<128xi32, #tpu.memory_space<vmem>>
    %dma_start3A_45 = arith.constant 0 : i32
    %dma_start3A_46 = arith.constant 0 : i32
    %dma_start3A_47 = tpu.memref_slice %arg12[%dma_start3A_45, %dma_start3A_46] : memref<10112x128xf32, #tpu.memory_space<vmem_shared>> -> memref<10112x128xf32, #tpu.memory_space<vmem_shared>>
    tpu.enqueue_indirect_dma source(%arg11 : memref<128x128xf32, #tpu.memory_space<vmem>>) target(%dma_start3A_47 : memref<10112x128xf32, #tpu.memory_space<vmem_shared>>) offsets(%dma_start3A_44 : memref<128xi32, #tpu.memory_space<vmem>>) semaphore(%arg16 : memref<!tpu.dma_semaphore, #tpu.memory_space<semaphore_mem>>) {add = true}
    %dma_wait3A_48 = arith.constant 38 : i32
    %dma_wait3A_49 = arith.constant 0 : i32
    %dma_wait3A_50 = tpu.memref_slice %arg9[%dma_wait3A_48, %dma_wait3A_49] : memref<40x128xi32, #tpu.memory_space<vmem>> -> memref<1x128xi32, #tpu.memory_space<vmem>>
    %dma_wait3A_51 = tpu.memref_squeeze %dma_wait3A_50 : memref<1x128xi32, #tpu.memory_space<vmem>> -> memref<128xi32, #tpu.memory_space<vmem>>
    %dma_wait3A_52 = arith.constant 0 : i32
    %dma_wait3A_53 = arith.constant 0 : i32
    %dma_wait3A_54 = tpu.memref_slice %arg12[%dma_wait3A_52, %dma_wait3A_53] : memref<10112x128xf32, #tpu.memory_space<vmem_shared>> -> memref<10112x128xf32, #tpu.memory_space<vmem_shared>>
    tpu.wait_indirect_dma semaphore(%arg15 : memref<!tpu.dma_semaphore, #tpu.memory_space<semaphore_mem>>) src(%arg10 : memref<128x128xf32, #tpu.memory_space<vmem>>) dst(%dma_wait3A_54 : memref<10112x128xf32, #tpu.memory_space<vmem_shared>>)
    %dma_wait3A_55 = arith.constant 39 : i32
    %dma_wait3A_56 = arith.constant 0 : i32
    %dma_wait3A_57 = tpu.memref_slice %arg9[%dma_wait3A_55, %dma_wait3A_56] : memref<40x128xi32, #tpu.memory_space<vmem>> -> memref<1x128xi32, #tpu.memory_space<vmem>>
    %dma_wait3A_58 = tpu.memref_squeeze %dma_wait3A_57 : memref<1x128xi32, #tpu.memory_space<vmem>> -> memref<128xi32, #tpu.memory_space<vmem>>
    %dma_wait3A_59 = arith.constant 0 : i32
    %dma_wait3A_60 = arith.constant 0 : i32
    %dma_wait3A_61 = tpu.memref_slice %arg12[%dma_wait3A_59, %dma_wait3A_60] : memref<10112x128xf32, #tpu.memory_space<vmem_shared>> -> memref<10112x128xf32, #tpu.memory_space<vmem_shared>>
    tpu.wait_indirect_dma semaphore(%arg16 : memref<!tpu.dma_semaphore, #tpu.memory_space<semaphore_mem>>) src(%arg11 : memref<128x128xf32, #tpu.memory_space<vmem>>) dst(%dma_wait3A_61 : memref<10112x128xf32, #tpu.memory_space<vmem_shared>>)
    %barrier3A_62 = arith.constant 0 : index
    tpu.barrier barrier_id(%barrier3A_62)
    %mul3A_63 = arith.constant 2 : i32
    %mul3A_64 = arith.muli %arg0, %mul3A_63 : i32
    %add3A_65 = arith.constant 0 : i32
    %add3A_66 = arith.addi %mul3A_64, %add3A_65 : i32
    %mul3A_67 = arith.constant 10112 : i32
    %mul3A_68 = arith.muli %add3A_66, %mul3A_67 : i32
    %mul3A_69 = arith.constant 632 : i32
    %mul3A_70 = arith.muli %arg1, %mul3A_69 : i32
    %add3A_71 = arith.addi %mul3A_68, %mul3A_70 : i32
    %mul3A_72 = arith.constant 632 : i32
    %mul3A_73 = arith.muli %arg1, %mul3A_72 : i32
    "tpu.region"() ({
      %run_scoped3A = tpu.sem_alloc : memref<!tpu.dma_semaphore, #tpu.memory_space<semaphore_mem>>
      %dma_start3A_151 = arith.constant 0 : i32
      %dma_start3A_152 = tpu.memref_slice %arg7[%add3A_71, %dma_start3A_151] : memref<40448x128xf32, #tpu.memory_space<hbm>> -> memref<632x128xf32, #tpu.memory_space<hbm>>
      %dma_start3A_153 = arith.constant 0 : i32
      %dma_start3A_154 = tpu.memref_slice %arg12[%mul3A_73, %dma_start3A_153] : memref<10112x128xf32, #tpu.memory_space<vmem_shared>> -> memref<632x128xf32, #tpu.memory_space<vmem_shared>>
      tpu.enqueue_dma source(%dma_start3A_154 : memref<632x128xf32, #tpu.memory_space<vmem_shared>>) target(%dma_start3A_152 : memref<632x128xf32, #tpu.memory_space<hbm>>) target_semaphore(%run_scoped3A : memref<!tpu.dma_semaphore, #tpu.memory_space<semaphore_mem>>)
      %dma_wait3A_155 = arith.constant 0 : i32
      %dma_wait3A_156 = tpu.memref_slice %arg7[%add3A_71, %dma_wait3A_155] : memref<40448x128xf32, #tpu.memory_space<hbm>> -> memref<632x128xf32, #tpu.memory_space<hbm>>
      %dma_wait3A_157 = arith.constant 0 : i32
      %dma_wait3A_158 = tpu.memref_slice %arg12[%mul3A_73, %dma_wait3A_157] : memref<10112x128xf32, #tpu.memory_space<vmem_shared>> -> memref<632x128xf32, #tpu.memory_space<vmem_shared>>
      tpu.wait_dma2 semaphore(%run_scoped3A : memref<!tpu.dma_semaphore, #tpu.memory_space<semaphore_mem>>) src(%dma_wait3A_158 : memref<632x128xf32, #tpu.memory_space<vmem_shared>>) dst(%dma_wait3A_156 : memref<632x128xf32, #tpu.memory_space<hbm>>)
      tpu.yield
    }) : () -> ()
    %mul3A_74 = arith.constant 632 : i32
    %mul3A_75 = arith.muli %arg1, %mul3A_74 : i32
    "tpu.region"() ({
      %run_scoped3A = tpu.sem_alloc : memref<!tpu.dma_semaphore, #tpu.memory_space<semaphore_mem>>
      %dma_start3A_151 = arith.constant 0 : i32
      %dma_start3A_152 = tpu.memref_slice %arg12[%mul3A_75, %dma_start3A_151] : memref<10112x128xf32, #tpu.memory_space<vmem_shared>> -> memref<632x128xf32, #tpu.memory_space<vmem_shared>>
      tpu.enqueue_dma source(%arg6 : memref<632x128xf32, #tpu.memory_space<hbm>>) target(%dma_start3A_152 : memref<632x128xf32, #tpu.memory_space<vmem_shared>>) target_semaphore(%run_scoped3A : memref<!tpu.dma_semaphore, #tpu.memory_space<semaphore_mem>>)
      %dma_wait3A_153 = arith.constant 0 : i32
      %dma_wait3A_154 = tpu.memref_slice %arg12[%mul3A_75, %dma_wait3A_153] : memref<10112x128xf32, #tpu.memory_space<vmem_shared>> -> memref<632x128xf32, #tpu.memory_space<vmem_shared>>
      tpu.wait_dma2 semaphore(%run_scoped3A : memref<!tpu.dma_semaphore, #tpu.memory_space<semaphore_mem>>) src(%arg6 : memref<632x128xf32, #tpu.memory_space<hbm>>) dst(%dma_wait3A_154 : memref<632x128xf32, #tpu.memory_space<vmem_shared>>)
      tpu.yield
    }) : () -> ()
    %barrier3A_76 = arith.constant 0 : index
    tpu.barrier barrier_id(%barrier3A_76)
    %dma_start3A_77 = arith.constant 0 : i32
    %dma_start3A_78 = arith.constant 0 : i32
    %dma_start3A_79 = tpu.memref_slice %arg8[%dma_start3A_77, %dma_start3A_78] : memref<40x128xi32, #tpu.memory_space<vmem>> -> memref<1x128xi32, #tpu.memory_space<vmem>>
    %dma_start3A_80 = tpu.memref_squeeze %dma_start3A_79 : memref<1x128xi32, #tpu.memory_space<vmem>> -> memref<128xi32, #tpu.memory_space<vmem>>
    %dma_start3A_81 = arith.constant 0 : i32
    %dma_start3A_82 = arith.constant 0 : i32
    %dma_start3A_83 = tpu.memref_slice %arg3[%dma_start3A_81, %dma_start3A_82] : memref<20096x128xf32, #tpu.memory_space<hbm>> -> memref<20096x128xf32, #tpu.memory_space<hbm>>
    tpu.enqueue_indirect_dma source(%dma_start3A_83 : memref<20096x128xf32, #tpu.memory_space<hbm>>) target(%arg10 : memref<128x128xf32, #tpu.memory_space<vmem>>) offsets(%dma_start3A_80 : memref<128xi32, #tpu.memory_space<vmem>>) semaphore(%arg13 : memref<!tpu.dma_semaphore, #tpu.memory_space<semaphore_mem>>)
    %dma_start3A_84 = arith.constant 1 : i32
    %dma_start3A_85 = arith.constant 0 : i32
    %dma_start3A_86 = tpu.memref_slice %arg8[%dma_start3A_84, %dma_start3A_85] : memref<40x128xi32, #tpu.memory_space<vmem>> -> memref<1x128xi32, #tpu.memory_space<vmem>>
    %dma_start3A_87 = tpu.memref_squeeze %dma_start3A_86 : memref<1x128xi32, #tpu.memory_space<vmem>> -> memref<128xi32, #tpu.memory_space<vmem>>
    %dma_start3A_88 = arith.constant 0 : i32
    %dma_start3A_89 = arith.constant 0 : i32
    %dma_start3A_90 = tpu.memref_slice %arg3[%dma_start3A_88, %dma_start3A_89] : memref<20096x128xf32, #tpu.memory_space<hbm>> -> memref<20096x128xf32, #tpu.memory_space<hbm>>
    tpu.enqueue_indirect_dma source(%dma_start3A_90 : memref<20096x128xf32, #tpu.memory_space<hbm>>) target(%arg11 : memref<128x128xf32, #tpu.memory_space<vmem>>) offsets(%dma_start3A_87 : memref<128xi32, #tpu.memory_space<vmem>>) semaphore(%arg14 : memref<!tpu.dma_semaphore, #tpu.memory_space<semaphore_mem>>)
    %scan3A_91 = arith.constant 0 : i32
    %scan3A_92 = arith.constant 0 : i32
    %scan3A_93 = arith.constant 19 : i32
    %scan3A_94 = arith.addi %scan3A_92, %scan3A_93 : i32
    %scan3A_95 = arith.constant 1 : i32
    scf.for %scan3A_151 = %scan3A_92 to %scan3A_94 step %scan3A_95  : i32 {
      %mul3A_152 = arith.constant 2 : i32
      %mul3A_153 = arith.muli %mul3A_152, %scan3A_151 : i32
      %mul3A_154 = arith.constant 2 : i32
      %mul3A_155 = arith.muli %mul3A_154, %scan3A_151 : i32
      %add3A_156 = arith.constant 1 : i32
      %add3A_157 = arith.addi %mul3A_155, %add3A_156 : i32
      %dma_wait3A_158 = arith.constant 0 : i32
      %dma_wait3A_159 = tpu.memref_slice %arg8[%mul3A_153, %dma_wait3A_158] : memref<40x128xi32, #tpu.memory_space<vmem>> -> memref<1x128xi32, #tpu.memory_space<vmem>>
      %dma_wait3A_160 = tpu.memref_squeeze %dma_wait3A_159 : memref<1x128xi32, #tpu.memory_space<vmem>> -> memref<128xi32, #tpu.memory_space<vmem>>
      %dma_wait3A_161 = arith.constant 0 : i32
      %dma_wait3A_162 = arith.constant 0 : i32
      %dma_wait3A_163 = tpu.memref_slice %arg3[%dma_wait3A_161, %dma_wait3A_162] : memref<20096x128xf32, #tpu.memory_space<hbm>> -> memref<20096x128xf32, #tpu.memory_space<hbm>>
      tpu.wait_indirect_dma semaphore(%arg13 : memref<!tpu.dma_semaphore, #tpu.memory_space<semaphore_mem>>) src(%dma_wait3A_163 : memref<20096x128xf32, #tpu.memory_space<hbm>>) dst(%arg10 : memref<128x128xf32, #tpu.memory_space<vmem>>)
      %dma_start3A_164 = arith.constant 0 : i32
      %dma_start3A_165 = tpu.memref_slice %arg9[%mul3A_153, %dma_start3A_164] : memref<40x128xi32, #tpu.memory_space<vmem>> -> memref<1x128xi32, #tpu.memory_space<vmem>>
      %dma_start3A_166 = tpu.memref_squeeze %dma_start3A_165 : memref<1x128xi32, #tpu.memory_space<vmem>> -> memref<128xi32, #tpu.memory_space<vmem>>
      %dma_start3A_167 = arith.constant 0 : i32
      %dma_start3A_168 = arith.constant 0 : i32
      %dma_start3A_169 = tpu.memref_slice %arg12[%dma_start3A_167, %dma_start3A_168] : memref<10112x128xf32, #tpu.memory_space<vmem_shared>> -> memref<10112x128xf32, #tpu.memory_space<vmem_shared>>
      tpu.enqueue_indirect_dma source(%arg10 : memref<128x128xf32, #tpu.memory_space<vmem>>) target(%dma_start3A_169 : memref<10112x128xf32, #tpu.memory_space<vmem_shared>>) offsets(%dma_start3A_166 : memref<128xi32, #tpu.memory_space<vmem>>) semaphore(%arg15 : memref<!tpu.dma_semaphore, #tpu.memory_space<semaphore_mem>>) {add = true}
      %dma_wait3A_170 = arith.constant 0 : i32
      %dma_wait3A_171 = tpu.memref_slice %arg8[%add3A_157, %dma_wait3A_170] : memref<40x128xi32, #tpu.memory_space<vmem>> -> memref<1x128xi32, #tpu.memory_space<vmem>>
      %dma_wait3A_172 = tpu.memref_squeeze %dma_wait3A_171 : memref<1x128xi32, #tpu.memory_space<vmem>> -> memref<128xi32, #tpu.memory_space<vmem>>
      %dma_wait3A_173 = arith.constant 0 : i32
      %dma_wait3A_174 = arith.constant 0 : i32
      %dma_wait3A_175 = tpu.memref_slice %arg3[%dma_wait3A_173, %dma_wait3A_174] : memref<20096x128xf32, #tpu.memory_space<hbm>> -> memref<20096x128xf32, #tpu.memory_space<hbm>>
      tpu.wait_indirect_dma semaphore(%arg14 : memref<!tpu.dma_semaphore, #tpu.memory_space<semaphore_mem>>) src(%dma_wait3A_175 : memref<20096x128xf32, #tpu.memory_space<hbm>>) dst(%arg11 : memref<128x128xf32, #tpu.memory_space<vmem>>)
      %dma_start3A_176 = arith.constant 0 : i32
      %dma_start3A_177 = tpu.memref_slice %arg9[%add3A_157, %dma_start3A_176] : memref<40x128xi32, #tpu.memory_space<vmem>> -> memref<1x128xi32, #tpu.memory_space<vmem>>
      %dma_start3A_178 = tpu.memref_squeeze %dma_start3A_177 : memref<1x128xi32, #tpu.memory_space<vmem>> -> memref<128xi32, #tpu.memory_space<vmem>>
      %dma_start3A_179 = arith.constant 0 : i32
      %dma_start3A_180 = arith.constant 0 : i32
      %dma_start3A_181 = tpu.memref_slice %arg12[%dma_start3A_179, %dma_start3A_180] : memref<10112x128xf32, #tpu.memory_space<vmem_shared>> -> memref<10112x128xf32, #tpu.memory_space<vmem_shared>>
      tpu.enqueue_indirect_dma source(%arg11 : memref<128x128xf32, #tpu.memory_space<vmem>>) target(%dma_start3A_181 : memref<10112x128xf32, #tpu.memory_space<vmem_shared>>) offsets(%dma_start3A_178 : memref<128xi32, #tpu.memory_space<vmem>>) semaphore(%arg16 : memref<!tpu.dma_semaphore, #tpu.memory_space<semaphore_mem>>) {add = true}
      %mul3A_182 = arith.constant 2 : i32
      %mul3A_183 = arith.muli %mul3A_182, %scan3A_151 : i32
      %mul3A_184 = arith.constant 2 : i32
      %mul3A_185 = arith.muli %mul3A_184, %scan3A_151 : i32
      %add3A_186 = arith.constant 1 : i32
      %add3A_187 = arith.addi %mul3A_185, %add3A_186 : i32
      %dma_wait3A_188 = arith.constant 0 : i32
      %dma_wait3A_189 = tpu.memref_slice %arg9[%mul3A_183, %dma_wait3A_188] : memref<40x128xi32, #tpu.memory_space<vmem>> -> memref<1x128xi32, #tpu.memory_space<vmem>>
      %dma_wait3A_190 = tpu.memref_squeeze %dma_wait3A_189 : memref<1x128xi32, #tpu.memory_space<vmem>> -> memref<128xi32, #tpu.memory_space<vmem>>
      %dma_wait3A_191 = arith.constant 0 : i32
      %dma_wait3A_192 = arith.constant 0 : i32
      %dma_wait3A_193 = tpu.memref_slice %arg12[%dma_wait3A_191, %dma_wait3A_192] : memref<10112x128xf32, #tpu.memory_space<vmem_shared>> -> memref<10112x128xf32, #tpu.memory_space<vmem_shared>>
      tpu.wait_indirect_dma semaphore(%arg15 : memref<!tpu.dma_semaphore, #tpu.memory_space<semaphore_mem>>) src(%arg10 : memref<128x128xf32, #tpu.memory_space<vmem>>) dst(%dma_wait3A_193 : memref<10112x128xf32, #tpu.memory_space<vmem_shared>>)
      %add3A_194 = arith.constant 2 : i32
      %add3A_195 = arith.addi %mul3A_183, %add3A_194 : i32
      %dma_start3A_196 = arith.constant 0 : i32
      %dma_start3A_197 = tpu.memref_slice %arg8[%add3A_195, %dma_start3A_196] : memref<40x128xi32, #tpu.memory_space<vmem>> -> memref<1x128xi32, #tpu.memory_space<vmem>>
      %dma_start3A_198 = tpu.memref_squeeze %dma_start3A_197 : memref<1x128xi32, #tpu.memory_space<vmem>> -> memref<128xi32, #tpu.memory_space<vmem>>
      %dma_start3A_199 = arith.constant 0 : i32
      %dma_start3A_200 = arith.constant 0 : i32
      %dma_start3A_201 = tpu.memref_slice %arg3[%dma_start3A_199, %dma_start3A_200] : memref<20096x128xf32, #tpu.memory_space<hbm>> -> memref<20096x128xf32, #tpu.memory_space<hbm>>
      tpu.enqueue_indirect_dma source(%dma_start3A_201 : memref<20096x128xf32, #tpu.memory_space<hbm>>) target(%arg10 : memref<128x128xf32, #tpu.memory_space<vmem>>) offsets(%dma_start3A_198 : memref<128xi32, #tpu.memory_space<vmem>>) semaphore(%arg13 : memref<!tpu.dma_semaphore, #tpu.memory_space<semaphore_mem>>)
      %dma_wait3A_202 = arith.constant 0 : i32
      %dma_wait3A_203 = tpu.memref_slice %arg9[%add3A_187, %dma_wait3A_202] : memref<40x128xi32, #tpu.memory_space<vmem>> -> memref<1x128xi32, #tpu.memory_space<vmem>>
      %dma_wait3A_204 = tpu.memref_squeeze %dma_wait3A_203 : memref<1x128xi32, #tpu.memory_space<vmem>> -> memref<128xi32, #tpu.memory_space<vmem>>
      %dma_wait3A_205 = arith.constant 0 : i32
      %dma_wait3A_206 = arith.constant 0 : i32
      %dma_wait3A_207 = tpu.memref_slice %arg12[%dma_wait3A_205, %dma_wait3A_206] : memref<10112x128xf32, #tpu.memory_space<vmem_shared>> -> memref<10112x128xf32, #tpu.memory_space<vmem_shared>>
      tpu.wait_indirect_dma semaphore(%arg16 : memref<!tpu.dma_semaphore, #tpu.memory_space<semaphore_mem>>) src(%arg11 : memref<128x128xf32, #tpu.memory_space<vmem>>) dst(%dma_wait3A_207 : memref<10112x128xf32, #tpu.memory_space<vmem_shared>>)
      %add3A_208 = arith.constant 2 : i32
      %add3A_209 = arith.addi %add3A_187, %add3A_208 : i32
      %dma_start3A_210 = arith.constant 0 : i32
      %dma_start3A_211 = tpu.memref_slice %arg8[%add3A_209, %dma_start3A_210] : memref<40x128xi32, #tpu.memory_space<vmem>> -> memref<1x128xi32, #tpu.memory_space<vmem>>
      %dma_start3A_212 = tpu.memref_squeeze %dma_start3A_211 : memref<1x128xi32, #tpu.memory_space<vmem>> -> memref<128xi32, #tpu.memory_space<vmem>>
      %dma_start3A_213 = arith.constant 0 : i32
      %dma_start3A_214 = arith.constant 0 : i32
      %dma_start3A_215 = tpu.memref_slice %arg3[%dma_start3A_213, %dma_start3A_214] : memref<20096x128xf32, #tpu.memory_space<hbm>> -> memref<20096x128xf32, #tpu.memory_space<hbm>>
      tpu.enqueue_indirect_dma source(%dma_start3A_215 : memref<20096x128xf32, #tpu.memory_space<hbm>>) target(%arg11 : memref<128x128xf32, #tpu.memory_space<vmem>>) offsets(%dma_start3A_212 : memref<128xi32, #tpu.memory_space<vmem>>) semaphore(%arg14 : memref<!tpu.dma_semaphore, #tpu.memory_space<semaphore_mem>>)
    }
    %scan3A_96 = arith.constant 19 : i32
    %dma_wait3A_97 = arith.constant 38 : i32
    %dma_wait3A_98 = arith.constant 0 : i32
    %dma_wait3A_99 = tpu.memref_slice %arg8[%dma_wait3A_97, %dma_wait3A_98] : memref<40x128xi32, #tpu.memory_space<vmem>> -> memref<1x128xi32, #tpu.memory_space<vmem>>
    %dma_wait3A_100 = tpu.memref_squeeze %dma_wait3A_99 : memref<1x128xi32, #tpu.memory_space<vmem>> -> memref<128xi32, #tpu.memory_space<vmem>>
    %dma_wait3A_101 = arith.constant 0 : i32
    %dma_wait3A_102 = arith.constant 0 : i32
    %dma_wait3A_103 = tpu.memref_slice %arg3[%dma_wait3A_101, %dma_wait3A_102] : memref<20096x128xf32, #tpu.memory_space<hbm>> -> memref<20096x128xf32, #tpu.memory_space<hbm>>
    tpu.wait_indirect_dma semaphore(%arg13 : memref<!tpu.dma_semaphore, #tpu.memory_space<semaphore_mem>>) src(%dma_wait3A_103 : memref<20096x128xf32, #tpu.memory_space<hbm>>) dst(%arg10 : memref<128x128xf32, #tpu.memory_space<vmem>>)
    %dma_start3A_104 = arith.constant 38 : i32
    %dma_start3A_105 = arith.constant 0 : i32
    %dma_start3A_106 = tpu.memref_slice %arg9[%dma_start3A_104, %dma_start3A_105] : memref<40x128xi32, #tpu.memory_space<vmem>> -> memref<1x128xi32, #tpu.memory_space<vmem>>
    %dma_start3A_107 = tpu.memref_squeeze %dma_start3A_106 : memref<1x128xi32, #tpu.memory_space<vmem>> -> memref<128xi32, #tpu.memory_space<vmem>>
    %dma_start3A_108 = arith.constant 0 : i32
    %dma_start3A_109 = arith.constant 0 : i32
    %dma_start3A_110 = tpu.memref_slice %arg12[%dma_start3A_108, %dma_start3A_109] : memref<10112x128xf32, #tpu.memory_space<vmem_shared>> -> memref<10112x128xf32, #tpu.memory_space<vmem_shared>>
    tpu.enqueue_indirect_dma source(%arg10 : memref<128x128xf32, #tpu.memory_space<vmem>>) target(%dma_start3A_110 : memref<10112x128xf32, #tpu.memory_space<vmem_shared>>) offsets(%dma_start3A_107 : memref<128xi32, #tpu.memory_space<vmem>>) semaphore(%arg15 : memref<!tpu.dma_semaphore, #tpu.memory_space<semaphore_mem>>) {add = true}
    %dma_wait3A_111 = arith.constant 39 : i32
    %dma_wait3A_112 = arith.constant 0 : i32
    %dma_wait3A_113 = tpu.memref_slice %arg8[%dma_wait3A_111, %dma_wait3A_112] : memref<40x128xi32, #tpu.memory_space<vmem>> -> memref<1x128xi32, #tpu.memory_space<vmem>>
    %dma_wait3A_114 = tpu.memref_squeeze %dma_wait3A_113 : memref<1x128xi32, #tpu.memory_space<vmem>> -> memref<128xi32, #tpu.memory_space<vmem>>
    %dma_wait3A_115 = arith.constant 0 : i32
    %dma_wait3A_116 = arith.constant 0 : i32
    %dma_wait3A_117 = tpu.memref_slice %arg3[%dma_wait3A_115, %dma_wait3A_116] : memref<20096x128xf32, #tpu.memory_space<hbm>> -> memref<20096x128xf32, #tpu.memory_space<hbm>>
    tpu.wait_indirect_dma semaphore(%arg14 : memref<!tpu.dma_semaphore, #tpu.memory_space<semaphore_mem>>) src(%dma_wait3A_117 : memref<20096x128xf32, #tpu.memory_space<hbm>>) dst(%arg11 : memref<128x128xf32, #tpu.memory_space<vmem>>)
    %dma_start3A_118 = arith.constant 39 : i32
    %dma_start3A_119 = arith.constant 0 : i32
    %dma_start3A_120 = tpu.memref_slice %arg9[%dma_start3A_118, %dma_start3A_119] : memref<40x128xi32, #tpu.memory_space<vmem>> -> memref<1x128xi32, #tpu.memory_space<vmem>>
    %dma_start3A_121 = tpu.memref_squeeze %dma_start3A_120 : memref<1x128xi32, #tpu.memory_space<vmem>> -> memref<128xi32, #tpu.memory_space<vmem>>
    %dma_start3A_122 = arith.constant 0 : i32
    %dma_start3A_123 = arith.constant 0 : i32
    %dma_start3A_124 = tpu.memref_slice %arg12[%dma_start3A_122, %dma_start3A_123] : memref<10112x128xf32, #tpu.memory_space<vmem_shared>> -> memref<10112x128xf32, #tpu.memory_space<vmem_shared>>
    tpu.enqueue_indirect_dma source(%arg11 : memref<128x128xf32, #tpu.memory_space<vmem>>) target(%dma_start3A_124 : memref<10112x128xf32, #tpu.memory_space<vmem_shared>>) offsets(%dma_start3A_121 : memref<128xi32, #tpu.memory_space<vmem>>) semaphore(%arg16 : memref<!tpu.dma_semaphore, #tpu.memory_space<semaphore_mem>>) {add = true}
    %dma_wait3A_125 = arith.constant 38 : i32
    %dma_wait3A_126 = arith.constant 0 : i32
    %dma_wait3A_127 = tpu.memref_slice %arg9[%dma_wait3A_125, %dma_wait3A_126] : memref<40x128xi32, #tpu.memory_space<vmem>> -> memref<1x128xi32, #tpu.memory_space<vmem>>
    %dma_wait3A_128 = tpu.memref_squeeze %dma_wait3A_127 : memref<1x128xi32, #tpu.memory_space<vmem>> -> memref<128xi32, #tpu.memory_space<vmem>>
    %dma_wait3A_129 = arith.constant 0 : i32
    %dma_wait3A_130 = arith.constant 0 : i32
    %dma_wait3A_131 = tpu.memref_slice %arg12[%dma_wait3A_129, %dma_wait3A_130] : memref<10112x128xf32, #tpu.memory_space<vmem_shared>> -> memref<10112x128xf32, #tpu.memory_space<vmem_shared>>
    tpu.wait_indirect_dma semaphore(%arg15 : memref<!tpu.dma_semaphore, #tpu.memory_space<semaphore_mem>>) src(%arg10 : memref<128x128xf32, #tpu.memory_space<vmem>>) dst(%dma_wait3A_131 : memref<10112x128xf32, #tpu.memory_space<vmem_shared>>)
    %dma_wait3A_132 = arith.constant 39 : i32
    %dma_wait3A_133 = arith.constant 0 : i32
    %dma_wait3A_134 = tpu.memref_slice %arg9[%dma_wait3A_132, %dma_wait3A_133] : memref<40x128xi32, #tpu.memory_space<vmem>> -> memref<1x128xi32, #tpu.memory_space<vmem>>
    %dma_wait3A_135 = tpu.memref_squeeze %dma_wait3A_134 : memref<1x128xi32, #tpu.memory_space<vmem>> -> memref<128xi32, #tpu.memory_space<vmem>>
    %dma_wait3A_136 = arith.constant 0 : i32
    %dma_wait3A_137 = arith.constant 0 : i32
    %dma_wait3A_138 = tpu.memref_slice %arg12[%dma_wait3A_136, %dma_wait3A_137] : memref<10112x128xf32, #tpu.memory_space<vmem_shared>> -> memref<10112x128xf32, #tpu.memory_space<vmem_shared>>
    tpu.wait_indirect_dma semaphore(%arg16 : memref<!tpu.dma_semaphore, #tpu.memory_space<semaphore_mem>>) src(%arg11 : memref<128x128xf32, #tpu.memory_space<vmem>>) dst(%dma_wait3A_138 : memref<10112x128xf32, #tpu.memory_space<vmem_shared>>)
    %barrier3A_139 = arith.constant 0 : index
    tpu.barrier barrier_id(%barrier3A_139)
    %mul3A_140 = arith.constant 2 : i32
    %mul3A_141 = arith.muli %arg0, %mul3A_140 : i32
    %add3A_142 = arith.constant 1 : i32
    %add3A_143 = arith.addi %mul3A_141, %add3A_142 : i32
    %mul3A_144 = arith.constant 10112 : i32
    %mul3A_145 = arith.muli %add3A_143, %mul3A_144 : i32
    %mul3A_146 = arith.constant 632 : i32
    %mul3A_147 = arith.muli %arg1, %mul3A_146 : i32
    %add3A_148 = arith.addi %mul3A_145, %mul3A_147 : i32
    %mul3A_149 = arith.constant 632 : i32
    %mul3A_150 = arith.muli %arg1, %mul3A_149 : i32
    "tpu.region"() ({
      %run_scoped3A = tpu.sem_alloc : memref<!tpu.dma_semaphore, #tpu.memory_space<semaphore_mem>>
      %dma_start3A_151 = arith.constant 0 : i32
      %dma_start3A_152 = tpu.memref_slice %arg7[%add3A_148, %dma_start3A_151] : memref<40448x128xf32, #tpu.memory_space<hbm>> -> memref<632x128xf32, #tpu.memory_space<hbm>>
      %dma_start3A_153 = arith.constant 0 : i32
      %dma_start3A_154 = tpu.memref_slice %arg12[%mul3A_150, %dma_start3A_153] : memref<10112x128xf32, #tpu.memory_space<vmem_shared>> -> memref<632x128xf32, #tpu.memory_space<vmem_shared>>
      tpu.enqueue_dma source(%dma_start3A_154 : memref<632x128xf32, #tpu.memory_space<vmem_shared>>) target(%dma_start3A_152 : memref<632x128xf32, #tpu.memory_space<hbm>>) target_semaphore(%run_scoped3A : memref<!tpu.dma_semaphore, #tpu.memory_space<semaphore_mem>>)
      %dma_wait3A_155 = arith.constant 0 : i32
      %dma_wait3A_156 = tpu.memref_slice %arg7[%add3A_148, %dma_wait3A_155] : memref<40448x128xf32, #tpu.memory_space<hbm>> -> memref<632x128xf32, #tpu.memory_space<hbm>>
      %dma_wait3A_157 = arith.constant 0 : i32
      %dma_wait3A_158 = tpu.memref_slice %arg12[%mul3A_150, %dma_wait3A_157] : memref<10112x128xf32, #tpu.memory_space<vmem_shared>> -> memref<632x128xf32, #tpu.memory_space<vmem_shared>>
      tpu.wait_dma2 semaphore(%run_scoped3A : memref<!tpu.dma_semaphore, #tpu.memory_space<semaphore_mem>>) src(%dma_wait3A_158 : memref<632x128xf32, #tpu.memory_space<vmem_shared>>) dst(%dma_wait3A_156 : memref<632x128xf32, #tpu.memory_space<hbm>>)
      tpu.yield
    }) : () -> ()
    return
  }
}

module attributes {stable_mosaic.version = 14 : i64} {
  func.func @_edge_scale_body(%arg0: i32, %arg1: i32, %arg2: memref<2x2x2512x64xf32, #tpu.memory_space<vmem>>, %arg3: memref<2x2512x16xf32, #tpu.memory_space<vmem>>, %arg4: memref<2512x1xf32, #tpu.memory_space<vmem>>, %arg5: memref<1x2512x128xf32, #tpu.memory_space<vmem>>) attributes {dimension_semantics = [#tpu.dimension_semantics<arbitrary>, #tpu.dimension_semantics<arbitrary>], iteration_bounds = array<i64: 2, 8>, scalar_prefetch = 0 : i64, scratch_operands = 0 : i64, tpu.core_type = #tpu.core_type<tc>, window_params = [{transform_indices = @transform_0, window_bounds = array<i64: 2, 2, 2512, 64>}, {transform_indices = @transform_1, window_bounds = array<i64: 2, 2512, 16>}, {transform_indices = @transform_2, window_bounds = array<i64: 2512, 1>}, {transform_indices = @transform_3, window_bounds = array<i64: 1, 2512, 128>}]} {
    %get3A = arith.constant 0 : index
    %get3A_0 = arith.constant 0 : index
    %get3A_1 = arith.constant 0 : index
    %get3A_2 = arith.constant 0 : index
    %get3A_3 = vector.load %arg2[%get3A, %get3A_0, %get3A_1, %get3A_2] : memref<2x2x2512x64xf32, #tpu.memory_space<vmem>>, vector<1x2x2512x64xf32>
    %get3A_4 = vector.shape_cast %get3A_3 : vector<1x2x2512x64xf32> to vector<2x2512x64xf32>
    %get3A_5 = arith.constant 1 : index
    %get3A_6 = arith.constant 0 : index
    %get3A_7 = arith.constant 0 : index
    %get3A_8 = arith.constant 0 : index
    %get3A_9 = vector.load %arg2[%get3A_5, %get3A_6, %get3A_7, %get3A_8] : memref<2x2x2512x64xf32, #tpu.memory_space<vmem>>, vector<1x2x2512x64xf32>
    %get3A_10 = vector.shape_cast %get3A_9 : vector<1x2x2512x64xf32> to vector<2x2512x64xf32>
    %add3A = arith.addf %get3A_4, %get3A_10 : vector<2x2512x64xf32>
    %get3A_11 = arith.constant 0 : index
    %get3A_12 = arith.constant 0 : index
    %get3A_13 = arith.constant 0 : index
    %get3A_14 = vector.load %arg3[%get3A_11, %get3A_12, %get3A_13] : memref<2x2512x16xf32, #tpu.memory_space<vmem>>, vector<1x2512x1xf32>
    %get3A_15 = vector.shape_cast %get3A_14 : vector<1x2512x1xf32> to vector<2512x1xf32>
    %get3A_16 = arith.constant 1 : index
    %get3A_17 = arith.constant 0 : index
    %get3A_18 = arith.constant 0 : index
    %get3A_19 = vector.load %arg3[%get3A_16, %get3A_17, %get3A_18] : memref<2x2512x16xf32, #tpu.memory_space<vmem>>, vector<1x2512x1xf32>
    %get3A_20 = vector.shape_cast %get3A_19 : vector<1x2512x1xf32> to vector<2512x1xf32>
    %add3A_21 = arith.addf %get3A_15, %get3A_20 : vector<2512x1xf32>
    %get3A_22 = arith.constant 0 : index
    %get3A_23 = arith.constant 0 : index
    %get3A_24 = vector.load %arg4[%get3A_22, %get3A_23] : memref<2512x1xf32, #tpu.memory_space<vmem>>, vector<2512x1xf32>
    %max3A = arith.constant 1.000000e+00 : f32
    %max3A_25 = vector.broadcast %max3A : f32 to vector<2512x1xf32>
    %max3A_26 = arith.maximumf %add3A_21, %max3A_25 : vector<2512x1xf32>
    %div3A = arith.divf %get3A_24, %max3A_26 : vector<2512x1xf32>
    %slice3A = vector.extract_strided_slice %add3A {offsets = [0, 0, 0], sizes = [1, 2512, 64], strides = [1, 1, 1]} : vector<2x2512x64xf32> to vector<1x2512x64xf32>
    %squeeze3A = vector.shape_cast %slice3A : vector<1x2512x64xf32> to vector<2512x64xf32>
    %mul3A = vector.broadcast %div3A : vector<2512x1xf32> to vector<2512x64xf32>
    %mul3A_27 = arith.mulf %squeeze3A, %mul3A : vector<2512x64xf32>
    %slice3A_28 = vector.extract_strided_slice %add3A {offsets = [1, 0, 0], sizes = [1, 2512, 64], strides = [1, 1, 1]} : vector<2x2512x64xf32> to vector<1x2512x64xf32>
    %squeeze3A_29 = vector.shape_cast %slice3A_28 : vector<1x2512x64xf32> to vector<2512x64xf32>
    %mul3A_30 = vector.broadcast %div3A : vector<2512x1xf32> to vector<2512x64xf32>
    %mul3A_31 = arith.mulf %squeeze3A_29, %mul3A_30 : vector<2512x64xf32>
    %concatenate3A = tpu.concatenate %mul3A_27, %mul3A_31 in 1 : vector<2512x64xf32>, vector<2512x64xf32> -> vector<2512x128xf32>
    %swap3A = arith.constant 0 : index
    %swap3A_32 = arith.constant 0 : index
    %swap3A_33 = arith.constant 0 : index
    %swap3A_34 = vector.load %arg5[%swap3A, %swap3A_32, %swap3A_33] : memref<1x2512x128xf32, #tpu.memory_space<vmem>>, vector<1x2512x128xf32>
    %swap3A_35 = vector.shape_cast %swap3A_34 : vector<1x2512x128xf32> to vector<2512x128xf32>
    %swap3A_36 = vector.shape_cast %concatenate3A : vector<2512x128xf32> to vector<1x2512x128xf32>
    tpu.vector_store %arg5[%swap3A, %swap3A_32, %swap3A_33], %swap3A_36 {strides = array<i32>} : memref<1x2512x128xf32, #tpu.memory_space<vmem>>, vector<1x2512x128xf32>,
    return
  }
  func.func @transform_0(%arg0: i32, %arg1: i32) -> (i32, i32, i32, i32) {
    %c0_i32 = arith.constant 0 : i32
    %c0_i32_0 = arith.constant 0 : i32
    %c0_i32_1 = arith.constant 0 : i32
    return %c0_i32, %arg0, %arg1, %c0_i32_0 : i32, i32, i32, i32
  }
  func.func @transform_1(%arg0: i32, %arg1: i32) -> (i32, i32, i32) {
    %c0_i32 = arith.constant 0 : i32
    %c0_i32_0 = arith.constant 0 : i32
    %c0_i32_1 = arith.constant 0 : i32
    return %c0_i32, %arg1, %c0_i32_0 : i32, i32, i32
  }
  func.func @transform_2(%arg0: i32, %arg1: i32) -> (i32, i32) {
    %c0_i32 = arith.constant 0 : i32
    %c0_i32_0 = arith.constant 0 : i32
    return %arg1, %c0_i32 : i32, i32
  }
  func.func @transform_3(%arg0: i32, %arg1: i32) -> (i32, i32, i32) {
    %c0_i32 = arith.constant 0 : i32
    %c0_i32_0 = arith.constant 0 : i32
    return %arg0, %arg1, %c0_i32 : i32, i32, i32
  }
}

module attributes {stable_mosaic.version = 14 : i64} {
  func.func @_tail_body(%arg0: i32, %arg1: memref<1x1xf32, #tpu.memory_space<smem>>, %arg2: memref<1x1xf32, #tpu.memory_space<smem>>, %arg3: memref<2x2x400x128xf32, #tpu.memory_space<vmem>>, %arg4: memref<400x1xf32, #tpu.memory_space<vmem>>, %arg5: memref<400x256xf32, #tpu.memory_space<vmem>>, %arg6: memref<256x256xf32, #tpu.memory_space<vmem>>, %arg7: memref<400x256xf32, #tpu.memory_space<vmem>>) attributes {dimension_semantics = [#tpu.dimension_semantics<arbitrary>], iteration_bounds = array<i64: 25>, scalar_prefetch = 0 : i64, scratch_operands = 0 : i64, tpu.core_type = #tpu.core_type<tc>, window_params = [{transform_indices = @transform_0, window_bounds = array<i64: 1, 1>}, {transform_indices = @transform_1, window_bounds = array<i64: 1, 1>}, {transform_indices = @transform_2, window_bounds = array<i64: 2, 2, 400, 128>}, {transform_indices = @transform_3, window_bounds = array<i64: 400, 1>}, {transform_indices = @transform_4, window_bounds = array<i64: 400, 256>}, {pipeline_mode = #tpu.pipeline_mode<synchronous>, transform_indices = @transform_5, window_bounds = array<i64: 256, 256>}, {transform_indices = @transform_6, window_bounds = array<i64: 400, 256>}]} {
    %get3A = arith.constant 0 : index
    %get3A_0 = arith.constant 0 : index
    %get3A_1 = arith.constant 0 : index
    %get3A_2 = arith.constant 0 : index
    %get3A_3 = vector.load %arg3[%get3A, %get3A_0, %get3A_1, %get3A_2] : memref<2x2x400x128xf32, #tpu.memory_space<vmem>>, vector<1x2x400x128xf32>
    %get3A_4 = vector.shape_cast %get3A_3 : vector<1x2x400x128xf32> to vector<2x400x128xf32>
    %get3A_5 = arith.constant 1 : index
    %get3A_6 = arith.constant 0 : index
    %get3A_7 = arith.constant 0 : index
    %get3A_8 = arith.constant 0 : index
    %get3A_9 = vector.load %arg3[%get3A_5, %get3A_6, %get3A_7, %get3A_8] : memref<2x2x400x128xf32, #tpu.memory_space<vmem>>, vector<1x2x400x128xf32>
    %get3A_10 = vector.shape_cast %get3A_9 : vector<1x2x400x128xf32> to vector<2x400x128xf32>
    %add3A = arith.addf %get3A_4, %get3A_10 : vector<2x400x128xf32>
    %slice3A = vector.extract_strided_slice %add3A {offsets = [0, 0, 0], sizes = [1, 400, 128], strides = [1, 1, 1]} : vector<2x400x128xf32> to vector<1x400x128xf32>
    %squeeze3A = vector.shape_cast %slice3A : vector<1x400x128xf32> to vector<400x128xf32>
    %slice3A_11 = vector.extract_strided_slice %add3A {offsets = [1, 0, 0], sizes = [1, 400, 128], strides = [1, 1, 1]} : vector<2x400x128xf32> to vector<1x400x128xf32>
    %squeeze3A_12 = vector.shape_cast %slice3A_11 : vector<1x400x128xf32> to vector<400x128xf32>
    %concatenate3A = tpu.concatenate %squeeze3A, %squeeze3A_12 in 1 : vector<400x128xf32>, vector<400x128xf32> -> vector<400x256xf32>
    %get3A_13 = arith.constant 0 : index
    %get3A_14 = arith.constant 0 : index
    %get3A_15 = vector.load %arg4[%get3A_13, %get3A_14] : memref<400x1xf32, #tpu.memory_space<vmem>>, vector<400x1xf32>
    %mul3A = vector.broadcast %get3A_15 : vector<400x1xf32> to vector<400x256xf32>
    %mul3A_16 = arith.mulf %concatenate3A, %mul3A : vector<400x256xf32>
    %mul3A_17 = arith.constant 5.000000e-01 : f32
    %mul3A_18 = vector.broadcast %mul3A_17 : f32 to vector<400x256xf32>
    %mul3A_19 = arith.mulf %mul3A_18, %mul3A_16 : vector<400x256xf32>
    %mul3A_20 = arith.constant 0.707106769 : f32
    %mul3A_21 = vector.broadcast %mul3A_20 : f32 to vector<400x256xf32>
    %mul3A_22 = arith.mulf %mul3A_16, %mul3A_21 : vector<400x256xf32>
    %erf3A = math.erf %mul3A_22 : vector<400x256xf32>
    %add3A_23 = arith.constant 1.000000e+00 : f32
    %add3A_24 = vector.broadcast %add3A_23 : f32 to vector<400x256xf32>
    %add3A_25 = arith.addf %add3A_24, %erf3A : vector<400x256xf32>
    %mul3A_26 = arith.mulf %mul3A_19, %add3A_25 : vector<400x256xf32>
    %get3A_27 = arith.constant 0 : index
    %get3A_28 = arith.constant 0 : index
    %get3A_29 = memref.load %arg1[%get3A_27, %get3A_28] : memref<1x1xf32, #tpu.memory_space<smem>>
    %get3A_30 = arith.constant 0 : index
    %get3A_31 = arith.constant 0 : index
    %get3A_32 = memref.load %arg2[%get3A_30, %get3A_31] : memref<1x1xf32, #tpu.memory_space<smem>>
    %sub3A = arith.constant 1.000000e+00 : f32
    %sub3A_33 = arith.subf %sub3A, %get3A_29 : f32
    %mul3A_34 = vector.broadcast %sub3A_33 : f32 to vector<400x256xf32>
    %mul3A_35 = arith.mulf %mul3A_34, %mul3A_26 : vector<400x256xf32>
    %get3A_36 = arith.constant 0 : index
    %get3A_37 = arith.constant 0 : index
    %get3A_38 = vector.load %arg5[%get3A_36, %get3A_37] : memref<400x256xf32, #tpu.memory_space<vmem>>, vector<400x256xf32>
    %mul3A_39 = vector.broadcast %get3A_29 : f32 to vector<400x256xf32>
    %mul3A_40 = arith.mulf %mul3A_39, %get3A_38 : vector<400x256xf32>
    %add3A_41 = arith.addf %mul3A_35, %mul3A_40 : vector<400x256xf32>
    %sub3A_42 = arith.constant 1.000000e+00 : f32
    %sub3A_43 = arith.subf %sub3A_42, %get3A_32 : f32
    %mul3A_44 = vector.broadcast %sub3A_43 : f32 to vector<400x256xf32>
    %mul3A_45 = arith.mulf %mul3A_44, %add3A_41 : vector<400x256xf32>
    %get3A_46 = arith.constant 0 : index
    %get3A_47 = arith.constant 0 : index
    %get3A_48 = vector.load %arg6[%get3A_46, %get3A_47] : memref<256x256xf32, #tpu.memory_space<vmem>>, vector<256x256xf32>
    %dot_general3A = arith.constant dense<0.000000e+00> : vector<400x256xf32>
    %dot_general3A_49 = tpu.matmul %add3A_41, %get3A_48, %dot_general3A {dimension_numbers = #tpu.dot_dimension_numbers<[1], [1], [0], [0], [0, 0, 1, 0], [], []>, transpose_lhs_hint = false} : vector<400x256xf32>, vector<256x256xf32>, vector<400x256xf32> -> vector<400x256xf32>
    %mul3A_50 = vector.broadcast %get3A_32 : f32 to vector<400x256xf32>
    %mul3A_51 = arith.mulf %mul3A_50, %dot_general3A_49 : vector<400x256xf32>
    %add3A_52 = arith.addf %mul3A_45, %mul3A_51 : vector<400x256xf32>
    %swap3A = arith.constant 0 : index
    %swap3A_53 = arith.constant 0 : index
    %swap3A_54 = vector.load %arg7[%swap3A, %swap3A_53] : memref<400x256xf32, #tpu.memory_space<vmem>>, vector<400x256xf32>
    tpu.vector_store %arg7[%swap3A, %swap3A_53], %add3A_52 {strides = array<i32>} : memref<400x256xf32, #tpu.memory_space<vmem>>, vector<400x256xf32>,
    return
  }
  func.func @transform_0(%arg0: i32) -> (i32, i32) {
    %c0_i32 = arith.constant 0 : i32
    %c0_i32_0 = arith.constant 0 : i32
    %c0_i32_1 = arith.constant 0 : i32
    return %c0_i32, %c0_i32_0 : i32, i32
  }
  func.func @transform_1(%arg0: i32) -> (i32, i32) {
    %c0_i32 = arith.constant 0 : i32
    %c0_i32_0 = arith.constant 0 : i32
    %c0_i32_1 = arith.constant 0 : i32
    return %c0_i32, %c0_i32_0 : i32, i32
  }
  func.func @transform_2(%arg0: i32) -> (i32, i32, i32, i32) {
    %c0_i32 = arith.constant 0 : i32
    %c0_i32_0 = arith.constant 0 : i32
    %c0_i32_1 = arith.constant 0 : i32
    %c0_i32_2 = arith.constant 0 : i32
    return %c0_i32, %c0_i32_0, %arg0, %c0_i32_1 : i32, i32, i32, i32
  }
  func.func @transform_3(%arg0: i32) -> (i32, i32) {
    %c0_i32 = arith.constant 0 : i32
    %c0_i32_0 = arith.constant 0 : i32
    return %arg0, %c0_i32 : i32, i32
  }
  func.func @transform_4(%arg0: i32) -> (i32, i32) {
    %c0_i32 = arith.constant 0 : i32
    %c0_i32_0 = arith.constant 0 : i32
    return %arg0, %c0_i32 : i32, i32
  }
  func.func @transform_5(%arg0: i32) -> (i32, i32) {
    %c0_i32 = arith.constant 0 : i32
    %c0_i32_0 = arith.constant 0 : i32
    %c0_i32_1 = arith.constant 0 : i32
    return %c0_i32, %c0_i32_0 : i32, i32
  }
  func.func @transform_6(%arg0: i32) -> (i32, i32) {
    %c0_i32 = arith.constant 0 : i32
    %c0_i32_0 = arith.constant 0 : i32
    return %arg0, %c0_i32 : i32, i32
  }
}

</mosaic_0001>

<sc_bundles>
// kernel: kernel.6.cloned.1.call-start
scs
__scs_entry_jumppad:
0x0: {  	(pc) =	sbr.rel $0x88, $3  }
0x1: {  	(tag) =	ssettag $0x0;
	lr =	simm.s32 $0x1  }
0x2: {  	[smem:$0x3F98] =	sst lr;
	_ =	strace $0xD0000000  }
0x3: {  	_ = 	snop  }
0x4: {  	_ = 	snop  }
0x5: {  	_ = 	snop  }
0x6: {  	_ = 	snop  }
0x7: {  	_ = 	snop  }
__scs_overlays_trampoline_lowered:
0x8: {  	[smem:$0x3FA7] =	sst s0  }
0x9: {  	[smem:$0x3FA8] =	sst s1  }
0xa: {  	[smem:$0x3FA9] =	sst s2  }
0xb: {  	[smem:$0x3FAA] =	sst s3  }
0xc: {  	[smem:$0x3FAB] =	sst s4  }
0xd: {  	[smem:$0x3FAC] =	sst s5  }
0xe: {  	[smem:$0x3FAD] =	sst s6  }
0xf: {  	[smem:$0x3FAE] =	sst s7  }
0x10: {  	[smem:$0x3FAF] =	sst s8  }
0x11: {  	[smem:$0x3FB0] =	sst s9;
	s0 =	simm.s32 @!p0 $0x0  }
0x12: {  	s1 =	sld [smem:$0x3F96];
	s0 =	simm.s32 @p0 $0x1  }
0x13: {  	[smem:$0x3FB1] =	sst s0;
	s0 =	simm.s32 @!p1 $0x0  }
0x14: {  	s2 =	sld [smem:$0x3F95];
	s0 =	simm.s32 @p1 $0x1  }
0x15: {  	[smem:$0x3FB2] =	sst s0;
	s0 =	simm.s32 @!p2 $0x0  }
0x16: {  	s3 =	sld [smem:$0x3FDB];
	s0 =	simm.s32 @p2 $0x1  }
0x17: {  	s4 =	simm.s32 $0x1BF5;
	[smem:$0x3FB4] =	sst s0  }
0x18: {  	s0 =	sld [smem:$0x3F97];
	_ =	swait.ge [sflag:s4], $0x0  }
0x19: {  	s7 =	sld [smem:$0x3F98]  }
0x1a: {  	s8 =	sadd.s32 $0xFFFFE003, lr  }
0x1b: {  	s9 =	sadd.s32 $0xFFFFFEF7, lr;
	s5 =	simm.s32 $0xFFFFFFFF;
	p2 =	slt.u32 s8, $0xFFFFF086  }
0x1c: {  	p1 =	slt.u32 s9, $0xF7A;
	s5 =	simm.s32 @!p2 $0x0  }
0x1d: {  	s5 =	simm.s32 @p1 $0x1;
	p0 =	seq.s32 s7, s2  }
0x1e: {  	s7 =	smul.u32 @!p0 $0xF7A, s2;
	p2 =	seq.s32 @!p0 s5, $0x0  }
0x1f: {  	s9 =	smul.u32 $0xF7A, s1;
	s8 =	simm.s32 @!p0 $0x1BF5;
	p2 =	por !p2, p0  }
0x20: {  	[sflag:s8] =	ssyncset.s32 @!p0 $0xFFFFF086;
	s6 =	sadd.s32 @!p0 s3, s7;
	s7 =	simm.s32 @!p0 $0x108  }
0x21: {  	s3 =	sadd.s32 s3, s9;
	s6 =	sadd.s32 @!p0 $0x88, s6;
	s7 =	simm.s32 @p2 $0x1082  }
0x22: {  	[simem:s7], [sflag:s8] =	dma.local @!p0 [hbm:s6], $0xF7A  }
0x23: {  	s9 =	sor.u32 $0xD0000000, s2;
	s6 =	simm.s32 $0x108;
	_ =	swait.ge @!p0 [sflag:s8], $0x0  }
0x24: {  	s3 =	sadd.s32 $0x88, s3;
	s6 =	simm.s32 @!p1 $0x1082;
	[sflag:s4] =	ssyncset.s32 $0xFFFFF086  }
0x25: {  	[simem:s6], [sflag:s4] =	dma.local [hbm:s3], $0xF7A  }
0x26: {  	[smem:$0x3F98] =	sst s1;
	(tag) =	ssettag s2;
	_ =	strace s9  }
0x27: {  	s1 =	sld [smem:$0x3FA8]  }
0x28: {  	s2 =	sld [smem:$0x3FA9]  }
0x29: {  	s4 =	sld [smem:$0x3FAB]  }
0x2a: {  	p0 =	seq.s32 s5, $0x0;
	s5 =	sld [smem:$0x3FAC]  }
0x2b: {  	s6 =	sld [smem:$0x3FAD]  }
0x2c: {  	s7 =	sld [smem:$0x3FAE]  }
0x2d: {  	s3 =	simm.s32 $0x108;
	s8 =	sld [smem:$0x3FAF]  }
0x2e: {  	s3 =	simm.s32 @!p0 $0x1082;
	s9 =	sld [smem:$0x3FB0]  }
0x2f: {  	lr =	sadd.s32 s0, s3;
	s0 =	sld [smem:$0x3FA7]  }
0x30: {  	s3 =	sld [smem:$0x3FAA]  }
0x31: {  	[smem:$0x3FB3] =	sst s10  }
0x32: {  	s10 =	sld [smem:$0x3FB1];
	_ =	sdelay $0x3  }
0x33: {  	p0 =	seq.s32 s10, $0x1;
	s10 =	sld [smem:$0x3FB3];
	_ =	sdelay $0x3  }
0x34: {  	[smem:$0x3FB3] =	sst s10  }
0x35: {  	s10 =	sld [smem:$0x3FB2];
	_ =	sdelay $0x3  }
0x36: {  	p1 =	seq.s32 s10, $0x1;
	s10 =	sld [smem:$0x3FB3];
	_ =	sdelay $0x3  }
0x37: {  	[smem:$0x3FB3] =	sst s10  }
0x38: {  	s10 =	sld [smem:$0x3FB4]  }
0x39: {  	_ = 	snop;
	(pc) =	sbr.ind lr, $3  }
0x3a: {  	_ = 	snop  }
0x3b: {  	_ = 	snop  }
0x3c: {  	p2 =	seq.s32 s10, $0x1;
	s10 =	sld [smem:$0x3FB3]  }
0x3d: {  	_ =	shalt  }
0x3e: {  	_ =	shalt  }
0x3f: {  	_ =	shalt  }
0x40: {  	_ =	shalt  }
0x41: {  	_ =	shalt  }
0x42: {  	_ =	shalt  }
0x43: {  	_ =	shalt  }
0x44: {  	_ =	shalt  }
0x45: {  	_ =	shalt  }
0x46: {  	_ =	shalt  }
0x47: {  	_ =	shalt  }
0x48: {  	_ =	shalt  }
0x49: {  	_ =	shalt  }
0x4a: {  	_ =	shalt  }
0x4b: {  	_ =	shalt  }
0x4c: {  	_ =	shalt  }
0x4d: {  	_ =	shalt  }
0x4e: {  	_ =	shalt  }
0x4f: {  	_ =	shalt  }
0x50: {  	_ =	shalt  }
0x51: {  	_ =	shalt  }
0x52: {  	_ =	shalt  }
0x53: {  	_ =	shalt  }
0x54: {  	_ =	shalt  }
0x55: {  	_ =	shalt  }
0x56: {  	_ =	shalt  }
0x57: {  	_ =	shalt  }
0x58: {  	_ =	shalt  }
0x59: {  	_ =	shalt  }
0x5a: {  	_ =	shalt  }
0x5b: {  	_ =	shalt  }
0x5c: {  	_ =	shalt  }
0x5d: {  	_ =	shalt  }
0x5e: {  	_ =	shalt  }
0x5f: {  	_ =	shalt  }
0x60: {  	_ =	shalt  }
0x61: {  	_ =	shalt  }
0x62: {  	_ =	shalt  }
0x63: {  	_ =	shalt  }
0x64: {  	_ =	shalt  }
0x65: {  	_ =	shalt  }
0x66: {  	_ =	shalt  }
0x67: {  	_ =	shalt  }
0x68: {  	_ =	shalt  }
0x69: {  	_ =	shalt  }
0x6a: {  	_ =	shalt  }
0x6b: {  	_ =	shalt  }
0x6c: {  	_ =	shalt  }
0x6d: {  	_ =	shalt  }
0x6e: {  	_ =	shalt  }
0x6f: {  	_ =	shalt  }
0x70: {  	_ =	shalt  }
0x71: {  	_ =	shalt  }
0x72: {  	_ =	shalt  }
0x73: {  	_ =	shalt  }
0x74: {  	_ =	shalt  }
0x75: {  	_ =	shalt  }
0x76: {  	_ =	shalt  }
0x77: {  	_ =	shalt  }
0x78: {  	_ =	shalt  }
0x79: {  	_ =	shalt  }
0x7a: {  	_ =	shalt  }
0x7b: {  	_ =	shalt  }
0x7c: {  	_ =	shalt  }
0x7d: {  	_ =	shalt  }
0x7e: {  	_ =	shalt  }
0x7f: {  	_ =	shalt  }
0x80: {  	_ =	shalt  }
0x81: {  	_ =	shalt  }
0x82: {  	_ =	shalt  }
0x83: {  	_ =	shalt  }
0x84: {  	_ =	shalt  }
0x85: {  	_ =	shalt  }
0x86: {  	_ =	shalt  }
0x87: {  	_ =	shalt  }
.Lfunc_end0:
.L_simem_size_0:
called_computation_lowered:
.L_overlay_start_0:
0x88: {  	s2 =	sld [smem:$0x3FD9]  }
0x89: {  	s3 =	sld [smem:$0x3FFE];
	_ =	sdelay $0x1  }
0x8a: {  	s1 =	srdreg.scid  }
0x8b: {  	s0 =	sand.u32 $0x1, s1  }
0x8c: {  	s17 =	sshll.u32 s0, $0xA;
	s2 =	sadd.s32 s3, s2  }
0x8d: {  	s2 =	sadd.s32 s2, s17  }
0x8e: {  	[smem:$0x3FBF] =	sst s2  }
0x8f: {  	_ = 	snop  }
0x90: {  	s2 =	sld [smem:$0x3FD0];
	(tm) =	ssettm $0x1  }
0x91: {  	s18 =	sld [smem:$0x3FFB];
	_ =	sdelay $0x3  }
0x92: {  	_ =	strace s18  }
0x93: {  	s3 =	sld [smem:$0x3FFC];
	_ =	sdelay $0x3  }
0x94: {  	_ =	strace s3  }
0x95: {  	s3 =	sld [smem:$0x3FFD];
	_ =	sdelay $0x3  }
0x96: {  	_ =	strace s3  }
0x97: {  	_ =	strace $0x8FFFFFFF  }
0x98: {  	s19 =	sld [smem:$0x3FDB];
	_ =	sdelay $0x1  }
0x99: {  	s4 =	simm.s32 $_scs_section_size  }
0x9a: {  	s5 =	simm.s32 $_size__tile_overlayer_lowered;
	s6 =	simm.s32 $_tile_overlayer_lowered  }
0x9b: {  	s22 =	simm.s32 $0x1BFF;
	s21 =	sshll.u32 s6, $0x1;
	s3 =	sadd.s32 s4, s19  }
0x9c: {  	s7 =	simm.s32 $0x0;
	s20 =	sshll.u32 s5, $0x1;
	s5 =	sadd.s32 s21, s3  }
0x9d: {  	[timem:s7], [sflag:s22] =	dma.local [hbm:s5], s20  }
0x9e: {  	_ =	swait.ge [sflag:s22], s20  }
0x9f: {  	s4 =	ssub.s32 $0x0, s20;
	[sflag:s22] =	ssyncset.done $0x0  }
0xa0: {  	[sflag:s22] =	ssyncadd.s32 s4;
	_ =	sdelay $0x1  }
0xa1: {  	s23 =	simm.s32 $0x1B8B  }
0xa2: {  	_ =	swait.ge [sflag:s23], $0x1  }
0xa3: {  	[sflag:s23] =	ssyncset.done $0x0  }
0xa4: {  	s25 =	simm.s32 $0x1B8E;
	s24 =	sld [smem:$0x3FFE];
	[sflag:s23] =	ssyncadd.s32 $0xFFFFFFFF  }
0xa5: {  	s26 =	simm.s32 $execute0_lowered;
	[smem:$0x3FD2] =	sst s25  }
0xa6: {  	s5 =	sshll.u32 s26, $0x1;
	_ =	strace $0x80000046;
	[dreg:$0x1] =	wrdreg $0xFFFFFFFF  }
0xa7: {  	s28 =	simm.s32 $_size_execute0_lowered;
	s3 =	sadd.s32 s3, s5;
	[dreg:$0x0] =	wrdreg $0x0  }
0xa8: {  	s5 =	sshll.u32 s28, $0x1;
	[dreg:$0x2] =	wrdreg s3  }
0xa9: {  	[dreg:$0x3] =	wrdreg s5  }
0xaa: {  	[dreg:$0x4] =	wrdreg $0xC0  }
0xab: {  	_ =	task [dreg:s7], $0x5FFFF  }
0xac: {  	[dreg:$0x1] =	wrdreg $0xFFFFFFFF  }
0xad: {  	[dreg:$0x0] =	wrdreg $0x60  }
0xae: {  	[dreg:$0x2] =	wrdreg s2  }
0xaf: {  	[dreg:$0x3] =	wrdreg s24  }
0xb0: {  	[dreg:$0x4] =	wrdreg $0x70000  }
0xb1: {  	[dreg:$0x5] =	wrdreg $0x1AA000  }
0xb2: {  	[dreg:$0x6] =	wrdreg $0x9  }
0xb3: {  	_ =	task.clear_ibuf [dreg:s7], $0x7FFFF;
	_ =	strace $0x90000046  }
0xb4: {  	s29 =	simm.s32 $0x9;
	_ =	strace $0x80000048  }
0xb5: {  	_ =	swait.ge [sflag:s29], $0x1  }
0xb6: {  	[sflag:s29] =	ssyncadd.s32 $0xFFFFFFFF  }
0xb7: {  	_ =	strace $0x90000048  }
0xb8: {  	_ =	sfence  }
0xb9: {  	s30 =	sld [smem:$0x0];
	_ =	sdelay $0x2  }
0xba: {  	s31 =	sshll.u32 s1, $0xD;
	s1 =	sshrl.u32 s1, $0x2  }
0xbb: {  	s3 =	sand.u32 $0x4000, s31;
	s1 =	sadd.s32 s1, s30  }
0xbc: {  	s0 =	sor.u32 s3, s0;
	s1 =	sshll.u32 s1, $0x11  }
0xbd: {  	s0 =	sor.u32 s1, s0  }
0xbe: {  	s0 =	sadd.s32 $0x8F2B, s0  }
0xbf: {  	[sflag:s0] =	ssyncadd.remote.s32 $0x1  }
0xc0: {  	_ =	sfence.sel $0xFFFF  }
0xc1: {  	[dreg:$0x0] =	wrdreg $0xFFFFFFFF;
	(pc) =	sbr.abs _section_cstart, $3  }
0xc2: {  	[dreg:$0x1] =	wrdreg $0xFFFFFFFF  }
0xc3: {  	_ =	task.clear_ibuf [dreg:s7], $0x2FFFF;
	_ =	strace $0x9FFFFFFF  }
0xc4: {  	(tm) =	ssettm $0x7FFFFFFF  }
0xc5: {  	_ =	shalt  }
tec
execute0_lowered:
.L_overlay_start_1:
0x0: {  	(tag) =	ssettag $0x1  }
0x1: {  	s1 =	rddreg [dreg:$0x0]  }
0x2: {  	s0 =	rddreg [dreg:$0x1]  }
0x3: {  	s2 =	srdreg.scid;
	s3 =	rddreg [dreg:$0x2]  }
0x4: {  	s14 =	stileid.u32;
	s4 =	rddreg [dreg:$0x3];
	s28 =	simm.s32 $0x4800  }
0x5: {  	s29 =	simm.s32 $0x1;
	s30 =	simm.s32 $0x2;
	s11 =	smul.u32 $0x4E8, s14  }
0x6: {  	s31 =	simm.s32 $0x3;
	s2 =	sand.u32 $0x1, s2;
	s20 =	smul.u32 $0x4E800, s14  }
0x7: {  	s5 =	sshll.u32 s14, $0x1;
	s7 =	sadd.s32 $0x16400, s0;
	s14 =	smul.u32 $0x13A00, s14  }
0x8: {  	s8 =	sadd.s32 $0x2800, s0;
	s19 =	sadd.s32 $0x4AE00, s0;
	s10 =	smul.u32 $0x13A00, s2  }
0x9: {  	s15 =	sadd.s32 $0x4A400, s0;
	s6 =	sor.u32 s2, s5;
	s13 =	smul.u32 $0x4E80, s2  }
0xa: {  	s5 =	simm.s32 $0x0;
	s2 =	ssub.s32 $0x2, s2;
	s9 =	smul.u32 $0x280, s6  }
0xb: {  	[smem:$0x7FF] =	sst s5;
	s6 =	sadd.s32 $0x2A000, s0;
	s21 =	sshrl.u32 s2, $0x1  }
0xc: {  	s23 =	sshrl.u32 s20, $0x2;
	s25 =	sshrl.u32 s14, $0x2;
	_ =	strace $0x80000047  }
0xd: {  	s12 =	sadd.s32 s11, s10;
	[dreg:$0x5] =	wrdreg s19;
	s10 =	sadd.s32 $0x47C00, s0  }
0xe: {  	[dreg:$0x6] =	wrdreg s15;
	s11 =	sadd.s32 s11, s13;
	s2 =	ssub.s32 s2, s21  }
0xf: {  	s24 =	sadd.s32 s23, s3;
	s23 =	simm.s32 $0x4;
	s9 =	sadd.s32 s9, s0  }
0x10: {  	s12 =	sshll.u32 s12, $0x3;
	s11 =	sshll.u32 s11, $0x1;
	[dreg:$0x9] =	wrdreg s24  }
0x11: {  	s21 =	smax.u32 s2, $0x1;
	s24 =	simm.s32 $0x6800;
	s2 =	simm.s32 $0x5  }
0x12: {  	s12 =	sadd.s32 s12, s0;
	s0 =	sadd.s32 s11, s0;
	s22 =	sadd.s32 $0x42C00, s9  }
0x13: {  	s9 =	sadd.s32 $0x3DC00, s9;
	s11 =	simm.s32 $0x0;
	[dreg:$0x7] =	wrdreg s22  }
0x14: {  	[dreg:$0x8] =	wrdreg s9;
	s9 =	sadd.s32 s25, s4;
	s26 =	sadd.s32 $0x4B000, s12  }
0x15: {  	s0 =	sadd.s32 $0x185000, s0;
	s18 =	sadd.s32 $0x72400, s12;
	[dreg:$0xa] =	wrdreg s9  }
0x16: {  	s19 =	sadd.s32 $0x99800, s12;
	s20 =	sadd.s32 $0xC0C00, s12;
	[dreg:$0xb] =	wrdreg s26  }
0x17: {  	s22 =	simm.s32 $0x6;
	s25 =	simm.s32 $0x80;
	[dreg:$0xc] =	wrdreg s0  }
0x18: {  	s26 =	simm.s32 $0x2800;
	s0 =	simm.s32 $0x2700;
	s9 =	simm.s32 $0x2780  }
.LBB2_1:
0x19: {  	s12 =	rddreg [dreg:$0x7]  }
0x1a: {  	[tilespmem:s5], [sflag:$0x6] =	stream.linear.gather [hbm4b:s12+s5], $0x1400, $0x38;
	[tilespmem:$0x1F880] =	vst v63  }
0x1b: {  	_ =	swait.ge [sflag:s22], $0x1400  }
0x1c: {  	[sflag:s22] =	ssyncset.done $0x0  }
0x1d: {  	s13 =	simm.s32 $0x1400;
	s17 =	rddreg [dreg:$0x8];
	[sflag:s22] =	ssyncadd.s32 $0xFFFFEC00  }
0x1e: {  	[tilespmem:s13], [sflag:$0x6] =	stream.linear.gather [hbm4b:s17+s5], $0x1400, $0x38;
	[tilespmem:$0x1F880] =	vst v63  }
0x1f: {  	_ =	swait.ge [sflag:s22], $0x1400  }
0x20: {  	[sflag:s22] =	ssyncset.done $0x0  }
0x21: {  	s13 =	rddreg [dreg:$0x5];
	[sflag:s22] =	ssyncadd.s32 $0xFFFFEC00  }
0x22: {  	[tilespmem:s24], [sflag:$0x6] =	stream.linear.gather [hbm4b:s13+s5], $0x800, $0x38;
	[tilespmem:$0x1F880] =	vst v63  }
0x23: {  	s14 =	stileid.u32;
	_ =	swait.ge [sflag:s22], $0x800  }
0x24: {  	s12 =	sshll.u32 s14, $0x6;
	[sflag:s22] =	ssyncset.done $0x0;
	s15 =	rddreg [dreg:$0x9]  }
0x25: {  	s12 =	sor.u32 $0x1C06, s12;
	[sflag:s22] =	ssyncadd.s32 $0xFFFFF800;
	s13 =	sshrl.u32 s15, $0x3  }
0x26: {  	[spmem:s13], [sflag:s12] =	dma.local [hbm:s10], $0x2740  }
0x27: {  	_ =	swait.ge [sflag:s22], $0x2740  }
0x28: {  	[sflag:s22] =	ssyncset.done $0x0;
	s14 =	rddreg [dreg:$0xa]  }
0x29: {  	s15 =	rddreg [dreg:$0x6];
	[sflag:s22] =	ssyncadd.s32 $0xFFFFD8C0;
	s14 =	sshrl.u32 s14, $0x3  }
0x2a: {  	[spmem:s14], [sflag:s12] =	dma.local [hbm:s15], $0x9D0  }
0x2b: {  	_ =	swait.ge [sflag:s22], $0x9D0  }
0x2c: {  	[sflag:s22] =	ssyncset.done $0x0  }
0x2d: {  	[sflag:s22] =	ssyncadd.s32 $0xFFFFF630  }
0x2e: {  	[bflag:$0x0] =	sbarrier.arrive $0xFFFF  }
0x2f: {  	[tilespmem:s26], [sflag:$0x1] =	stream.indirect.gather [hbm4b:s1+s25], $0x40, s5, s25, $0xb8;
	[tilespmem:$0x1F880] =	vst v63  }
0x30: {  	_ = 	snop  }
0x31: {  	[tilespmem:s28], [sflag:$0x2] =	stream.indirect.gather [hbm4b:s1+s25], $0x40, s25, s25, $0xb8;
	[tilespmem:$0x1F880] =	vst v63  }
0x32: {  	_ =	swait.ge [sflag:s29], $0x2000  }
0x33: {  	[sflag:s29] =	ssyncset.done $0x0  }
0x34: {  	s16 =	simm.s32 $0x1400;
	[sflag:s29] =	ssyncadd.s32 $0xFFFFE000  }
0x35: {  	[spmem:s3] =	stream.indirect.scatter.add.f32 [tilespmem:s26], [sflag:$0x3], $0x40, s16, s25, $0xb8;
	[tilespmem:$0x1F880] =	vst v63  }
0x36: {  	_ = 	snop  }
0x37: {  	[spmem:s4] =	stream.indirect.scatter.add.f32 [tilespmem:s24], [sflag:$0x5], $0x10, s16, s25, $0xb8;
	[tilespmem:$0x1F880] =	vst v63  }
0x38: {  	_ =	swait.ge [sflag:s30], $0x2000  }
0x39: {  	[sflag:s30] =	ssyncset.done $0x0  }
0x3a: {  	s17 =	simm.s32 $0x1480;
	[sflag:s30] =	ssyncadd.s32 $0xFFFFE000  }
0x3b: {  	[spmem:s3] =	stream.indirect.scatter.add.f32 [tilespmem:s28], [sflag:$0x4], $0x40, s17, s25, $0xb8;
	[tilespmem:$0x1F880] =	vst v63  }
0x3c: {  	_ = 	snop  }
0x3d: {  	[spmem:s4] =	stream.indirect.scatter.add.f32 [tilespmem:s24], [sflag:$0x5], $0x10, s17, s25, $0xb8;
	[tilespmem:$0x1F880] =	vst v63  }
0x3e: {  	_ =	swait.ge [sflag:s31], $0x2000  }
0x3f: {  	[sflag:s31] =	ssyncset.done $0x0  }
0x40: {  	s16 =	simm.s32 $0x100;
	[sflag:s31] =	ssyncadd.s32 $0xFFFFE000  }
0x41: {  	[tilespmem:s26], [sflag:$0x1] =	stream.indirect.gather [hbm4b:s1+s25], $0x40, s16, s25, $0xb8;
	[tilespmem:$0x1F880] =	vst v63  }
0x42: {  	_ =	swait.ge [sflag:s2], $0x800  }
0x43: {  	[sflag:s2] =	ssyncset.done $0x0  }
0x44: {  	[sflag:s2] =	ssyncadd.s32 $0xFFFFF800  }
0x45: {  	_ =	swait.ge [sflag:s23], $0x2000  }
0x46: {  	[sflag:s23] =	ssyncset.done $0x0  }
0x47: {  	s17 =	simm.s32 $0x180;
	[sflag:s23] =	ssyncadd.s32 $0xFFFFE000  }
0x48: {  	[tilespmem:s28], [sflag:$0x2] =	stream.indirect.gather [hbm4b:s1+s25], $0x40, s17, s25, $0xb8;
	[tilespmem:$0x1F880] =	vst v63  }
0x49: {  	_ =	swait.ge [sflag:s2], $0x800  }
0x4a: {  	s15 =	simm.s32 $0x400;
	[sflag:s2] =	ssyncset.done $0x0  }
.LBB2_2:
0x4b: {  	p0 =	sne.s32 s15, $0x4800  }
0x4c: {  	[sflag:s2] =	ssyncadd.s32 $0xFFFFF800;
	s16 =	smov.u32 s15;
	s15 =	sadd.s32 $0x400, s15  }
0x4d: {  	_ =	swait.ge [sflag:s29], $0x2000  }
0x4e: {  	s16 =	sshra.s32 s16, $0x2;
	[sflag:s29] =	ssyncset.done $0x0  }
0x4f: {  	s17 =	sadd.s32 $0x1400, s16;
	[sflag:s29] =	ssyncadd.s32 $0xFFFFE000  }
0x50: {  	[spmem:s3] =	stream.indirect.scatter.add.f32 [tilespmem:s26], [sflag:$0x3], $0x40, s17, s25, $0xb8;
	[tilespmem:$0x1F880] =	vst v63  }
0x51: {  	_ = 	snop  }
0x52: {  	[spmem:s4] =	stream.indirect.scatter.add.f32 [tilespmem:s24], [sflag:$0x5], $0x10, s17, s25, $0xb8;
	[tilespmem:$0x1F880] =	vst v63  }
0x53: {  	_ =	swait.ge [sflag:s30], $0x2000  }
0x54: {  	[sflag:s30] =	ssyncset.done $0x0  }
0x55: {  	s17 =	sadd.s32 $0x1480, s16;
	[sflag:s30] =	ssyncadd.s32 $0xFFFFE000  }
0x56: {  	[spmem:s3] =	stream.indirect.scatter.add.f32 [tilespmem:s28], [sflag:$0x4], $0x40, s17, s25, $0xb8;
	[tilespmem:$0x1F880] =	vst v63  }
0x57: {  	_ = 	snop  }
0x58: {  	[spmem:s4] =	stream.indirect.scatter.add.f32 [tilespmem:s24], [sflag:$0x5], $0x10, s17, s25, $0xb8;
	[tilespmem:$0x1F880] =	vst v63  }
0x59: {  	_ =	swait.ge [sflag:s31], $0x2000  }
0x5a: {  	[sflag:s31] =	ssyncset.done $0x0  }
0x5b: {  	s17 =	sadd.s32 $0x100, s16;
	[sflag:s31] =	ssyncadd.s32 $0xFFFFE000  }
0x5c: {  	[tilespmem:s26], [sflag:$0x1] =	stream.indirect.gather [hbm4b:s1+s25], $0x40, s17, s25, $0xb8;
	[tilespmem:$0x1F880] =	vst v63  }
0x5d: {  	_ =	swait.ge [sflag:s2], $0x800  }
0x5e: {  	[sflag:s2] =	ssyncset.done $0x0  }
0x5f: {  	[sflag:s2] =	ssyncadd.s32 $0xFFFFF800  }
0x60: {  	_ =	swait.ge [sflag:s23], $0x2000  }
.Ltmp0:
0x61: {  	[sflag:s23] =	ssyncset.done $0x0;
	(pc) =	sbr.rel @p0 .LBB2_2-.Ltmp0, $4  }
0x62: {  	s16 =	sadd.s32 $0x180, s16;
	[sflag:s23] =	ssyncadd.s32 $0xFFFFE000  }
0x63: {  	[tilespmem:s28], [sflag:$0x2] =	stream.indirect.gather [hbm4b:s1+s25], $0x40, s16, s25, $0xb8;
	[tilespmem:$0x1F880] =	vst v63  }
0x64: {  	_ =	swait.ge [sflag:s2], $0x800  }
0x65: {  	[sflag:s2] =	ssyncset.done $0x0  }
0x66: {  	[sflag:s2] =	ssyncadd.s32 $0xFFFFF800  }
0x67: {  	_ =	swait.ge [sflag:s29], $0x2000  }
0x68: {  	[sflag:s29] =	ssyncset.done $0x0  }
0x69: {  	[sflag:s29] =	ssyncadd.s32 $0xFFFFE000  }
0x6a: {  	[spmem:s3] =	stream.indirect.scatter.add.f32 [tilespmem:s26], [sflag:$0x3], $0x40, s0, s25, $0xb8;
	[tilespmem:$0x1F880] =	vst v63  }
0x6b: {  	_ = 	snop  }
0x6c: {  	[spmem:s4] =	stream.indirect.scatter.add.f32 [tilespmem:s24], [sflag:$0x5], $0x10, s0, s25, $0xb8;
	[tilespmem:$0x1F880] =	vst v63  }
0x6d: {  	_ =	swait.ge [sflag:s30], $0x2000  }
0x6e: {  	[sflag:s30] =	ssyncset.done $0x0  }
0x6f: {  	[sflag:s30] =	ssyncadd.s32 $0xFFFFE000  }
0x70: {  	[spmem:s3] =	stream.indirect.scatter.add.f32 [tilespmem:s28], [sflag:$0x4], $0x40, s9, s25, $0xb8;
	[tilespmem:$0x1F880] =	vst v63  }
0x71: {  	_ = 	snop  }
0x72: {  	[spmem:s4] =	stream.indirect.scatter.add.f32 [tilespmem:s24], [sflag:$0x5], $0x10, s9, s25, $0xb8;
	[tilespmem:$0x1F880] =	vst v63  }
0x73: {  	_ =	swait.ge [sflag:s31], $0x2000  }
0x74: {  	[sflag:s31] =	ssyncset.done $0x0  }
0x75: {  	[sflag:s31] =	ssyncadd.s32 $0xFFFFE000  }
0x76: {  	_ =	swait.ge [sflag:s2], $0x800  }
0x77: {  	[sflag:s2] =	ssyncset.done $0x0  }
0x78: {  	[sflag:s2] =	ssyncadd.s32 $0xFFFFF800  }
0x79: {  	_ =	swait.ge [sflag:s23], $0x2000  }
0x7a: {  	[sflag:s23] =	ssyncset.done $0x0  }
0x7b: {  	[sflag:s23] =	ssyncadd.s32 $0xFFFFE000  }
0x7c: {  	_ =	swait.ge [sflag:s2], $0x800  }
0x7d: {  	[sflag:s2] =	ssyncset.done $0x0  }
0x7e: {  	[sflag:s2] =	ssyncadd.s32 $0xFFFFF800  }
0x7f: {  	[bflag:$0x0] =	sbarrier.arrive $0xFFFF  }
0x80: {  	s15 =	rddreg [dreg:$0xb]  }
0x81: {  	[hbm:s15], [sflag:s12] =	dma.local [spmem:s13], $0x2740  }
0x82: {  	_ =	swait.ge [sflag:s22], $0x2740  }
0x83: {  	[sflag:s22] =	ssyncset.done $0x0  }
0x84: {  	s16 =	rddreg [dreg:$0xc];
	[sflag:s22] =	ssyncadd.s32 $0xFFFFD8C0  }
0x85: {  	[hbm:s16], [sflag:s12] =	dma.local [spmem:s14], $0x9D0  }
0x86: {  	_ =	swait.ge [sflag:s22], $0x9D0  }
0x87: {  	[sflag:s22] =	ssyncset.done $0x0  }
0x88: {  	[sflag:s22] =	ssyncadd.s32 $0xFFFFF630  }
0x89: {  	[spmem:s13], [sflag:s12] =	dma.local [hbm:s10], $0x2740  }
0x8a: {  	_ =	swait.ge [sflag:s22], $0x2740  }
0x8b: {  	[sflag:s22] =	ssyncset.done $0x0  }
0x8c: {  	[sflag:s22] =	ssyncadd.s32 $0xFFFFD8C0  }
0x8d: {  	s17 =	simm.s32 $0x0;
	[bflag:$0x0] =	sbarrier.arrive $0xFFFF  }
0x8e: {  	[tilespmem:s26], [sflag:$0x1] =	stream.indirect.gather [hbm4b:s6+s25], $0x40, s17, s25, $0xb8;
	[tilespmem:$0x1F880] =	vst v63  }
0x8f: {  	_ = 	snop  }
0x90: {  	[tilespmem:s28], [sflag:$0x2] =	stream.indirect.gather [hbm4b:s6+s25], $0x40, s25, s25, $0xb8;
	[tilespmem:$0x1F880] =	vst v63  }
0x91: {  	_ =	swait.ge [sflag:s29], $0x2000  }
0x92: {  	[sflag:s29] =	ssyncset.done $0x0  }
0x93: {  	s15 =	simm.s32 $0x1400;
	[sflag:s29] =	ssyncadd.s32 $0xFFFFE000  }
0x94: {  	[spmem:s3] =	stream.indirect.scatter.add.f32 [tilespmem:s26], [sflag:$0x3], $0x40, s15, s25, $0xb8;
	[tilespmem:$0x1F880] =	vst v63  }
0x95: {  	_ =	swait.ge [sflag:s30], $0x2000  }
0x96: {  	[sflag:s30] =	ssyncset.done $0x0  }
0x97: {  	s16 =	simm.s32 $0x1480;
	[sflag:s30] =	ssyncadd.s32 $0xFFFFE000  }
0x98: {  	[spmem:s3] =	stream.indirect.scatter.add.f32 [tilespmem:s28], [sflag:$0x4], $0x40, s16, s25, $0xb8;
	[tilespmem:$0x1F880] =	vst v63  }
0x99: {  	_ =	swait.ge [sflag:s31], $0x2000  }
0x9a: {  	[sflag:s31] =	ssyncset.done $0x0  }
0x9b: {  	s17 =	simm.s32 $0x100;
	[sflag:s31] =	ssyncadd.s32 $0xFFFFE000  }
0x9c: {  	[tilespmem:s26], [sflag:$0x1] =	stream.indirect.gather [hbm4b:s6+s25], $0x40, s17, s25, $0xb8;
	[tilespmem:$0x1F880] =	vst v63  }
0x9d: {  	_ =	swait.ge [sflag:s23], $0x2000  }
0x9e: {  	[sflag:s23] =	ssyncset.done $0x0  }
0x9f: {  	s14 =	simm.s32 $0x400;
	s15 =	simm.s32 $0x180;
	[sflag:s23] =	ssyncadd.s32 $0xFFFFE000  }
.LBB2_4:
0xa0: {  	[tilespmem:s28], [sflag:$0x2] =	stream.indirect.gather [hbm4b:s6+s25], $0x40, s15, s25, $0xb8;
	[tilespmem:$0x1F880] =	vst v63  }
0xa1: {  	s15 =	smov.u32 s14  }
0xa2: {  	p0 =	sne.s32 s14, $0x4800;
	s14 =	sadd.s32 $0x400, s14;
	_ =	swait.ge [sflag:s29], $0x2000  }
0xa3: {  	s15 =	sshra.s32 s15, $0x2;
	[sflag:s29] =	ssyncset.done $0x0  }
0xa4: {  	s16 =	sadd.s32 $0x1400, s15;
	[sflag:s29] =	ssyncadd.s32 $0xFFFFE000  }
0xa5: {  	[spmem:s3] =	stream.indirect.scatter.add.f32 [tilespmem:s26], [sflag:$0x3], $0x40, s16, s25, $0xb8;
	[tilespmem:$0x1F880] =	vst v63  }
0xa6: {  	_ =	swait.ge [sflag:s30], $0x2000  }
0xa7: {  	[sflag:s30] =	ssyncset.done $0x0  }
0xa8: {  	s16 =	sadd.s32 $0x1480, s15;
	[sflag:s30] =	ssyncadd.s32 $0xFFFFE000  }
0xa9: {  	[spmem:s3] =	stream.indirect.scatter.add.f32 [tilespmem:s28], [sflag:$0x4], $0x40, s16, s25, $0xb8;
	[tilespmem:$0x1F880] =	vst v63  }
0xaa: {  	_ =	swait.ge [sflag:s31], $0x2000  }
0xab: {  	[sflag:s31] =	ssyncset.done $0x0  }
.Ltmp1:
0xac: {  	s16 =	sadd.s32 $0x100, s15;
	[sflag:s31] =	ssyncadd.s32 $0xFFFFE000;
	(pc) =	sbr.rel @p0 .LBB2_4-.Ltmp1, $4  }
0xad: {  	[tilespmem:s26], [sflag:$0x1] =	stream.indirect.gather [hbm4b:s6+s25], $0x40, s16, s25, $0xb8;
	[tilespmem:$0x1F880] =	vst v63  }
0xae: {  	_ =	swait.ge [sflag:s23], $0x2000  }
0xaf: {  	[sflag:s23] =	ssyncset.done $0x0  }
0xb0: {  	s15 =	sadd.s32 $0x180, s15;
	[sflag:s23] =	ssyncadd.s32 $0xFFFFE000  }
0xb1: {  	[tilespmem:s28], [sflag:$0x2] =	stream.indirect.gather [hbm4b:s6+s25], $0x40, s15, s25, $0xb8;
	[tilespmem:$0x1F880] =	vst v63  }
0xb2: {  	_ =	swait.ge [sflag:s29], $0x2000  }
0xb3: {  	[sflag:s29] =	ssyncset.done $0x0  }
0xb4: {  	[sflag:s29] =	ssyncadd.s32 $0xFFFFE000  }
0xb5: {  	[spmem:s3] =	stream.indirect.scatter.add.f32 [tilespmem:s26], [sflag:$0x3], $0x40, s0, s25, $0xb8;
	[tilespmem:$0x1F880] =	vst v63  }
0xb6: {  	_ =	swait.ge [sflag:s30], $0x2000  }
0xb7: {  	[sflag:s30] =	ssyncset.done $0x0  }
0xb8: {  	[sflag:s30] =	ssyncadd.s32 $0xFFFFE000  }
0xb9: {  	[spmem:s3] =	stream.indirect.scatter.add.f32 [tilespmem:s28], [sflag:$0x4], $0x40, s9, s25, $0xb8;
	[tilespmem:$0x1F880] =	vst v63  }
0xba: {  	_ =	swait.ge [sflag:s31], $0x2000  }
0xbb: {  	[sflag:s31] =	ssyncset.done $0x0  }
0xbc: {  	[sflag:s31] =	ssyncadd.s32 $0xFFFFE000  }
0xbd: {  	_ =	swait.ge [sflag:s23], $0x2000  }
0xbe: {  	[sflag:s23] =	ssyncset.done $0x0  }
0xbf: {  	[sflag:s23] =	ssyncadd.s32 $0xFFFFE000  }
0xc0: {  	[bflag:$0x0] =	sbarrier.arrive $0xFFFF  }
0xc1: {  	[hbm:s18], [sflag:s12] =	dma.local [spmem:s13], $0x2740  }
0xc2: {  	_ =	swait.ge [sflag:s22], $0x2740  }
0xc3: {  	[sflag:s22] =	ssyncset.done $0x0  }
0xc4: {  	[sflag:s22] =	ssyncadd.s32 $0xFFFFD8C0  }
0xc5: {  	[spmem:s13], [sflag:s12] =	dma.local [hbm:s10], $0x2740  }
0xc6: {  	_ =	swait.ge [sflag:s22], $0x2740  }
0xc7: {  	[sflag:s22] =	ssyncset.done $0x0  }
0xc8: {  	[sflag:s22] =	ssyncadd.s32 $0xFFFFD8C0  }
0xc9: {  	s14 =	simm.s32 $0x0;
	[bflag:$0x0] =	sbarrier.arrive $0xFFFF  }
0xca: {  	[tilespmem:s26], [sflag:$0x1] =	stream.indirect.gather [hbm4b:s7+s25], $0x40, s14, s25, $0xb8;
	[tilespmem:$0x1F880] =	vst v63  }
0xcb: {  	_ = 	snop  }
0xcc: {  	[tilespmem:s28], [sflag:$0x2] =	stream.indirect.gather [hbm4b:s7+s25], $0x40, s25, s25, $0xb8;
	[tilespmem:$0x1F880] =	vst v63  }
0xcd: {  	_ =	swait.ge [sflag:s29], $0x2000  }
0xce: {  	[sflag:s29] =	ssyncset.done $0x0  }
0xcf: {  	s15 =	simm.s32 $0x1400;
	[sflag:s29] =	ssyncadd.s32 $0xFFFFE000  }
0xd0: {  	[spmem:s3] =	stream.indirect.scatter.add.f32 [tilespmem:s26], [sflag:$0x3], $0x40, s15, s25, $0xb8;
	[tilespmem:$0x1F880] =	vst v63  }
0xd1: {  	_ =	swait.ge [sflag:s30], $0x2000  }
0xd2: {  	[sflag:s30] =	ssyncset.done $0x0  }
0xd3: {  	s16 =	simm.s32 $0x1480;
	[sflag:s30] =	ssyncadd.s32 $0xFFFFE000  }
0xd4: {  	[spmem:s3] =	stream.indirect.scatter.add.f32 [tilespmem:s28], [sflag:$0x4], $0x40, s16, s25, $0xb8;
	[tilespmem:$0x1F880] =	vst v63  }
0xd5: {  	_ =	swait.ge [sflag:s31], $0x2000  }
0xd6: {  	[sflag:s31] =	ssyncset.done $0x0  }
0xd7: {  	s17 =	simm.s32 $0x100;
	[sflag:s31] =	ssyncadd.s32 $0xFFFFE000  }
0xd8: {  	[tilespmem:s26], [sflag:$0x1] =	stream.indirect.gather [hbm4b:s7+s25], $0x40, s17, s25, $0xb8;
	[tilespmem:$0x1F880] =	vst v63  }
0xd9: {  	_ =	swait.ge [sflag:s23], $0x2000  }
0xda: {  	[sflag:s23] =	ssyncset.done $0x0  }
0xdb: {  	s14 =	simm.s32 $0x400;
	s15 =	simm.s32 $0x180;
	[sflag:s23] =	ssyncadd.s32 $0xFFFFE000  }
.LBB2_6:
0xdc: {  	[tilespmem:s28], [sflag:$0x2] =	stream.indirect.gather [hbm4b:s7+s25], $0x40, s15, s25, $0xb8;
	[tilespmem:$0x1F880] =	vst v63  }
0xdd: {  	s15 =	smov.u32 s14  }
0xde: {  	p0 =	sne.s32 s14, $0x4800;
	s14 =	sadd.s32 $0x400, s14;
	_ =	swait.ge [sflag:s29], $0x2000  }
0xdf: {  	s15 =	sshra.s32 s15, $0x2;
	[sflag:s29] =	ssyncset.done $0x0  }
0xe0: {  	s16 =	sadd.s32 $0x1400, s15;
	[sflag:s29] =	ssyncadd.s32 $0xFFFFE000  }
0xe1: {  	[spmem:s3] =	stream.indirect.scatter.add.f32 [tilespmem:s26], [sflag:$0x3], $0x40, s16, s25, $0xb8;
	[tilespmem:$0x1F880] =	vst v63  }
0xe2: {  	_ =	swait.ge [sflag:s30], $0x2000  }
0xe3: {  	[sflag:s30] =	ssyncset.done $0x0  }
0xe4: {  	s16 =	sadd.s32 $0x1480, s15;
	[sflag:s30] =	ssyncadd.s32 $0xFFFFE000  }
0xe5: {  	[spmem:s3] =	stream.indirect.scatter.add.f32 [tilespmem:s28], [sflag:$0x4], $0x40, s16, s25, $0xb8;
	[tilespmem:$0x1F880] =	vst v63  }
0xe6: {  	_ =	swait.ge [sflag:s31], $0x2000  }
0xe7: {  	[sflag:s31] =	ssyncset.done $0x0  }
.Ltmp2:
0xe8: {  	s16 =	sadd.s32 $0x100, s15;
	[sflag:s31] =	ssyncadd.s32 $0xFFFFE000;
	(pc) =	sbr.rel @p0 .LBB2_6-.Ltmp2, $4  }
0xe9: {  	[tilespmem:s26], [sflag:$0x1] =	stream.indirect.gather [hbm4b:s7+s25], $0x40, s16, s25, $0xb8;
	[tilespmem:$0x1F880] =	vst v63  }
0xea: {  	_ =	swait.ge [sflag:s23], $0x2000  }
0xeb: {  	[sflag:s23] =	ssyncset.done $0x0  }
0xec: {  	s15 =	sadd.s32 $0x180, s15;
	[sflag:s23] =	ssyncadd.s32 $0xFFFFE000  }
0xed: {  	[tilespmem:s28], [sflag:$0x2] =	stream.indirect.gather [hbm4b:s7+s25], $0x40, s15, s25, $0xb8;
	[tilespmem:$0x1F880] =	vst v63  }
0xee: {  	_ =	swait.ge [sflag:s29], $0x2000  }
0xef: {  	[sflag:s29] =	ssyncset.done $0x0  }
0xf0: {  	[sflag:s29] =	ssyncadd.s32 $0xFFFFE000  }
0xf1: {  	[spmem:s3] =	stream.indirect.scatter.add.f32 [tilespmem:s26], [sflag:$0x3], $0x40, s0, s25, $0xb8;
	[tilespmem:$0x1F880] =	vst v63  }
0xf2: {  	_ =	swait.ge [sflag:s30], $0x2000  }
0xf3: {  	[sflag:s30] =	ssyncset.done $0x0  }
0xf4: {  	[sflag:s30] =	ssyncadd.s32 $0xFFFFE000  }
0xf5: {  	[spmem:s3] =	stream.indirect.scatter.add.f32 [tilespmem:s28], [sflag:$0x4], $0x40, s9, s25, $0xb8;
	[tilespmem:$0x1F880] =	vst v63  }
0xf6: {  	_ =	swait.ge [sflag:s31], $0x2000  }
0xf7: {  	[sflag:s31] =	ssyncset.done $0x0  }
0xf8: {  	[sflag:s31] =	ssyncadd.s32 $0xFFFFE000  }
0xf9: {  	_ =	swait.ge [sflag:s23], $0x2000  }
0xfa: {  	[sflag:s23] =	ssyncset.done $0x0  }
0xfb: {  	[sflag:s23] =	ssyncadd.s32 $0xFFFFE000  }
0xfc: {  	[bflag:$0x0] =	sbarrier.arrive $0xFFFF  }
0xfd: {  	[hbm:s19], [sflag:s12] =	dma.local [spmem:s13], $0x2740  }
0xfe: {  	_ =	swait.ge [sflag:s22], $0x2740  }
0xff: {  	[sflag:s22] =	ssyncset.done $0x0  }
0x100: {  	[sflag:s22] =	ssyncadd.s32 $0xFFFFD8C0  }
0x101: {  	[spmem:s13], [sflag:s12] =	dma.local [hbm:s10], $0x2740  }
0x102: {  	_ =	swait.ge [sflag:s22], $0x2740  }
0x103: {  	[sflag:s22] =	ssyncset.done $0x0  }
0x104: {  	[sflag:s22] =	ssyncadd.s32 $0xFFFFD8C0  }
0x105: {  	s14 =	simm.s32 $0x0;
	[bflag:$0x0] =	sbarrier.arrive $0xFFFF  }
0x106: {  	[tilespmem:s26], [sflag:$0x1] =	stream.indirect.gather [hbm4b:s8+s25], $0x40, s14, s25, $0xb8;
	[tilespmem:$0x1F880] =	vst v63  }
0x107: {  	_ = 	snop  }
0x108: {  	[tilespmem:s28], [sflag:$0x2] =	stream.indirect.gather [hbm4b:s8+s25], $0x40, s25, s25, $0xb8;
	[tilespmem:$0x1F880] =	vst v63  }
0x109: {  	_ =	swait.ge [sflag:s29], $0x2000  }
0x10a: {  	[sflag:s29] =	ssyncset.done $0x0  }
0x10b: {  	s15 =	simm.s32 $0x1400;
	[sflag:s29] =	ssyncadd.s32 $0xFFFFE000  }
0x10c: {  	[spmem:s3] =	stream.indirect.scatter.add.f32 [tilespmem:s26], [sflag:$0x3], $0x40, s15, s25, $0xb8;
	[tilespmem:$0x1F880] =	vst v63  }
0x10d: {  	_ =	swait.ge [sflag:s30], $0x2000  }
0x10e: {  	[sflag:s30] =	ssyncset.done $0x0  }
0x10f: {  	s16 =	simm.s32 $0x1480;
	[sflag:s30] =	ssyncadd.s32 $0xFFFFE000  }
0x110: {  	[spmem:s3] =	stream.indirect.scatter.add.f32 [tilespmem:s28], [sflag:$0x4], $0x40, s16, s25, $0xb8;
	[tilespmem:$0x1F880] =	vst v63  }
0x111: {  	_ =	swait.ge [sflag:s31], $0x2000  }
0x112: {  	[sflag:s31] =	ssyncset.done $0x0  }
0x113: {  	s17 =	simm.s32 $0x100;
	[sflag:s31] =	ssyncadd.s32 $0xFFFFE000  }
0x114: {  	[tilespmem:s26], [sflag:$0x1] =	stream.indirect.gather [hbm4b:s8+s25], $0x40, s17, s25, $0xb8;
	[tilespmem:$0x1F880] =	vst v63  }
0x115: {  	_ =	swait.ge [sflag:s23], $0x2000  }
0x116: {  	[sflag:s23] =	ssyncset.done $0x0  }
0x117: {  	s14 =	simm.s32 $0x400;
	s15 =	simm.s32 $0x180;
	[sflag:s23] =	ssyncadd.s32 $0xFFFFE000  }
.LBB2_8:
0x118: {  	[tilespmem:s28], [sflag:$0x2] =	stream.indirect.gather [hbm4b:s8+s25], $0x40, s15, s25, $0xb8;
	[tilespmem:$0x1F880] =	vst v63  }
0x119: {  	s15 =	smov.u32 s14  }
0x11a: {  	p0 =	sne.s32 s14, $0x4800;
	s14 =	sadd.s32 $0x400, s14;
	_ =	swait.ge [sflag:s29], $0x2000  }
0x11b: {  	s15 =	sshra.s32 s15, $0x2;
	[sflag:s29] =	ssyncset.done $0x0  }
0x11c: {  	s16 =	sadd.s32 $0x1400, s15;
	[sflag:s29] =	ssyncadd.s32 $0xFFFFE000  }
0x11d: {  	[spmem:s3] =	stream.indirect.scatter.add.f32 [tilespmem:s26], [sflag:$0x3], $0x40, s16, s25, $0xb8;
	[tilespmem:$0x1F880] =	vst v63  }
0x11e: {  	_ =	swait.ge [sflag:s30], $0x2000  }
0x11f: {  	[sflag:s30] =	ssyncset.done $0x0  }
0x120: {  	s16 =	sadd.s32 $0x1480, s15;
	[sflag:s30] =	ssyncadd.s32 $0xFFFFE000  }
0x121: {  	[spmem:s3] =	stream.indirect.scatter.add.f32 [tilespmem:s28], [sflag:$0x4], $0x40, s16, s25, $0xb8;
	[tilespmem:$0x1F880] =	vst v63  }
0x122: {  	_ =	swait.ge [sflag:s31], $0x2000  }
0x123: {  	[sflag:s31] =	ssyncset.done $0x0  }
.Ltmp3:
0x124: {  	s16 =	sadd.s32 $0x100, s15;
	[sflag:s31] =	ssyncadd.s32 $0xFFFFE000;
	(pc) =	sbr.rel @p0 .LBB2_8-.Ltmp3, $4  }
0x125: {  	[tilespmem:s26], [sflag:$0x1] =	stream.indirect.gather [hbm4b:s8+s25], $0x40, s16, s25, $0xb8;
	[tilespmem:$0x1F880] =	vst v63  }
0x126: {  	_ =	swait.ge [sflag:s23], $0x2000  }
0x127: {  	[sflag:s23] =	ssyncset.done $0x0  }
0x128: {  	s15 =	sadd.s32 $0x180, s15;
	[sflag:s23] =	ssyncadd.s32 $0xFFFFE000  }
0x129: {  	[tilespmem:s28], [sflag:$0x2] =	stream.indirect.gather [hbm4b:s8+s25], $0x40, s15, s25, $0xb8;
	[tilespmem:$0x1F880] =	vst v63  }
0x12a: {  	_ =	swait.ge [sflag:s29], $0x2000  }
0x12b: {  	[sflag:s29] =	ssyncset.done $0x0  }
0x12c: {  	[sflag:s29] =	ssyncadd.s32 $0xFFFFE000  }
0x12d: {  	[spmem:s3] =	stream.indirect.scatter.add.f32 [tilespmem:s26], [sflag:$0x3], $0x40, s0, s25, $0xb8;
	[tilespmem:$0x1F880] =	vst v63  }
0x12e: {  	_ =	swait.ge [sflag:s30], $0x2000  }
0x12f: {  	[sflag:s30] =	ssyncset.done $0x0  }
0x130: {  	[sflag:s30] =	ssyncadd.s32 $0xFFFFE000  }
0x131: {  	[spmem:s3] =	stream.indirect.scatter.add.f32 [tilespmem:s28], [sflag:$0x4], $0x40, s9, s25, $0xb8;
	[tilespmem:$0x1F880] =	vst v63  }
0x132: {  	_ =	swait.ge [sflag:s31], $0x2000  }
0x133: {  	[sflag:s31] =	ssyncset.done $0x0  }
0x134: {  	[sflag:s31] =	ssyncadd.s32 $0xFFFFE000  }
0x135: {  	_ =	swait.ge [sflag:s23], $0x2000  }
0x136: {  	s11 =	sadd.s32 $0x1, s11;
	[sflag:s23] =	ssyncset.done $0x0  }
0x137: {  	p0 =	sne.s32 s11, s21;
	[sflag:s23] =	ssyncadd.s32 $0xFFFFE000  }
.Ltmp4:
0x138: {  	[bflag:$0x0] =	sbarrier.arrive $0xFFFF;
	(pc) =	sbr.rel @p0 .LBB2_1-.Ltmp4, $4  }
0x139: {  	[hbm:s20], [sflag:s12] =	dma.local [spmem:s13], $0x2740  }
0x13a: {  	_ =	swait.ge [sflag:s22], $0x2740  }
0x13b: {  	[sflag:s22] =	ssyncset.done $0x0  }
0x13c: {  	[sflag:s22] =	ssyncadd.s32 $0xFFFFD8C0  }
0x13d: {  	_ =	sfence.sel $0x180000  }
0x13e: {  	[bflag:$0x0] =	sbarrier.arrive $0xFFFF  }
0x13f: {  	_ =	strace $0x90000047  }
0x140: {  	s0 =	stileid.u32;
	[bflag:$0x2] =	sbarrier.arrive $0xFFFF  }
0x141: {  	p0 =	sne.s32 s0, $0x0;
	s0 =	rddreg [dreg:$0x4]  }
0x142: {  	s0 =	sadd.s32 @!p0 $0x100000, s0  }
0x143: {  	[sflag:s0] =	ssyncadd.tile.s32 @!p0 $0x1;
	_ =	shalt  }
.Lfunc_end2:
_tile_overlayer_lowered:
.L_overlay_start_2:
0x144: {  	(tag) =	ssettag $0x2  }
0x145: {  	s0 =	rddreg [dreg:$0x0];
	s2 =	stileid.u32  }
0x146: {  	s1 =	rddreg [dreg:$0x1];
	p0 =	sne.s32 s2, $0x0  }
0x147: {  	s3 =	rddreg [dreg:$0x2];
	[bflag:$0x3] =	sbarrier.arrive $0xFFFF;
	s2 =	simm.s32 @!p0 $0x1C06  }
0x148: {  	[timem:s3], [sflag:s2] =	dma.local @!p0 [hbm:s0], s1  }
0x149: {  	s0 =	simm.s32 @!p0 $0x6  }
0x14a: {  	_ =	swait.ge @!p0 [sflag:s0], s1  }
0x14b: {  	s1 =	ssub.s32 @!p0 $0x0, s1;
	[sflag:s0] =	ssyncset.done @!p0 $0x0  }
0x14c: {  	[sflag:s0] =	ssyncadd.s32 @!p0 s1  }
0x14d: {  	[bflag:$0x3] =	sbarrier.arrive $0xFFFF  }
0x14e: {  	_ =	shalt  }

// kernel: kernel.9.cloned.1.call-start
scs
__scs_entry_jumppad:
0x0: {  	(pc) =	sbr.rel $0x88, $3  }
0x1: {  	(tag) =	ssettag $0x0;
	lr =	simm.s32 $0x1  }
0x2: {  	[smem:$0x3F98] =	sst lr;
	_ =	strace $0xD0000000  }
0x3: {  	_ = 	snop  }
0x4: {  	_ = 	snop  }
0x5: {  	_ = 	snop  }
0x6: {  	_ = 	snop  }
0x7: {  	_ = 	snop  }
__scs_overlays_trampoline_lowered:
0x8: {  	[smem:$0x3FA7] =	sst s0  }
0x9: {  	[smem:$0x3FA8] =	sst s1  }
0xa: {  	[smem:$0x3FA9] =	sst s2  }
0xb: {  	[smem:$0x3FAA] =	sst s3  }
0xc: {  	[smem:$0x3FAB] =	sst s4  }
0xd: {  	[smem:$0x3FAC] =	sst s5  }
0xe: {  	[smem:$0x3FAD] =	sst s6  }
0xf: {  	[smem:$0x3FAE] =	sst s7  }
0x10: {  	[smem:$0x3FAF] =	sst s8  }
0x11: {  	[smem:$0x3FB0] =	sst s9;
	s0 =	simm.s32 @!p0 $0x0  }
0x12: {  	s1 =	sld [smem:$0x3F96];
	s0 =	simm.s32 @p0 $0x1  }
0x13: {  	[smem:$0x3FB1] =	sst s0;
	s0 =	simm.s32 @!p1 $0x0  }
0x14: {  	s2 =	sld [smem:$0x3F95];
	s0 =	simm.s32 @p1 $0x1  }
0x15: {  	[smem:$0x3FB2] =	sst s0;
	s0 =	simm.s32 @!p2 $0x0  }
0x16: {  	s3 =	sld [smem:$0x3FDB];
	s0 =	simm.s32 @p2 $0x1  }
0x17: {  	s4 =	simm.s32 $0x1BF5;
	[smem:$0x3FB4] =	sst s0  }
0x18: {  	s0 =	sld [smem:$0x3F97];
	_ =	swait.ge [sflag:s4], $0x0  }
0x19: {  	s7 =	sld [smem:$0x3F98]  }
0x1a: {  	s8 =	sadd.s32 $0xFFFFE003, lr  }
0x1b: {  	s9 =	sadd.s32 $0xFFFFFEF7, lr;
	s5 =	simm.s32 $0xFFFFFFFF;
	p2 =	slt.u32 s8, $0xFFFFF086  }
0x1c: {  	p1 =	slt.u32 s9, $0xF7A;
	s5 =	simm.s32 @!p2 $0x0  }
0x1d: {  	s5 =	simm.s32 @p1 $0x1;
	p0 =	seq.s32 s7, s2  }
0x1e: {  	s7 =	smul.u32 @!p0 $0xF7A, s2;
	p2 =	seq.s32 @!p0 s5, $0x0  }
0x1f: {  	s9 =	smul.u32 $0xF7A, s1;
	s8 =	simm.s32 @!p0 $0x1BF5;
	p2 =	por !p2, p0  }
0x20: {  	[sflag:s8] =	ssyncset.s32 @!p0 $0xFFFFF086;
	s6 =	sadd.s32 @!p0 s3, s7;
	s7 =	simm.s32 @!p0 $0x108  }
0x21: {  	s3 =	sadd.s32 s3, s9;
	s6 =	sadd.s32 @!p0 $0x88, s6;
	s7 =	simm.s32 @p2 $0x1082  }
0x22: {  	[simem:s7], [sflag:s8] =	dma.local @!p0 [hbm:s6], $0xF7A  }
0x23: {  	s9 =	sor.u32 $0xD0000000, s2;
	s6 =	simm.s32 $0x108;
	_ =	swait.ge @!p0 [sflag:s8], $0x0  }
0x24: {  	s3 =	sadd.s32 $0x88, s3;
	s6 =	simm.s32 @!p1 $0x1082;
	[sflag:s4] =	ssyncset.s32 $0xFFFFF086  }
0x25: {  	[simem:s6], [sflag:s4] =	dma.local [hbm:s3], $0xF7A  }
0x26: {  	[smem:$0x3F98] =	sst s1;
	(tag) =	ssettag s2;
	_ =	strace s9  }
0x27: {  	s1 =	sld [smem:$0x3FA8]  }
0x28: {  	s2 =	sld [smem:$0x3FA9]  }
0x29: {  	s4 =	sld [smem:$0x3FAB]  }
0x2a: {  	p0 =	seq.s32 s5, $0x0;
	s5 =	sld [smem:$0x3FAC]  }
0x2b: {  	s6 =	sld [smem:$0x3FAD]  }
0x2c: {  	s7 =	sld [smem:$0x3FAE]  }
0x2d: {  	s3 =	simm.s32 $0x108;
	s8 =	sld [smem:$0x3FAF]  }
0x2e: {  	s3 =	simm.s32 @!p0 $0x1082;
	s9 =	sld [smem:$0x3FB0]  }
0x2f: {  	lr =	sadd.s32 s0, s3;
	s0 =	sld [smem:$0x3FA7]  }
0x30: {  	s3 =	sld [smem:$0x3FAA]  }
0x31: {  	[smem:$0x3FB3] =	sst s10  }
0x32: {  	s10 =	sld [smem:$0x3FB1];
	_ =	sdelay $0x3  }
0x33: {  	p0 =	seq.s32 s10, $0x1;
	s10 =	sld [smem:$0x3FB3];
	_ =	sdelay $0x3  }
0x34: {  	[smem:$0x3FB3] =	sst s10  }
0x35: {  	s10 =	sld [smem:$0x3FB2];
	_ =	sdelay $0x3  }
0x36: {  	p1 =	seq.s32 s10, $0x1;
	s10 =	sld [smem:$0x3FB3];
	_ =	sdelay $0x3  }
0x37: {  	[smem:$0x3FB3] =	sst s10  }
0x38: {  	s10 =	sld [smem:$0x3FB4]  }
0x39: {  	_ = 	snop;
	(pc) =	sbr.ind lr, $3  }
0x3a: {  	_ = 	snop  }
0x3b: {  	_ = 	snop  }
0x3c: {  	p2 =	seq.s32 s10, $0x1;
	s10 =	sld [smem:$0x3FB3]  }
0x3d: {  	_ =	shalt  }
0x3e: {  	_ =	shalt  }
0x3f: {  	_ =	shalt  }
0x40: {  	_ =	shalt  }
0x41: {  	_ =	shalt  }
0x42: {  	_ =	shalt  }
0x43: {  	_ =	shalt  }
0x44: {  	_ =	shalt  }
0x45: {  	_ =	shalt  }
0x46: {  	_ =	shalt  }
0x47: {  	_ =	shalt  }
0x48: {  	_ =	shalt  }
0x49: {  	_ =	shalt  }
0x4a: {  	_ =	shalt  }
0x4b: {  	_ =	shalt  }
0x4c: {  	_ =	shalt  }
0x4d: {  	_ =	shalt  }
0x4e: {  	_ =	shalt  }
0x4f: {  	_ =	shalt  }
0x50: {  	_ =	shalt  }
0x51: {  	_ =	shalt  }
0x52: {  	_ =	shalt  }
0x53: {  	_ =	shalt  }
0x54: {  	_ =	shalt  }
0x55: {  	_ =	shalt  }
0x56: {  	_ =	shalt  }
0x57: {  	_ =	shalt  }
0x58: {  	_ =	shalt  }
0x59: {  	_ =	shalt  }
0x5a: {  	_ =	shalt  }
0x5b: {  	_ =	shalt  }
0x5c: {  	_ =	shalt  }
0x5d: {  	_ =	shalt  }
0x5e: {  	_ =	shalt  }
0x5f: {  	_ =	shalt  }
0x60: {  	_ =	shalt  }
0x61: {  	_ =	shalt  }
0x62: {  	_ =	shalt  }
0x63: {  	_ =	shalt  }
0x64: {  	_ =	shalt  }
0x65: {  	_ =	shalt  }
0x66: {  	_ =	shalt  }
0x67: {  	_ =	shalt  }
0x68: {  	_ =	shalt  }
0x69: {  	_ =	shalt  }
0x6a: {  	_ =	shalt  }
0x6b: {  	_ =	shalt  }
0x6c: {  	_ =	shalt  }
0x6d: {  	_ =	shalt  }
0x6e: {  	_ =	shalt  }
0x6f: {  	_ =	shalt  }
0x70: {  	_ =	shalt  }
0x71: {  	_ =	shalt  }
0x72: {  	_ =	shalt  }
0x73: {  	_ =	shalt  }
0x74: {  	_ =	shalt  }
0x75: {  	_ =	shalt  }
0x76: {  	_ =	shalt  }
0x77: {  	_ =	shalt  }
0x78: {  	_ =	shalt  }
0x79: {  	_ =	shalt  }
0x7a: {  	_ =	shalt  }
0x7b: {  	_ =	shalt  }
0x7c: {  	_ =	shalt  }
0x7d: {  	_ =	shalt  }
0x7e: {  	_ =	shalt  }
0x7f: {  	_ =	shalt  }
0x80: {  	_ =	shalt  }
0x81: {  	_ =	shalt  }
0x82: {  	_ =	shalt  }
0x83: {  	_ =	shalt  }
0x84: {  	_ =	shalt  }
0x85: {  	_ =	shalt  }
0x86: {  	_ =	shalt  }
0x87: {  	_ =	shalt  }
.Lfunc_end0:
.L_simem_size_0:
called_computation.1_lowered:
.L_overlay_start_0:
0x88: {  	s2 =	sld [smem:$0x3FD9]  }
0x89: {  	s3 =	sld [smem:$0x3FFE];
	_ =	sdelay $0x1  }
0x8a: {  	s1 =	srdreg.scid  }
0x8b: {  	s0 =	sand.u32 $0x1, s1  }
0x8c: {  	s17 =	sshll.u32 s0, $0xA;
	s2 =	sadd.s32 s3, s2  }
0x8d: {  	s2 =	sadd.s32 s2, s17  }
0x8e: {  	[smem:$0x3FBF] =	sst s2  }
0x8f: {  	_ = 	snop  }
0x90: {  	s2 =	sld [smem:$0x3FD0];
	(tm) =	ssettm $0x1  }
0x91: {  	s18 =	sld [smem:$0x3FFB];
	_ =	sdelay $0x3  }
0x92: {  	_ =	strace s18  }
0x93: {  	s3 =	sld [smem:$0x3FFC];
	_ =	sdelay $0x3  }
0x94: {  	_ =	strace s3  }
0x95: {  	s3 =	sld [smem:$0x3FFD];
	_ =	sdelay $0x3  }
0x96: {  	_ =	strace s3  }
0x97: {  	_ =	strace $0x8FFFFFFF  }
0x98: {  	s19 =	sld [smem:$0x3FDB];
	_ =	sdelay $0x1  }
0x99: {  	s4 =	simm.s32 $_scs_section_size  }
0x9a: {  	s5 =	simm.s32 $_size__tile_overlayer_lowered;
	s6 =	simm.s32 $_tile_overlayer_lowered  }
0x9b: {  	s22 =	simm.s32 $0x1BFF;
	s21 =	sshll.u32 s6, $0x1;
	s3 =	sadd.s32 s4, s19  }
0x9c: {  	s7 =	simm.s32 $0x0;
	s20 =	sshll.u32 s5, $0x1;
	s5 =	sadd.s32 s21, s3  }
0x9d: {  	[timem:s7], [sflag:s22] =	dma.local [hbm:s5], s20  }
0x9e: {  	_ =	swait.ge [sflag:s22], s20  }
0x9f: {  	s4 =	ssub.s32 $0x0, s20;
	[sflag:s22] =	ssyncset.done $0x0  }
0xa0: {  	[sflag:s22] =	ssyncadd.s32 s4;
	_ =	sdelay $0x1  }
0xa1: {  	s23 =	simm.s32 $0x1B8B  }
0xa2: {  	_ =	swait.ge [sflag:s23], $0x1  }
0xa3: {  	[sflag:s23] =	ssyncset.done $0x0  }
0xa4: {  	s25 =	simm.s32 $0x1B8E;
	s24 =	sld [smem:$0x3FFE];
	[sflag:s23] =	ssyncadd.s32 $0xFFFFFFFF  }
0xa5: {  	s26 =	simm.s32 $execute0_lowered;
	[smem:$0x3FD2] =	sst s25  }
0xa6: {  	s5 =	sshll.u32 s26, $0x1;
	_ =	strace $0x80000049;
	[dreg:$0x1] =	wrdreg $0xFFFFFFFF  }
0xa7: {  	s28 =	simm.s32 $_size_execute0_lowered;
	s3 =	sadd.s32 s3, s5;
	[dreg:$0x0] =	wrdreg $0x0  }
0xa8: {  	s5 =	sshll.u32 s28, $0x1;
	[dreg:$0x2] =	wrdreg s3  }
0xa9: {  	[dreg:$0x3] =	wrdreg s5  }
0xaa: {  	[dreg:$0x4] =	wrdreg $0xC0  }
0xab: {  	_ =	task [dreg:s7], $0x5FFFF  }
0xac: {  	[dreg:$0x1] =	wrdreg $0xFFFFFFFF  }
0xad: {  	[dreg:$0x0] =	wrdreg $0x60  }
0xae: {  	[dreg:$0x2] =	wrdreg s24  }
0xaf: {  	[dreg:$0x3] =	wrdreg s2  }
0xb0: {  	[dreg:$0x4] =	wrdreg $0xA8000  }
0xb1: {  	[dreg:$0x5] =	wrdreg $0x9  }
0xb2: {  	_ =	task.clear_ibuf [dreg:s7], $0x6FFFF;
	_ =	strace $0x90000049  }
0xb3: {  	s29 =	simm.s32 $0x9;
	_ =	strace $0x8000004B  }
0xb4: {  	_ =	swait.ge [sflag:s29], $0x1  }
0xb5: {  	[sflag:s29] =	ssyncadd.s32 $0xFFFFFFFF  }
0xb6: {  	_ =	strace $0x9000004B  }
0xb7: {  	_ =	sfence  }
0xb8: {  	s30 =	sld [smem:$0x0];
	_ =	sdelay $0x2  }
0xb9: {  	s31 =	sshll.u32 s1, $0xD;
	s1 =	sshrl.u32 s1, $0x2  }
0xba: {  	s3 =	sand.u32 $0x4000, s31;
	s1 =	sadd.s32 s1, s30  }
0xbb: {  	s0 =	sor.u32 s3, s0;
	s1 =	sshll.u32 s1, $0x11  }
0xbc: {  	s0 =	sor.u32 s1, s0  }
0xbd: {  	s0 =	sadd.s32 $0x8F2B, s0  }
0xbe: {  	[sflag:s0] =	ssyncadd.remote.s32 $0x1  }
0xbf: {  	_ =	sfence.sel $0xFFFF  }
0xc0: {  	[dreg:$0x0] =	wrdreg $0xFFFFFFFF;
	(pc) =	sbr.abs _section_cstart, $3  }
0xc1: {  	[dreg:$0x1] =	wrdreg $0xFFFFFFFF  }
0xc2: {  	_ =	task.clear_ibuf [dreg:s7], $0x2FFFF;
	_ =	strace $0x9FFFFFFF  }
0xc3: {  	(tm) =	ssettm $0x7FFFFFFF  }
tec
execute0_lowered:
.L_overlay_start_1:
0x0: {  	(tag) =	ssettag $0x1  }
0x1: {  	s7 =	rddreg [dreg:$0x0]  }
0x2: {  	s1 =	rddreg [dreg:$0x1]  }
0x3: {  	s2 =	rddreg [dreg:$0x2]  }
0x4: {  	s0 =	rddreg [dreg:$0x3];
	s4 =	simm.s32 $0x0  }
0x5: {  	s5 =	srdreg.scid;
	s3 =	stileid.u32;
	s16 =	simm.s32 $0x80  }
0x6: {  	s17 =	simm.s32 $0x2800;
	s18 =	simm.s32 $0x6800;
	s19 =	simm.s32 $0x1  }
0x7: {  	s20 =	simm.s32 $0x2;
	s21 =	simm.s32 $0x3;
	s22 =	simm.s32 $0x4  }
0x8: {  	s23 =	simm.s32 $0x2700;
	s24 =	simm.s32 $0x2780;
	s25 =	simm.s32 $0x0  }
0x9: {  	[smem:$0x7FF] =	sst s4;
	s8 =	sand.u32 $0x1, s5;
	s29 =	sshll.u32 s3, $0x1  }
0xa: {  	s9 =	smul.u32 $0x278, s3;
	s5 =	sadd.s32 $0x96400, s7;
	s6 =	sadd.s32 $0x47C00, s7  }
0xb: {  	s30 =	smul.u32 $0x4F000, s3;
	s14 =	sshll.u32 s3, $0x6;
	_ =	strace $0x8000004A  }
0xc: {  	s10 =	sor.u32 s8, s29;
	s11 =	smul.u32 $0x4F00, s8;
	s8 =	ssub.s32 $0x2, s8  }
0xd: {  	s14 =	sor.u32 $0x1C05, s14;
	s10 =	smul.u32 $0x280, s10;
	s12 =	sshrl.u32 s8, $0x1  }
0xe: {  	s31 =	sshrl.u32 s30, $0x2;
	s9 =	sadd.s32 s9, s11;
	s12 =	ssub.s32 s8, s12  }
0xf: {  	s15 =	sadd.s32 s31, s2;
	s10 =	sadd.s32 s10, s7;
	s9 =	sshll.u32 s9, $0x4  }
0x10: {  	s11 =	smax.u32 s12, $0x1;
	s12 =	simm.s32 $0x5;
	s15 =	sshrl.u32 s15, $0x3  }
0x11: {  	s13 =	sadd.s32 s9, s7;
	s7 =	sadd.s32 $0x3DC00, s10;
	s8 =	sadd.s32 $0x42C00, s10  }
0x12: {  	s9 =	sadd.s32 $0xE4C00, s13;
	s10 =	sadd.s32 $0x10C400, s13;
	s13 =	simm.s32 $0x1400  }
.LBB2_1:
0x13: {  	[tilespmem:s4], [sflag:$0x5] =	stream.linear.gather [hbm4b:s7+s4], $0x1400, $0x38;
	[tilespmem:$0x1E400] =	vst v63  }
0x14: {  	_ =	swait.ge [sflag:s12], $0x1400  }
0x15: {  	[sflag:s12] =	ssyncset.done $0x0  }
0x16: {  	[sflag:s12] =	ssyncadd.s32 $0xFFFFEC00  }
0x17: {  	[tilespmem:s13], [sflag:$0x5] =	stream.linear.gather [hbm4b:s8+s4], $0x1400, $0x38;
	[tilespmem:$0x1E400] =	vst v63  }
0x18: {  	_ =	swait.ge [sflag:s12], $0x1400  }
0x19: {  	[sflag:s12] =	ssyncset.done $0x0  }
0x1a: {  	[sflag:s12] =	ssyncadd.s32 $0xFFFFEC00  }
0x1b: {  	[spmem:s15], [sflag:s14] =	dma.local [hbm:s1], $0x2780  }
0x1c: {  	_ =	swait.ge [sflag:s12], $0x2780  }
0x1d: {  	[sflag:s12] =	ssyncset.done $0x0  }
0x1e: {  	[sflag:s12] =	ssyncadd.s32 $0xFFFFD880  }
0x1f: {  	[bflag:$0x0] =	sbarrier.arrive $0xFFFF  }
0x20: {  	[tilespmem:s17], [sflag:$0x1] =	stream.indirect.gather [hbm4b:s5+s16], $0x80, s4, s16, $0xb8;
	[tilespmem:$0x1E400] =	vst v63  }
0x21: {  	_ = 	snop  }
0x22: {  	[tilespmem:s18], [sflag:$0x2] =	stream.indirect.gather [hbm4b:s5+s16], $0x80, s16, s16, $0xb8;
	[tilespmem:$0x1E400] =	vst v63  }
0x23: {  	_ =	swait.ge [sflag:s19], $0x4000  }
0x24: {  	[sflag:s19] =	ssyncset.done $0x0  }
0x25: {  	s26 =	simm.s32 $0x1400;
	[sflag:s19] =	ssyncadd.s32 $0xFFFFC000  }
0x26: {  	[spmem:s2] =	stream.indirect.scatter.add.f32 [tilespmem:s17], [sflag:$0x3], $0x80, s26, s16, $0xb8;
	[tilespmem:$0x1E400] =	vst v63  }
0x27: {  	_ =	swait.ge [sflag:s20], $0x4000  }
0x28: {  	[sflag:s20] =	ssyncset.done $0x0  }
0x29: {  	s30 =	simm.s32 $0x1480;
	[sflag:s20] =	ssyncadd.s32 $0xFFFFC000  }
0x2a: {  	[spmem:s2] =	stream.indirect.scatter.add.f32 [tilespmem:s18], [sflag:$0x4], $0x80, s30, s16, $0xb8;
	[tilespmem:$0x1E400] =	vst v63  }
0x2b: {  	_ =	swait.ge [sflag:s21], $0x4000  }
0x2c: {  	[sflag:s21] =	ssyncset.done $0x0  }
0x2d: {  	s31 =	simm.s32 $0x100;
	[sflag:s21] =	ssyncadd.s32 $0xFFFFC000  }
0x2e: {  	[tilespmem:s17], [sflag:$0x1] =	stream.indirect.gather [hbm4b:s5+s16], $0x80, s31, s16, $0xb8;
	[tilespmem:$0x1E400] =	vst v63  }
0x2f: {  	_ =	swait.ge [sflag:s22], $0x4000  }
0x30: {  	[sflag:s22] =	ssyncset.done $0x0  }
0x31: {  	s28 =	simm.s32 $0x180;
	s26 =	simm.s32 $0x400;
	[sflag:s22] =	ssyncadd.s32 $0xFFFFC000  }
.LBB2_2:
0x32: {  	[tilespmem:s18], [sflag:$0x2] =	stream.indirect.gather [hbm4b:s5+s16], $0x80, s28, s16, $0xb8;
	[tilespmem:$0x1E400] =	vst v63  }
0x33: {  	s28 =	smov.u32 s26  }
0x34: {  	p0 =	sne.s32 s26, $0x4800;
	s26 =	sadd.s32 $0x400, s26;
	_ =	swait.ge [sflag:s19], $0x4000  }
0x35: {  	s28 =	sshra.s32 s28, $0x2;
	[sflag:s19] =	ssyncset.done $0x0  }
0x36: {  	s29 =	sadd.s32 $0x1400, s28;
	[sflag:s19] =	ssyncadd.s32 $0xFFFFC000  }
0x37: {  	[spmem:s2] =	stream.indirect.scatter.add.f32 [tilespmem:s17], [sflag:$0x3], $0x80, s29, s16, $0xb8;
	[tilespmem:$0x1E400] =	vst v63  }
0x38: {  	_ =	swait.ge [sflag:s20], $0x4000  }
0x39: {  	[sflag:s20] =	ssyncset.done $0x0  }
0x3a: {  	s29 =	sadd.s32 $0x1480, s28;
	[sflag:s20] =	ssyncadd.s32 $0xFFFFC000  }
0x3b: {  	[spmem:s2] =	stream.indirect.scatter.add.f32 [tilespmem:s18], [sflag:$0x4], $0x80, s29, s16, $0xb8;
	[tilespmem:$0x1E400] =	vst v63  }
0x3c: {  	_ =	swait.ge [sflag:s21], $0x4000  }
0x3d: {  	[sflag:s21] =	ssyncset.done $0x0  }
.Ltmp0:
0x3e: {  	s29 =	sadd.s32 $0x100, s28;
	[sflag:s21] =	ssyncadd.s32 $0xFFFFC000;
	(pc) =	sbr.rel @p0 .LBB2_2-.Ltmp0, $4  }
0x3f: {  	[tilespmem:s17], [sflag:$0x1] =	stream.indirect.gather [hbm4b:s5+s16], $0x80, s29, s16, $0xb8;
	[tilespmem:$0x1E400] =	vst v63  }
0x40: {  	_ =	swait.ge [sflag:s22], $0x4000  }
0x41: {  	[sflag:s22] =	ssyncset.done $0x0  }
0x42: {  	s28 =	sadd.s32 $0x180, s28;
	[sflag:s22] =	ssyncadd.s32 $0xFFFFC000  }
0x43: {  	[tilespmem:s18], [sflag:$0x2] =	stream.indirect.gather [hbm4b:s5+s16], $0x80, s28, s16, $0xb8;
	[tilespmem:$0x1E400] =	vst v63  }
0x44: {  	_ =	swait.ge [sflag:s19], $0x4000  }
0x45: {  	[sflag:s19] =	ssyncset.done $0x0  }
0x46: {  	[sflag:s19] =	ssyncadd.s32 $0xFFFFC000  }
0x47: {  	[spmem:s2] =	stream.indirect.scatter.add.f32 [tilespmem:s17], [sflag:$0x3], $0x80, s23, s16, $0xb8;
	[tilespmem:$0x1E400] =	vst v63  }
0x48: {  	_ =	swait.ge [sflag:s20], $0x4000  }
0x49: {  	[sflag:s20] =	ssyncset.done $0x0  }
0x4a: {  	[sflag:s20] =	ssyncadd.s32 $0xFFFFC000  }
0x4b: {  	[spmem:s2] =	stream.indirect.scatter.add.f32 [tilespmem:s18], [sflag:$0x4], $0x80, s24, s16, $0xb8;
	[tilespmem:$0x1E400] =	vst v63  }
0x4c: {  	_ =	swait.ge [sflag:s21], $0x4000  }
0x4d: {  	[sflag:s21] =	ssyncset.done $0x0  }
0x4e: {  	[sflag:s21] =	ssyncadd.s32 $0xFFFFC000  }
0x4f: {  	_ =	swait.ge [sflag:s22], $0x4000  }
0x50: {  	[sflag:s22] =	ssyncset.done $0x0  }
0x51: {  	[sflag:s22] =	ssyncadd.s32 $0xFFFFC000  }
0x52: {  	[bflag:$0x0] =	sbarrier.arrive $0xFFFF  }
0x53: {  	[hbm:s9], [sflag:s14] =	dma.local [spmem:s15], $0x2780  }
0x54: {  	_ =	swait.ge [sflag:s12], $0x2780  }
0x55: {  	[sflag:s12] =	ssyncset.done $0x0  }
0x56: {  	[sflag:s12] =	ssyncadd.s32 $0xFFFFD880  }
0x57: {  	[spmem:s15], [sflag:s14] =	dma.local [hbm:s1], $0x2780  }
0x58: {  	_ =	swait.ge [sflag:s12], $0x2780  }
0x59: {  	[sflag:s12] =	ssyncset.done $0x0  }
0x5a: {  	[sflag:s12] =	ssyncadd.s32 $0xFFFFD880  }
0x5b: {  	s26 =	simm.s32 $0x0;
	[bflag:$0x0] =	sbarrier.arrive $0xFFFF  }
0x5c: {  	[tilespmem:s17], [sflag:$0x1] =	stream.indirect.gather [hbm4b:s6+s16], $0x80, s26, s16, $0xb8;
	[tilespmem:$0x1E400] =	vst v63  }
0x5d: {  	_ = 	snop  }
0x5e: {  	[tilespmem:s18], [sflag:$0x2] =	stream.indirect.gather [hbm4b:s6+s16], $0x80, s16, s16, $0xb8;
	[tilespmem:$0x1E400] =	vst v63  }
0x5f: {  	_ =	swait.ge [sflag:s19], $0x4000  }
0x60: {  	[sflag:s19] =	ssyncset.done $0x0  }
0x61: {  	s29 =	simm.s32 $0x1400;
	[sflag:s19] =	ssyncadd.s32 $0xFFFFC000  }
0x62: {  	[spmem:s2] =	stream.indirect.scatter.add.f32 [tilespmem:s17], [sflag:$0x3], $0x80, s29, s16, $0xb8;
	[tilespmem:$0x1E400] =	vst v63  }
0x63: {  	_ =	swait.ge [sflag:s20], $0x4000  }
0x64: {  	[sflag:s20] =	ssyncset.done $0x0  }
0x65: {  	s30 =	simm.s32 $0x1480;
	[sflag:s20] =	ssyncadd.s32 $0xFFFFC000  }
0x66: {  	[spmem:s2] =	stream.indirect.scatter.add.f32 [tilespmem:s18], [sflag:$0x4], $0x80, s30, s16, $0xb8;
	[tilespmem:$0x1E400] =	vst v63  }
0x67: {  	_ =	swait.ge [sflag:s21], $0x4000  }
0x68: {  	[sflag:s21] =	ssyncset.done $0x0  }
0x69: {  	s31 =	simm.s32 $0x100;
	[sflag:s21] =	ssyncadd.s32 $0xFFFFC000  }
0x6a: {  	[tilespmem:s17], [sflag:$0x1] =	stream.indirect.gather [hbm4b:s6+s16], $0x80, s31, s16, $0xb8;
	[tilespmem:$0x1E400] =	vst v63  }
0x6b: {  	_ =	swait.ge [sflag:s22], $0x4000  }
0x6c: {  	[sflag:s22] =	ssyncset.done $0x0  }
0x6d: {  	s28 =	simm.s32 $0x180;
	s26 =	simm.s32 $0x400;
	[sflag:s22] =	ssyncadd.s32 $0xFFFFC000  }
.LBB2_4:
0x6e: {  	[tilespmem:s18], [sflag:$0x2] =	stream.indirect.gather [hbm4b:s6+s16], $0x80, s28, s16, $0xb8;
	[tilespmem:$0x1E400] =	vst v63  }
0x6f: {  	s28 =	smov.u32 s26  }
0x70: {  	p0 =	sne.s32 s26, $0x4800;
	s26 =	sadd.s32 $0x400, s26;
	_ =	swait.ge [sflag:s19], $0x4000  }
0x71: {  	s28 =	sshra.s32 s28, $0x2;
	[sflag:s19] =	ssyncset.done $0x0  }
0x72: {  	s29 =	sadd.s32 $0x1400, s28;
	[sflag:s19] =	ssyncadd.s32 $0xFFFFC000  }
0x73: {  	[spmem:s2] =	stream.indirect.scatter.add.f32 [tilespmem:s17], [sflag:$0x3], $0x80, s29, s16, $0xb8;
	[tilespmem:$0x1E400] =	vst v63  }
0x74: {  	_ =	swait.ge [sflag:s20], $0x4000  }
0x75: {  	[sflag:s20] =	ssyncset.done $0x0  }
0x76: {  	s29 =	sadd.s32 $0x1480, s28;
	[sflag:s20] =	ssyncadd.s32 $0xFFFFC000  }
0x77: {  	[spmem:s2] =	stream.indirect.scatter.add.f32 [tilespmem:s18], [sflag:$0x4], $0x80, s29, s16, $0xb8;
	[tilespmem:$0x1E400] =	vst v63  }
0x78: {  	_ =	swait.ge [sflag:s21], $0x4000  }
0x79: {  	[sflag:s21] =	ssyncset.done $0x0  }
.Ltmp1:
0x7a: {  	s29 =	sadd.s32 $0x100, s28;
	[sflag:s21] =	ssyncadd.s32 $0xFFFFC000;
	(pc) =	sbr.rel @p0 .LBB2_4-.Ltmp1, $4  }
0x7b: {  	[tilespmem:s17], [sflag:$0x1] =	stream.indirect.gather [hbm4b:s6+s16], $0x80, s29, s16, $0xb8;
	[tilespmem:$0x1E400] =	vst v63  }
0x7c: {  	_ =	swait.ge [sflag:s22], $0x4000  }
0x7d: {  	[sflag:s22] =	ssyncset.done $0x0  }
0x7e: {  	s28 =	sadd.s32 $0x180, s28;
	[sflag:s22] =	ssyncadd.s32 $0xFFFFC000  }
0x7f: {  	[tilespmem:s18], [sflag:$0x2] =	stream.indirect.gather [hbm4b:s6+s16], $0x80, s28, s16, $0xb8;
	[tilespmem:$0x1E400] =	vst v63  }
0x80: {  	_ =	swait.ge [sflag:s19], $0x4000  }
0x81: {  	[sflag:s19] =	ssyncset.done $0x0  }
0x82: {  	[sflag:s19] =	ssyncadd.s32 $0xFFFFC000  }
0x83: {  	[spmem:s2] =	stream.indirect.scatter.add.f32 [tilespmem:s17], [sflag:$0x3], $0x80, s23, s16, $0xb8;
	[tilespmem:$0x1E400] =	vst v63  }
0x84: {  	_ =	swait.ge [sflag:s20], $0x4000  }
0x85: {  	[sflag:s20] =	ssyncset.done $0x0  }
0x86: {  	[sflag:s20] =	ssyncadd.s32 $0xFFFFC000  }
0x87: {  	[spmem:s2] =	stream.indirect.scatter.add.f32 [tilespmem:s18], [sflag:$0x4], $0x80, s24, s16, $0xb8;
	[tilespmem:$0x1E400] =	vst v63  }
0x88: {  	_ =	swait.ge [sflag:s21], $0x4000  }
0x89: {  	[sflag:s21] =	ssyncset.done $0x0  }
0x8a: {  	[sflag:s21] =	ssyncadd.s32 $0xFFFFC000  }
0x8b: {  	_ =	swait.ge [sflag:s22], $0x4000  }
0x8c: {  	s25 =	sadd.s32 $0x1, s25;
	[sflag:s22] =	ssyncset.done $0x0  }
0x8d: {  	p0 =	sne.s32 s25, s11;
	[sflag:s22] =	ssyncadd.s32 $0xFFFFC000  }
.Ltmp2:
0x8e: {  	[bflag:$0x0] =	sbarrier.arrive $0xFFFF;
	(pc) =	sbr.rel @p0 .LBB2_1-.Ltmp2, $4  }
0x8f: {  	[hbm:s10], [sflag:s14] =	dma.local [spmem:s15], $0x2780  }
0x90: {  	_ =	swait.ge [sflag:s12], $0x2780  }
0x91: {  	[sflag:s12] =	ssyncset.done $0x0  }
0x92: {  	[sflag:s12] =	ssyncadd.s32 $0xFFFFD880  }
0x93: {  	_ =	sfence.sel $0x180000  }
0x94: {  	[bflag:$0x0] =	sbarrier.arrive $0xFFFF  }
0x95: {  	p0 =	sne.s32 s3, $0x0;
	_ =	strace $0x9000004A  }
0x96: {  	s0 =	sadd.s32 @!p0 $0x100000, s0;
	[bflag:$0x2] =	sbarrier.arrive $0xFFFF  }
0x97: {  	[sflag:s0] =	ssyncadd.tile.s32 @!p0 $0x1;
	_ =	shalt  }
.Lfunc_end2:
_tile_overlayer_lowered:
.L_overlay_start_2:
0x98: {  	(tag) =	ssettag $0x2  }
0x99: {  	s0 =	rddreg [dreg:$0x0];
	s2 =	stileid.u32  }
0x9a: {  	s1 =	rddreg [dreg:$0x1];
	p0 =	sne.s32 s2, $0x0  }
0x9b: {  	s3 =	rddreg [dreg:$0x2];
	[bflag:$0x3] =	sbarrier.arrive $0xFFFF;
	s2 =	simm.s32 @!p0 $0x1C05  }
0x9c: {  	[timem:s3], [sflag:s2] =	dma.local @!p0 [hbm:s0], s1  }
0x9d: {  	s0 =	simm.s32 @!p0 $0x5  }
0x9e: {  	_ =	swait.ge @!p0 [sflag:s0], s1  }
0x9f: {  	s1 =	ssub.s32 @!p0 $0x0, s1;
	[sflag:s0] =	ssyncset.done @!p0 $0x0  }
0xa0: {  	[sflag:s0] =	ssyncadd.s32 @!p0 s1  }
0xa1: {  	[bflag:$0x3] =	sbarrier.arrive $0xFFFF  }
0xa2: {  	_ =	shalt  }

</sc_bundles>
